<compile_context>
chip_gen: v7x
topology: tpu7x:2x2x1
jax: 0.10.2.dev20260603
libtpu: 0.0.44.dev20260713+nightly
codegen_flags: <defaults>
</compile_context>

<pallas_src>
import jax
import jax.numpy as jnp
from jax import lax
from jax.experimental import pallas as pl
from jax.experimental.pallas import tpu as pltpu
from jax.experimental.pallas import tpu_sc as plsc

B = 16384
L = 50
D = 64
N = B * L
VOCAB = 1000000

NW = 32
BB_PER_W = (B // 128) // NW
ITEMS = L * BB_PER_W


def kernel(indices, table):
    tablep = jnp.pad(table, ((0, 0), (0, 128 - D))).reshape(2 * VOCAB, D)
    idx_t = indices.T.astype(jnp.int32) * 2

    mesh = plsc.VectorSubcoreMesh(core_axis_name="core", subcore_axis_name="subcore")

    @pl.kernel(
        out_type=jax.ShapeDtypeStruct((L, 8, 128, 8, 128), table.dtype),
        mesh=mesh,
        scratch_types=[
            pltpu.VMEM((L, 128 * BB_PER_W), jnp.int32),
            pltpu.VMEM((2, 128 * BB_PER_W, D), jnp.float32),
            pltpu.VMEM((4, 8, 8, 128), jnp.float32),
            pltpu.SemaphoreType.DMA,
            pltpu.SemaphoreType.DMA,
            pltpu.SemaphoreType.DMA,
        ],
        compiler_params=pltpu.CompilerParams(
            use_tc_tiling_on_sc=False, needs_layout_passes=False
        ),
    )
    def gather_kernel(tab_hbm, idx_hbm, out_hbm, idxall, rows, tbuf, isem, gsem, wsem):
        wid = lax.axis_index("subcore") * 2 + lax.axis_index("core")
        base_b = wid * (128 * BB_PER_W)
        pltpu.async_copy(idx_hbm.at[:, pl.ds(base_b, 128 * BB_PER_W)], idxall, isem).wait()

        iota = lax.iota(jnp.int32, 16)
        ds_vec = lax.rem(iota, 8)
        db_vecs = [iota // 8 + 2 * k for k in range(4)]

        def fire_gather(l, s):
            return pltpu.async_copy(tab_hbm.at[idxall.at[l]], rows.at[s], gsem)

        def transpose(s, j, tb):
            @plsc.parallel_loop(0, 128, unroll=8)
            def _(bs):
                bs_vec = jnp.full((16,), 0, jnp.int32) + bs
                for k in range(4):
                    v = rows[s, j * 128 + bs, pl.ds(16 * k, 16)]
                    plsc.store_scatter(tbuf.at[tb], [db_vecs[k], ds_vec, bs_vec], v)

        def fire_write(l, j, tb):
            return pltpu.async_copy(
                tbuf.at[tb], out_hbm.at[l, :, wid * BB_PER_W + j], wsem
            )

        def drain_write(l, j):
            pltpu.make_async_copy(
                tbuf.at[j], out_hbm.at[l, :, wid * BB_PER_W + j], wsem
            ).wait()

        def process(l, s):
            for j in range(4):
                @pl.when(l >= 1)
                def _():
                    drain_write(l, j)

                transpose(s, j, j)
                fire_write(l, j, j)

        def wait_gather(l, s):
            pltpu.make_async_copy(tab_hbm.at[idxall.at[l]], rows.at[s], gsem).wait()

        fire_gather(0, 0)
        fire_gather(1, 1)

        @pl.loop(0, L, step=2)
        def _(g):
            wait_gather(g, 0)
            process(g, 0)

            @pl.when(g + 2 < L)
            def _():
                fire_gather(g + 2, 0)

            wait_gather(g + 1, 1)
            process(g + 1, 1)

            @pl.when(g + 3 < L)
            def _():
                fire_gather(g + 3, 1)

        for j in range(4):
            drain_write(L - 1, j)

    out5 = gather_kernel(tablep, idx_t)
    return out5.transpose(2, 4, 0, 1, 3).reshape(B, L, D)

# --- scband reference (transcript-rebuilt; emitter-appended) ---
"""Pipeline reference for scband-word-embedding-49151605735969 (READ-ONLY COPY).

The authoritative reference and input builder live on the scoring server;
editing this copy changes nothing except your own understanding.
"""

import jax, jax.numpy as jnp
import numpy as np

VOCAB = 1000000
N_WORD = 64
B = 16384
L = 50

def setup_inputs(seed: int = 0) -> dict:
    key = jax.random.key(seed)
    k1, k2 = jax.random.split(key)
    indices = jax.random.randint(k1, (B, L), 0, VOCAB, dtype=jnp.int64 if jax.config.jax_enable_x64 else jnp.int32)
    table = jax.random.normal(k2, (VOCAB, N_WORD), dtype=jnp.float32)
    return {"indices": indices, "table": table}

def reference(indices, table):
    # Faithful translation of the trainable branch of str_list_to_batch:
    # val_inp_var = self.embedding(val_tok_var)
    # i.e., a row-gather from the embedding table by token indices.
    emb = jnp.take(table, indices, axis=0)  # [B, L, N_word]
    return emb

if __name__ == "__main__":
    import jax
    _d = setup_inputs()
    print(jax.jit(kernel)(*tuple(_d.values())))

</pallas_src>

<mosaic_0001>
#map = affine_map<(d0, d1) -> (0, 0)>
#map1 = affine_map<(d0, d1) -> (0, 0, 0, 0, 0)>
module attributes {stable_mosaic.version = 14 : i64} {
  func.func @gather_kernel(%arg0: i32, %arg1: i32, %arg2: memref<2000000x64xf32, #tpu.memory_space<hbm>>, %arg3: memref<50x16384xi32, #tpu.memory_space<hbm>>, %arg4: memref<50x8x128x8x128xf32, #tpu.memory_space<hbm>>, %arg5: memref<50x512xi32, #tpu.memory_space<vmem>>, %arg6: memref<2x512x64xf32, #tpu.memory_space<vmem>>, %arg7: memref<4x8x8x128xf32, #tpu.memory_space<vmem>>, %arg8: memref<!tpu.dma_semaphore, #tpu.memory_space<semaphore_mem>>, %arg9: memref<!tpu.dma_semaphore, #tpu.memory_space<semaphore_mem>>, %arg10: memref<!tpu.dma_semaphore, #tpu.memory_space<semaphore_mem>>) attributes {dimension_semantics = [#tpu.dimension_semantics<core_parallel>, #tpu.dimension_semantics<subcore_parallel>], iteration_bounds = array<i64: 2, 16>, scalar_prefetch = 0 : i64, scratch_operands = 6 : i64, tpu.core_type = #tpu.core_type<sc_vector_subcore>, window_params = [{transform_indices = #map}, {transform_indices = #map}, {transform_indices = #map1}]} {
    %mul3A = arith.constant 2 : i32
    %mul3A_0 = arith.muli %arg1, %mul3A : i32
    %add3A = arith.addi %mul3A_0, %arg0 : i32
    %mul3A_1 = arith.constant 512 : i32
    %mul3A_2 = arith.muli %add3A, %mul3A_1 : i32
    %dma_start3A = arith.constant 0 : i32
    %dma_start3A_3 = tpu.memref_slice %arg3[%dma_start3A, %mul3A_2] : memref<50x16384xi32, #tpu.memory_space<hbm>> -> memref<50x512xi32, #tpu.memory_space<hbm>>
    %dma_start3A_4 = arith.constant 0 : i32
    %dma_start3A_5 = tpu.memref_slice %arg3[%dma_start3A_4, %mul3A_2] : memref<50x16384xi32, #tpu.memory_space<hbm>> -> memref<50x512xi32, #tpu.memory_space<hbm>>
    tpu.enqueue_dma source(%dma_start3A_5 : memref<50x512xi32, #tpu.memory_space<hbm>>) target(%arg5 : memref<50x512xi32, #tpu.memory_space<vmem>>) target_semaphore(%arg8 : memref<!tpu.dma_semaphore, #tpu.memory_space<semaphore_mem>>)
    %dma_wait3A = arith.constant 0 : i32
    %dma_wait3A_6 = tpu.memref_slice %arg3[%dma_wait3A, %mul3A_2] : memref<50x16384xi32, #tpu.memory_space<hbm>> -> memref<50x512xi32, #tpu.memory_space<hbm>>
    %dma_wait3A_7 = arith.constant 0 : i32
    %dma_wait3A_8 = tpu.memref_slice %arg3[%dma_wait3A_7, %mul3A_2] : memref<50x16384xi32, #tpu.memory_space<hbm>> -> memref<50x512xi32, #tpu.memory_space<hbm>>
    tpu.wait_dma2 semaphore(%arg8 : memref<!tpu.dma_semaphore, #tpu.memory_space<semaphore_mem>>) src(%dma_wait3A_8 : memref<50x512xi32, #tpu.memory_space<hbm>>) dst(%arg5 : memref<50x512xi32, #tpu.memory_space<vmem>>)
    %iota3A = tpu.iota {dimensions = array<i32: 0>} : vector<16xi32>
    %rem3A = arith.constant 8 : i32
    %rem3A_9 = vector.broadcast %rem3A : i32 to vector<16xi32>
    %rem3A_10 = arith.remsi %iota3A, %rem3A_9 : vector<16xi32>
    %jit3A = arith.constant 8 : i32
    %div3A = vector.broadcast %jit3A : i32 to vector<16xi32>
    %div3A_11 = arith.divsi %iota3A, %div3A : vector<16xi32>
    %sign3A = arith.constant 0 : i32
    %sign3A_12 = vector.broadcast %sign3A : i32 to vector<16xi32>
    %sign3A_13 = arith.cmpi sgt, %iota3A, %sign3A_12 : vector<16xi32>
    %sign3A_14 = arith.extui %sign3A_13 : vector<16xi1> to vector<16xi32>
    %sign3A_15 = arith.constant 0 : i32
    %sign3A_16 = vector.broadcast %sign3A_15 : i32 to vector<16xi32>
    %sign3A_17 = arith.cmpi slt, %iota3A, %sign3A_16 : vector<16xi32>
    %sign3A_18 = arith.extui %sign3A_17 : vector<16xi1> to vector<16xi32>
    %sign3A_19 = arith.subi %sign3A_14, %sign3A_18 : vector<16xi32>
    %sign3A_20 = arith.constant 0 : i32
    %sign3A_21 = arith.cmpi sgt, %jit3A, %sign3A_20 : i32
    %sign3A_22 = arith.extui %sign3A_21 : i1 to i32
    %sign3A_23 = arith.constant 0 : i32
    %sign3A_24 = arith.cmpi slt, %jit3A, %sign3A_23 : i32
    %sign3A_25 = arith.extui %sign3A_24 : i1 to i32
    %sign3A_26 = arith.subi %sign3A_22, %sign3A_25 : i32
    %ne3A = vector.broadcast %sign3A_26 : i32 to vector<16xi32>
    %ne3A_27 = arith.cmpi ne, %sign3A_19, %ne3A : vector<16xi32>
    %rem3A_28 = vector.broadcast %jit3A : i32 to vector<16xi32>
    %rem3A_29 = arith.remsi %iota3A, %rem3A_28 : vector<16xi32>
    %ne3A_30 = arith.constant 0 : i32
    %ne3A_31 = vector.broadcast %ne3A_30 : i32 to vector<16xi32>
    %ne3A_32 = arith.cmpi ne, %rem3A_29, %ne3A_31 : vector<16xi32>
    %and3A = arith.andi %ne3A_27, %ne3A_32 : vector<16xi1>
    %sub3A = arith.constant 1 : i32
    %sub3A_33 = vector.broadcast %sub3A : i32 to vector<16xi32>
    %sub3A_34 = arith.subi %div3A_11, %sub3A_33 : vector<16xi32>
    %select_n3A = arith.select %and3A, %sub3A_34, %div3A_11 : vector<16xi1>, vector<16xi32>
    %add3A_35 = arith.constant 0 : i32
    %add3A_36 = vector.broadcast %add3A_35 : i32 to vector<16xi32>
    %add3A_37 = arith.addi %select_n3A, %add3A_36 : vector<16xi32>
    %jit3A_38 = arith.constant 8 : i32
    %div3A_39 = vector.broadcast %jit3A_38 : i32 to vector<16xi32>
    %div3A_40 = arith.divsi %iota3A, %div3A_39 : vector<16xi32>
    %sign3A_41 = arith.constant 0 : i32
    %sign3A_42 = vector.broadcast %sign3A_41 : i32 to vector<16xi32>
    %sign3A_43 = arith.cmpi sgt, %iota3A, %sign3A_42 : vector<16xi32>
    %sign3A_44 = arith.extui %sign3A_43 : vector<16xi1> to vector<16xi32>
    %sign3A_45 = arith.constant 0 : i32
    %sign3A_46 = vector.broadcast %sign3A_45 : i32 to vector<16xi32>
    %sign3A_47 = arith.cmpi slt, %iota3A, %sign3A_46 : vector<16xi32>
    %sign3A_48 = arith.extui %sign3A_47 : vector<16xi1> to vector<16xi32>
    %sign3A_49 = arith.subi %sign3A_44, %sign3A_48 : vector<16xi32>
    %sign3A_50 = arith.constant 0 : i32
    %sign3A_51 = arith.cmpi sgt, %jit3A_38, %sign3A_50 : i32
    %sign3A_52 = arith.extui %sign3A_51 : i1 to i32
    %sign3A_53 = arith.constant 0 : i32
    %sign3A_54 = arith.cmpi slt, %jit3A_38, %sign3A_53 : i32
    %sign3A_55 = arith.extui %sign3A_54 : i1 to i32
    %sign3A_56 = arith.subi %sign3A_52, %sign3A_55 : i32
    %ne3A_57 = vector.broadcast %sign3A_56 : i32 to vector<16xi32>
    %ne3A_58 = arith.cmpi ne, %sign3A_49, %ne3A_57 : vector<16xi32>
    %rem3A_59 = vector.broadcast %jit3A_38 : i32 to vector<16xi32>
    %rem3A_60 = arith.remsi %iota3A, %rem3A_59 : vector<16xi32>
    %ne3A_61 = arith.constant 0 : i32
    %ne3A_62 = vector.broadcast %ne3A_61 : i32 to vector<16xi32>
    %ne3A_63 = arith.cmpi ne, %rem3A_60, %ne3A_62 : vector<16xi32>
    %and3A_64 = arith.andi %ne3A_58, %ne3A_63 : vector<16xi1>
    %sub3A_65 = arith.constant 1 : i32
    %sub3A_66 = vector.broadcast %sub3A_65 : i32 to vector<16xi32>
    %sub3A_67 = arith.subi %div3A_40, %sub3A_66 : vector<16xi32>
    %select_n3A_68 = arith.select %and3A_64, %sub3A_67, %div3A_40 : vector<16xi1>, vector<16xi32>
    %add3A_69 = arith.constant 2 : i32
    %add3A_70 = vector.broadcast %add3A_69 : i32 to vector<16xi32>
    %add3A_71 = arith.addi %select_n3A_68, %add3A_70 : vector<16xi32>
    %jit3A_72 = arith.constant 8 : i32
    %div3A_73 = vector.broadcast %jit3A_72 : i32 to vector<16xi32>
    %div3A_74 = arith.divsi %iota3A, %div3A_73 : vector<16xi32>
    %sign3A_75 = arith.constant 0 : i32
    %sign3A_76 = vector.broadcast %sign3A_75 : i32 to vector<16xi32>
    %sign3A_77 = arith.cmpi sgt, %iota3A, %sign3A_76 : vector<16xi32>
    %sign3A_78 = arith.extui %sign3A_77 : vector<16xi1> to vector<16xi32>
    %sign3A_79 = arith.constant 0 : i32
    %sign3A_80 = vector.broadcast %sign3A_79 : i32 to vector<16xi32>
    %sign3A_81 = arith.cmpi slt, %iota3A, %sign3A_80 : vector<16xi32>
    %sign3A_82 = arith.extui %sign3A_81 : vector<16xi1> to vector<16xi32>
    %sign3A_83 = arith.subi %sign3A_78, %sign3A_82 : vector<16xi32>
    %sign3A_84 = arith.constant 0 : i32
    %sign3A_85 = arith.cmpi sgt, %jit3A_72, %sign3A_84 : i32
    %sign3A_86 = arith.extui %sign3A_85 : i1 to i32
    %sign3A_87 = arith.constant 0 : i32
    %sign3A_88 = arith.cmpi slt, %jit3A_72, %sign3A_87 : i32
    %sign3A_89 = arith.extui %sign3A_88 : i1 to i32
    %sign3A_90 = arith.subi %sign3A_86, %sign3A_89 : i32
    %ne3A_91 = vector.broadcast %sign3A_90 : i32 to vector<16xi32>
    %ne3A_92 = arith.cmpi ne, %sign3A_83, %ne3A_91 : vector<16xi32>
    %rem3A_93 = vector.broadcast %jit3A_72 : i32 to vector<16xi32>
    %rem3A_94 = arith.remsi %iota3A, %rem3A_93 : vector<16xi32>
    %ne3A_95 = arith.constant 0 : i32
    %ne3A_96 = vector.broadcast %ne3A_95 : i32 to vector<16xi32>
    %ne3A_97 = arith.cmpi ne, %rem3A_94, %ne3A_96 : vector<16xi32>
    %and3A_98 = arith.andi %ne3A_92, %ne3A_97 : vector<16xi1>
    %sub3A_99 = arith.constant 1 : i32
    %sub3A_100 = vector.broadcast %sub3A_99 : i32 to vector<16xi32>
    %sub3A_101 = arith.subi %div3A_74, %sub3A_100 : vector<16xi32>
    %select_n3A_102 = arith.select %and3A_98, %sub3A_101, %div3A_74 : vector<16xi1>, vector<16xi32>
    %add3A_103 = arith.constant 4 : i32
    %add3A_104 = vector.broadcast %add3A_103 : i32 to vector<16xi32>
    %add3A_105 = arith.addi %select_n3A_102, %add3A_104 : vector<16xi32>
    %jit3A_106 = arith.constant 8 : i32
    %div3A_107 = vector.broadcast %jit3A_106 : i32 to vector<16xi32>
    %div3A_108 = arith.divsi %iota3A, %div3A_107 : vector<16xi32>
    %sign3A_109 = arith.constant 0 : i32
    %sign3A_110 = vector.broadcast %sign3A_109 : i32 to vector<16xi32>
    %sign3A_111 = arith.cmpi sgt, %iota3A, %sign3A_110 : vector<16xi32>
    %sign3A_112 = arith.extui %sign3A_111 : vector<16xi1> to vector<16xi32>
    %sign3A_113 = arith.constant 0 : i32
    %sign3A_114 = vector.broadcast %sign3A_113 : i32 to vector<16xi32>
    %sign3A_115 = arith.cmpi slt, %iota3A, %sign3A_114 : vector<16xi32>
    %sign3A_116 = arith.extui %sign3A_115 : vector<16xi1> to vector<16xi32>
    %sign3A_117 = arith.subi %sign3A_112, %sign3A_116 : vector<16xi32>
    %sign3A_118 = arith.constant 0 : i32
    %sign3A_119 = arith.cmpi sgt, %jit3A_106, %sign3A_118 : i32
    %sign3A_120 = arith.extui %sign3A_119 : i1 to i32
    %sign3A_121 = arith.constant 0 : i32
    %sign3A_122 = arith.cmpi slt, %jit3A_106, %sign3A_121 : i32
    %sign3A_123 = arith.extui %sign3A_122 : i1 to i32
    %sign3A_124 = arith.subi %sign3A_120, %sign3A_123 : i32
    %ne3A_125 = vector.broadcast %sign3A_124 : i32 to vector<16xi32>
    %ne3A_126 = arith.cmpi ne, %sign3A_117, %ne3A_125 : vector<16xi32>
    %rem3A_127 = vector.broadcast %jit3A_106 : i32 to vector<16xi32>
    %rem3A_128 = arith.remsi %iota3A, %rem3A_127 : vector<16xi32>
    %ne3A_129 = arith.constant 0 : i32
    %ne3A_130 = vector.broadcast %ne3A_129 : i32 to vector<16xi32>
    %ne3A_131 = arith.cmpi ne, %rem3A_128, %ne3A_130 : vector<16xi32>
    %and3A_132 = arith.andi %ne3A_126, %ne3A_131 : vector<16xi1>
    %sub3A_133 = arith.constant 1 : i32
    %sub3A_134 = vector.broadcast %sub3A_133 : i32 to vector<16xi32>
    %sub3A_135 = arith.subi %div3A_108, %sub3A_134 : vector<16xi32>
    %select_n3A_136 = arith.select %and3A_132, %sub3A_135, %div3A_108 : vector<16xi1>, vector<16xi32>
    %add3A_137 = arith.constant 6 : i32
    %add3A_138 = vector.broadcast %add3A_137 : i32 to vector<16xi32>
    %add3A_139 = arith.addi %select_n3A_136, %add3A_138 : vector<16xi32>
    %dma_start3A_140 = arith.constant 0 : i32
    %dma_start3A_141 = arith.constant 0 : i32
    %dma_start3A_142 = arith.constant 0 : i32
    %dma_start3A_143 = arith.constant 0 : i32
    %dma_start3A_144 = tpu.memref_slice %arg6[%dma_start3A_141, %dma_start3A_142, %dma_start3A_143] : memref<2x512x64xf32, #tpu.memory_space<vmem>> -> memref<1x512x64xf32, #tpu.memory_space<vmem>>
    %dma_start3A_145 = tpu.memref_squeeze %dma_start3A_144 : memref<1x512x64xf32, #tpu.memory_space<vmem>> -> memref<512x64xf32, #tpu.memory_space<vmem>>
    %dma_start3A_146 = arith.constant 0 : i32
    %dma_start3A_147 = tpu.memref_slice %arg5[%dma_start3A_140, %dma_start3A_146] : memref<50x512xi32, #tpu.memory_space<vmem>> -> memref<1x512xi32, #tpu.memory_space<vmem>>
    %dma_start3A_148 = tpu.memref_squeeze %dma_start3A_147 : memref<1x512xi32, #tpu.memory_space<vmem>> -> memref<512xi32, #tpu.memory_space<vmem>>
    %dma_start3A_149 = arith.constant 0 : i32
    %dma_start3A_150 = arith.constant 0 : i32
    %dma_start3A_151 = tpu.memref_slice %arg2[%dma_start3A_149, %dma_start3A_150] : memref<2000000x64xf32, #tpu.memory_space<hbm>> -> memref<2000000x64xf32, #tpu.memory_space<hbm>>
    tpu.enqueue_indirect_dma source(%dma_start3A_151 : memref<2000000x64xf32, #tpu.memory_space<hbm>>) target(%dma_start3A_145 : memref<512x64xf32, #tpu.memory_space<vmem>>) offsets(%dma_start3A_148 : memref<512xi32, #tpu.memory_space<vmem>>) semaphore(%arg9 : memref<!tpu.dma_semaphore, #tpu.memory_space<semaphore_mem>>)
    %dma_start3A_152 = arith.constant 1 : i32
    %dma_start3A_153 = arith.constant 1 : i32
    %dma_start3A_154 = arith.constant 0 : i32
    %dma_start3A_155 = arith.constant 0 : i32
    %dma_start3A_156 = tpu.memref_slice %arg6[%dma_start3A_153, %dma_start3A_154, %dma_start3A_155] : memref<2x512x64xf32, #tpu.memory_space<vmem>> -> memref<1x512x64xf32, #tpu.memory_space<vmem>>
    %dma_start3A_157 = tpu.memref_squeeze %dma_start3A_156 : memref<1x512x64xf32, #tpu.memory_space<vmem>> -> memref<512x64xf32, #tpu.memory_space<vmem>>
    %dma_start3A_158 = arith.constant 0 : i32
    %dma_start3A_159 = tpu.memref_slice %arg5[%dma_start3A_152, %dma_start3A_158] : memref<50x512xi32, #tpu.memory_space<vmem>> -> memref<1x512xi32, #tpu.memory_space<vmem>>
    %dma_start3A_160 = tpu.memref_squeeze %dma_start3A_159 : memref<1x512xi32, #tpu.memory_space<vmem>> -> memref<512xi32, #tpu.memory_space<vmem>>
    %dma_start3A_161 = arith.constant 0 : i32
    %dma_start3A_162 = arith.constant 0 : i32
    %dma_start3A_163 = tpu.memref_slice %arg2[%dma_start3A_161, %dma_start3A_162] : memref<2000000x64xf32, #tpu.memory_space<hbm>> -> memref<2000000x64xf32, #tpu.memory_space<hbm>>
    tpu.enqueue_indirect_dma source(%dma_start3A_163 : memref<2000000x64xf32, #tpu.memory_space<hbm>>) target(%dma_start3A_157 : memref<512x64xf32, #tpu.memory_space<vmem>>) offsets(%dma_start3A_160 : memref<512xi32, #tpu.memory_space<vmem>>) semaphore(%arg9 : memref<!tpu.dma_semaphore, #tpu.memory_space<semaphore_mem>>)
    %scan3A = arith.constant 0 : i32
    %scan3A_164 = arith.constant 25 : i32
    %scan3A_165 = arith.addi %scan3A, %scan3A_164 : i32
    %scan3A_166 = arith.constant 1 : i32
    scf.for %scan3A_272 = %scan3A to %scan3A_165 step %scan3A_166  : i32 {
      %mul3A_273 = arith.constant 2 : i32
      %mul3A_274 = arith.muli %scan3A_272, %mul3A_273 : i32
      %add3A_275 = arith.constant 0 : i32
      %add3A_276 = arith.addi %add3A_275, %mul3A_274 : i32
      %dma_wait3A_277 = arith.constant 0 : i32
      %dma_wait3A_278 = arith.constant 0 : i32
      %dma_wait3A_279 = arith.constant 0 : i32
      %dma_wait3A_280 = tpu.memref_slice %arg6[%dma_wait3A_277, %dma_wait3A_278, %dma_wait3A_279] : memref<2x512x64xf32, #tpu.memory_space<vmem>> -> memref<1x512x64xf32, #tpu.memory_space<vmem>>
      %dma_wait3A_281 = tpu.memref_squeeze %dma_wait3A_280 : memref<1x512x64xf32, #tpu.memory_space<vmem>> -> memref<512x64xf32, #tpu.memory_space<vmem>>
      %dma_wait3A_282 = arith.constant 0 : i32
      %dma_wait3A_283 = tpu.memref_slice %arg5[%add3A_276, %dma_wait3A_282] : memref<50x512xi32, #tpu.memory_space<vmem>> -> memref<1x512xi32, #tpu.memory_space<vmem>>
      %dma_wait3A_284 = tpu.memref_squeeze %dma_wait3A_283 : memref<1x512xi32, #tpu.memory_space<vmem>> -> memref<512xi32, #tpu.memory_space<vmem>>
      %dma_wait3A_285 = arith.constant 0 : i32
      %dma_wait3A_286 = arith.constant 0 : i32
      %dma_wait3A_287 = tpu.memref_slice %arg2[%dma_wait3A_285, %dma_wait3A_286] : memref<2000000x64xf32, #tpu.memory_space<hbm>> -> memref<2000000x64xf32, #tpu.memory_space<hbm>>
      tpu.wait_indirect_dma semaphore(%arg9 : memref<!tpu.dma_semaphore, #tpu.memory_space<semaphore_mem>>) src(%dma_wait3A_287 : memref<2000000x64xf32, #tpu.memory_space<hbm>>) dst(%dma_wait3A_281 : memref<512x64xf32, #tpu.memory_space<vmem>>)
      %ge3A = arith.constant 1 : i32
      %ge3A_288 = arith.cmpi sge, %add3A_276, %ge3A : i32
      %convert_element_type3A = arith.extui %ge3A_288 : i1 to i32
      %cond3A = arith.constant 0 : i32
      %cond3A_289 = arith.cmpi ne, %convert_element_type3A, %cond3A : i32
      scf.if %cond3A_289 {
        %mul3A_576 = arith.constant 4 : i32
        %mul3A_577 = arith.muli %add3A, %mul3A_576 : i32
        %add3A_578 = arith.constant 0 : i32
        %add3A_579 = arith.addi %mul3A_577, %add3A_578 : i32
        %dma_wait3A_580 = arith.constant 0 : i32
        %dma_wait3A_581 = arith.constant 0 : i32
        %dma_wait3A_582 = arith.constant 0 : i32
        %dma_wait3A_583 = arith.constant 0 : i32
        %dma_wait3A_584 = tpu.memref_slice %arg7[%dma_wait3A_580, %dma_wait3A_581, %dma_wait3A_582, %dma_wait3A_583] : memref<4x8x8x128xf32, #tpu.memory_space<vmem>> -> memref<1x8x8x128xf32, #tpu.memory_space<vmem>>
        %dma_wait3A_585 = tpu.memref_squeeze %dma_wait3A_584 : memref<1x8x8x128xf32, #tpu.memory_space<vmem>> -> memref<8x8x128xf32, #tpu.memory_space<vmem>>
        %dma_wait3A_586 = arith.constant 0 : i32
        %dma_wait3A_587 = arith.constant 0 : i32
        %dma_wait3A_588 = arith.constant 0 : i32
        %dma_wait3A_589 = tpu.memref_slice %arg4[%add3A_276, %dma_wait3A_586, %add3A_579, %dma_wait3A_587, %dma_wait3A_588] : memref<50x8x128x8x128xf32, #tpu.memory_space<hbm>> -> memref<1x8x1x8x128xf32, #tpu.memory_space<hbm>>
        %dma_wait3A_590 = tpu.memref_squeeze %dma_wait3A_589 : memref<1x8x1x8x128xf32, #tpu.memory_space<hbm>> -> memref<8x8x128xf32, #tpu.memory_space<hbm>>
        %dma_wait3A_591 = arith.constant 0 : i32
        %dma_wait3A_592 = arith.constant 0 : i32
        %dma_wait3A_593 = arith.constant 0 : i32
        %dma_wait3A_594 = tpu.memref_slice %arg4[%add3A_276, %dma_wait3A_591, %add3A_579, %dma_wait3A_592, %dma_wait3A_593] : memref<50x8x128x8x128xf32, #tpu.memory_space<hbm>> -> memref<1x8x1x8x128xf32, #tpu.memory_space<hbm>>
        %dma_wait3A_595 = tpu.memref_squeeze %dma_wait3A_594 : memref<1x8x1x8x128xf32, #tpu.memory_space<hbm>> -> memref<8x8x128xf32, #tpu.memory_space<hbm>>
        %dma_wait3A_596 = arith.constant 0 : i32
        %dma_wait3A_597 = arith.constant 0 : i32
        %dma_wait3A_598 = arith.constant 0 : i32
        %dma_wait3A_599 = tpu.memref_slice %arg7[%dma_wait3A_580, %dma_wait3A_596, %dma_wait3A_597, %dma_wait3A_598] : memref<4x8x8x128xf32, #tpu.memory_space<vmem>> -> memref<1x8x8x128xf32, #tpu.memory_space<vmem>>
        %dma_wait3A_600 = tpu.memref_squeeze %dma_wait3A_599 : memref<1x8x8x128xf32, #tpu.memory_space<vmem>> -> memref<8x8x128xf32, #tpu.memory_space<vmem>>
        tpu.wait_dma2 semaphore(%arg10 : memref<!tpu.dma_semaphore, #tpu.memory_space<semaphore_mem>>) src(%dma_wait3A_600 : memref<8x8x128xf32, #tpu.memory_space<vmem>>) dst(%dma_wait3A_595 : memref<8x8x128xf32, #tpu.memory_space<hbm>>)
      } else {
      }
      %parallel_loop3A = arith.constant 0 : i32
      %parallel_loop3A_290 = arith.constant 128 : i32
      %parallel_loop3A_291 = arith.constant 1 : i32
      scf.for %parallel_loop3A_576 = %parallel_loop3A to %parallel_loop3A_290 step %parallel_loop3A_291  : i32 {
        %parallel_loop3A_577 = arith.constant 0 : i32
        %parallel_loop3A_578 = vector.broadcast %parallel_loop3A_577 : i32 to vector<16xi32>
        %parallel_loop3A_579 = vector.broadcast %parallel_loop3A_576 : i32 to vector<16xi32>
        %parallel_loop3A_580 = arith.addi %parallel_loop3A_578, %parallel_loop3A_579 : vector<16xi32>
        %parallel_loop3A_581 = arith.constant 0 : i32
        %parallel_loop3A_582 = arith.addi %parallel_loop3A_581, %parallel_loop3A_576 : i32
        %parallel_loop3A_583 = arith.constant 0 : i32
        %parallel_loop3A_584 = arith.index_cast %parallel_loop3A_583 : i32 to index
        %parallel_loop3A_585 = arith.index_cast %parallel_loop3A_582 : i32 to index
        %parallel_loop3A_586 = arith.constant 0 : index
        %parallel_loop3A_587 = tpu.vector_load %arg6[%parallel_loop3A_584, %parallel_loop3A_585, %parallel_loop3A_586] {strides = array<i32>} : memref<2x512x64xf32, #tpu.memory_space<vmem>>, vector<16xf32>,
        %parallel_loop3A_588 = arith.constant 0 : i32
        %parallel_loop3A_589 = arith.constant 0 : i32
        %parallel_loop3A_590 = arith.constant 0 : i32
        %parallel_loop3A_591 = arith.constant 0 : i32
        %parallel_loop3A_592 = tpu.memref_slice %arg7[%parallel_loop3A_588, %parallel_loop3A_589, %parallel_loop3A_590, %parallel_loop3A_591] : memref<4x8x8x128xf32, #tpu.memory_space<vmem>> -> memref<1x8x8x128xf32, #tpu.memory_space<vmem>>
        %parallel_loop3A_593 = tpu.memref_squeeze %parallel_loop3A_592 : memref<1x8x8x128xf32, #tpu.memory_space<vmem>> -> memref<8x8x128xf32, #tpu.memory_space<vmem>>
        tpu.vector_store_idx %parallel_loop3A_593[%add3A_37, %rem3A_10, %parallel_loop3A_580], %parallel_loop3A_587 : memref<8x8x128xf32, #tpu.memory_space<vmem>>[vector<16xi32>, vector<16xi32>, vector<16xi32>], vector<16xf32>,
        %parallel_loop3A_594 = arith.constant 0 : i32
        %parallel_loop3A_595 = arith.addi %parallel_loop3A_594, %parallel_loop3A_576 : i32
        %parallel_loop3A_596 = arith.constant 0 : i32
        %parallel_loop3A_597 = arith.index_cast %parallel_loop3A_596 : i32 to index
        %parallel_loop3A_598 = arith.index_cast %parallel_loop3A_595 : i32 to index
        %parallel_loop3A_599 = arith.constant 16 : index
        %parallel_loop3A_600 = tpu.vector_load %arg6[%parallel_loop3A_597, %parallel_loop3A_598, %parallel_loop3A_599] {strides = array<i32>} : memref<2x512x64xf32, #tpu.memory_space<vmem>>, vector<16xf32>,
        %parallel_loop3A_601 = arith.constant 0 : i32
        %parallel_loop3A_602 = arith.constant 0 : i32
        %parallel_loop3A_603 = arith.constant 0 : i32
        %parallel_loop3A_604 = arith.constant 0 : i32
        %parallel_loop3A_605 = tpu.memref_slice %arg7[%parallel_loop3A_601, %parallel_loop3A_602, %parallel_loop3A_603, %parallel_loop3A_604] : memref<4x8x8x128xf32, #tpu.memory_space<vmem>> -> memref<1x8x8x128xf32, #tpu.memory_space<vmem>>
        %parallel_loop3A_606 = tpu.memref_squeeze %parallel_loop3A_605 : memref<1x8x8x128xf32, #tpu.memory_space<vmem>> -> memref<8x8x128xf32, #tpu.memory_space<vmem>>
        tpu.vector_store_idx %parallel_loop3A_606[%add3A_71, %rem3A_10, %parallel_loop3A_580], %parallel_loop3A_600 : memref<8x8x128xf32, #tpu.memory_space<vmem>>[vector<16xi32>, vector<16xi32>, vector<16xi32>], vector<16xf32>,
        %parallel_loop3A_607 = arith.constant 0 : i32
        %parallel_loop3A_608 = arith.addi %parallel_loop3A_607, %parallel_loop3A_576 : i32
        %parallel_loop3A_609 = arith.constant 0 : i32
        %parallel_loop3A_610 = arith.index_cast %parallel_loop3A_609 : i32 to index
        %parallel_loop3A_611 = arith.index_cast %parallel_loop3A_608 : i32 to index
        %parallel_loop3A_612 = arith.constant 32 : index
        %parallel_loop3A_613 = tpu.vector_load %arg6[%parallel_loop3A_610, %parallel_loop3A_611, %parallel_loop3A_612] {strides = array<i32>} : memref<2x512x64xf32, #tpu.memory_space<vmem>>, vector<16xf32>,
        %parallel_loop3A_614 = arith.constant 0 : i32
        %parallel_loop3A_615 = arith.constant 0 : i32
        %parallel_loop3A_616 = arith.constant 0 : i32
        %parallel_loop3A_617 = arith.constant 0 : i32
        %parallel_loop3A_618 = tpu.memref_slice %arg7[%parallel_loop3A_614, %parallel_loop3A_615, %parallel_loop3A_616, %parallel_loop3A_617] : memref<4x8x8x128xf32, #tpu.memory_space<vmem>> -> memref<1x8x8x128xf32, #tpu.memory_space<vmem>>
        %parallel_loop3A_619 = tpu.memref_squeeze %parallel_loop3A_618 : memref<1x8x8x128xf32, #tpu.memory_space<vmem>> -> memref<8x8x128xf32, #tpu.memory_space<vmem>>
        tpu.vector_store_idx %parallel_loop3A_619[%add3A_105, %rem3A_10, %parallel_loop3A_580], %parallel_loop3A_613 : memref<8x8x128xf32, #tpu.memory_space<vmem>>[vector<16xi32>, vector<16xi32>, vector<16xi32>], vector<16xf32>,
        %parallel_loop3A_620 = arith.constant 0 : i32
        %parallel_loop3A_621 = arith.addi %parallel_loop3A_620, %parallel_loop3A_576 : i32
        %parallel_loop3A_622 = arith.constant 0 : i32
        %parallel_loop3A_623 = arith.index_cast %parallel_loop3A_622 : i32 to index
        %parallel_loop3A_624 = arith.index_cast %parallel_loop3A_621 : i32 to index
        %parallel_loop3A_625 = arith.constant 48 : index
        %parallel_loop3A_626 = tpu.vector_load %arg6[%parallel_loop3A_623, %parallel_loop3A_624, %parallel_loop3A_625] {strides = array<i32>} : memref<2x512x64xf32, #tpu.memory_space<vmem>>, vector<16xf32>,
        %parallel_loop3A_627 = arith.constant 0 : i32
        %parallel_loop3A_628 = arith.constant 0 : i32
        %parallel_loop3A_629 = arith.constant 0 : i32
        %parallel_loop3A_630 = arith.constant 0 : i32
        %parallel_loop3A_631 = tpu.memref_slice %arg7[%parallel_loop3A_627, %parallel_loop3A_628, %parallel_loop3A_629, %parallel_loop3A_630] : memref<4x8x8x128xf32, #tpu.memory_space<vmem>> -> memref<1x8x8x128xf32, #tpu.memory_space<vmem>>
        %parallel_loop3A_632 = tpu.memref_squeeze %parallel_loop3A_631 : memref<1x8x8x128xf32, #tpu.memory_space<vmem>> -> memref<8x8x128xf32, #tpu.memory_space<vmem>>
        tpu.vector_store_idx %parallel_loop3A_632[%add3A_139, %rem3A_10, %parallel_loop3A_580], %parallel_loop3A_626 : memref<8x8x128xf32, #tpu.memory_space<vmem>>[vector<16xi32>, vector<16xi32>, vector<16xi32>], vector<16xf32>,
      } {sc.loop_unroll_factor = 8 : i64, sc.parallel_access}
      %mul3A_292 = arith.constant 4 : i32
      %mul3A_293 = arith.muli %add3A, %mul3A_292 : i32
      %add3A_294 = arith.constant 0 : i32
      %add3A_295 = arith.addi %mul3A_293, %add3A_294 : i32
      %dma_start3A_296 = arith.constant 0 : i32
      %dma_start3A_297 = arith.constant 0 : i32
      %dma_start3A_298 = arith.constant 0 : i32
      %dma_start3A_299 = arith.constant 0 : i32
      %dma_start3A_300 = tpu.memref_slice %arg7[%dma_start3A_296, %dma_start3A_297, %dma_start3A_298, %dma_start3A_299] : memref<4x8x8x128xf32, #tpu.memory_space<vmem>> -> memref<1x8x8x128xf32, #tpu.memory_space<vmem>>
      %dma_start3A_301 = tpu.memref_squeeze %dma_start3A_300 : memref<1x8x8x128xf32, #tpu.memory_space<vmem>> -> memref<8x8x128xf32, #tpu.memory_space<vmem>>
      %dma_start3A_302 = arith.constant 0 : i32
      %dma_start3A_303 = arith.constant 0 : i32
      %dma_start3A_304 = arith.constant 0 : i32
      %dma_start3A_305 = tpu.memref_slice %arg4[%add3A_276, %dma_start3A_302, %add3A_295, %dma_start3A_303, %dma_start3A_304] : memref<50x8x128x8x128xf32, #tpu.memory_space<hbm>> -> memref<1x8x1x8x128xf32, #tpu.memory_space<hbm>>
      %dma_start3A_306 = tpu.memref_squeeze %dma_start3A_305 : memref<1x8x1x8x128xf32, #tpu.memory_space<hbm>> -> memref<8x8x128xf32, #tpu.memory_space<hbm>>
      %dma_start3A_307 = arith.constant 0 : i32
      %dma_start3A_308 = arith.constant 0 : i32
      %dma_start3A_309 = arith.constant 0 : i32
      %dma_start3A_310 = tpu.memref_slice %arg4[%add3A_276, %dma_start3A_307, %add3A_295, %dma_start3A_308, %dma_start3A_309] : memref<50x8x128x8x128xf32, #tpu.memory_space<hbm>> -> memref<1x8x1x8x128xf32, #tpu.memory_space<hbm>>
      %dma_start3A_311 = tpu.memref_squeeze %dma_start3A_310 : memref<1x8x1x8x128xf32, #tpu.memory_space<hbm>> -> memref<8x8x128xf32, #tpu.memory_space<hbm>>
      %dma_start3A_312 = arith.constant 0 : i32
      %dma_start3A_313 = arith.constant 0 : i32
      %dma_start3A_314 = arith.constant 0 : i32
      %dma_start3A_315 = tpu.memref_slice %arg7[%dma_start3A_296, %dma_start3A_312, %dma_start3A_313, %dma_start3A_314] : memref<4x8x8x128xf32, #tpu.memory_space<vmem>> -> memref<1x8x8x128xf32, #tpu.memory_space<vmem>>
      %dma_start3A_316 = tpu.memref_squeeze %dma_start3A_315 : memref<1x8x8x128xf32, #tpu.memory_space<vmem>> -> memref<8x8x128xf32, #tpu.memory_space<vmem>>
      tpu.enqueue_dma source(%dma_start3A_316 : memref<8x8x128xf32, #tpu.memory_space<vmem>>) target(%dma_start3A_311 : memref<8x8x128xf32, #tpu.memory_space<hbm>>) target_semaphore(%arg10 : memref<!tpu.dma_semaphore, #tpu.memory_space<semaphore_mem>>)
      %ge3A_317 = arith.constant 1 : i32
      %ge3A_318 = arith.cmpi sge, %add3A_276, %ge3A_317 : i32
      %convert_element_type3A_319 = arith.extui %ge3A_318 : i1 to i32
      %cond3A_320 = arith.constant 0 : i32
      %cond3A_321 = arith.cmpi ne, %convert_element_type3A_319, %cond3A_320 : i32
      scf.if %cond3A_321 {
        %mul3A_576 = arith.constant 4 : i32
        %mul3A_577 = arith.muli %add3A, %mul3A_576 : i32
        %add3A_578 = arith.constant 1 : i32
        %add3A_579 = arith.addi %mul3A_577, %add3A_578 : i32
        %dma_wait3A_580 = arith.constant 1 : i32
        %dma_wait3A_581 = arith.constant 0 : i32
        %dma_wait3A_582 = arith.constant 0 : i32
        %dma_wait3A_583 = arith.constant 0 : i32
        %dma_wait3A_584 = tpu.memref_slice %arg7[%dma_wait3A_580, %dma_wait3A_581, %dma_wait3A_582, %dma_wait3A_583] : memref<4x8x8x128xf32, #tpu.memory_space<vmem>> -> memref<1x8x8x128xf32, #tpu.memory_space<vmem>>
        %dma_wait3A_585 = tpu.memref_squeeze %dma_wait3A_584 : memref<1x8x8x128xf32, #tpu.memory_space<vmem>> -> memref<8x8x128xf32, #tpu.memory_space<vmem>>
        %dma_wait3A_586 = arith.constant 0 : i32
        %dma_wait3A_587 = arith.constant 0 : i32
        %dma_wait3A_588 = arith.constant 0 : i32
        %dma_wait3A_589 = tpu.memref_slice %arg4[%add3A_276, %dma_wait3A_586, %add3A_579, %dma_wait3A_587, %dma_wait3A_588] : memref<50x8x128x8x128xf32, #tpu.memory_space<hbm>> -> memref<1x8x1x8x128xf32, #tpu.memory_space<hbm>>
        %dma_wait3A_590 = tpu.memref_squeeze %dma_wait3A_589 : memref<1x8x1x8x128xf32, #tpu.memory_space<hbm>> -> memref<8x8x128xf32, #tpu.memory_space<hbm>>
        %dma_wait3A_591 = arith.constant 0 : i32
        %dma_wait3A_592 = arith.constant 0 : i32
        %dma_wait3A_593 = arith.constant 0 : i32
        %dma_wait3A_594 = tpu.memref_slice %arg4[%add3A_276, %dma_wait3A_591, %add3A_579, %dma_wait3A_592, %dma_wait3A_593] : memref<50x8x128x8x128xf32, #tpu.memory_space<hbm>> -> memref<1x8x1x8x128xf32, #tpu.memory_space<hbm>>
        %dma_wait3A_595 = tpu.memref_squeeze %dma_wait3A_594 : memref<1x8x1x8x128xf32, #tpu.memory_space<hbm>> -> memref<8x8x128xf32, #tpu.memory_space<hbm>>
        %dma_wait3A_596 = arith.constant 0 : i32
        %dma_wait3A_597 = arith.constant 0 : i32
        %dma_wait3A_598 = arith.constant 0 : i32
        %dma_wait3A_599 = tpu.memref_slice %arg7[%dma_wait3A_580, %dma_wait3A_596, %dma_wait3A_597, %dma_wait3A_598] : memref<4x8x8x128xf32, #tpu.memory_space<vmem>> -> memref<1x8x8x128xf32, #tpu.memory_space<vmem>>
        %dma_wait3A_600 = tpu.memref_squeeze %dma_wait3A_599 : memref<1x8x8x128xf32, #tpu.memory_space<vmem>> -> memref<8x8x128xf32, #tpu.memory_space<vmem>>
        tpu.wait_dma2 semaphore(%arg10 : memref<!tpu.dma_semaphore, #tpu.memory_space<semaphore_mem>>) src(%dma_wait3A_600 : memref<8x8x128xf32, #tpu.memory_space<vmem>>) dst(%dma_wait3A_595 : memref<8x8x128xf32, #tpu.memory_space<hbm>>)
      } else {
      }
      %parallel_loop3A_322 = arith.constant 0 : i32
      %parallel_loop3A_323 = arith.constant 128 : i32
      %parallel_loop3A_324 = arith.constant 1 : i32
      scf.for %parallel_loop3A_576 = %parallel_loop3A_322 to %parallel_loop3A_323 step %parallel_loop3A_324  : i32 {
        %parallel_loop3A_577 = arith.constant 0 : i32
        %parallel_loop3A_578 = vector.broadcast %parallel_loop3A_577 : i32 to vector<16xi32>
        %parallel_loop3A_579 = vector.broadcast %parallel_loop3A_576 : i32 to vector<16xi32>
        %parallel_loop3A_580 = arith.addi %parallel_loop3A_578, %parallel_loop3A_579 : vector<16xi32>
        %parallel_loop3A_581 = arith.constant 128 : i32
        %parallel_loop3A_582 = arith.addi %parallel_loop3A_581, %parallel_loop3A_576 : i32
        %parallel_loop3A_583 = arith.constant 0 : i32
        %parallel_loop3A_584 = arith.index_cast %parallel_loop3A_583 : i32 to index
        %parallel_loop3A_585 = arith.index_cast %parallel_loop3A_582 : i32 to index
        %parallel_loop3A_586 = arith.constant 0 : index
        %parallel_loop3A_587 = tpu.vector_load %arg6[%parallel_loop3A_584, %parallel_loop3A_585, %parallel_loop3A_586] {strides = array<i32>} : memref<2x512x64xf32, #tpu.memory_space<vmem>>, vector<16xf32>,
        %parallel_loop3A_588 = arith.constant 1 : i32
        %parallel_loop3A_589 = arith.constant 0 : i32
        %parallel_loop3A_590 = arith.constant 0 : i32
        %parallel_loop3A_591 = arith.constant 0 : i32
        %parallel_loop3A_592 = tpu.memref_slice %arg7[%parallel_loop3A_588, %parallel_loop3A_589, %parallel_loop3A_590, %parallel_loop3A_591] : memref<4x8x8x128xf32, #tpu.memory_space<vmem>> -> memref<1x8x8x128xf32, #tpu.memory_space<vmem>>
        %parallel_loop3A_593 = tpu.memref_squeeze %parallel_loop3A_592 : memref<1x8x8x128xf32, #tpu.memory_space<vmem>> -> memref<8x8x128xf32, #tpu.memory_space<vmem>>
        tpu.vector_store_idx %parallel_loop3A_593[%add3A_37, %rem3A_10, %parallel_loop3A_580], %parallel_loop3A_587 : memref<8x8x128xf32, #tpu.memory_space<vmem>>[vector<16xi32>, vector<16xi32>, vector<16xi32>], vector<16xf32>,
        %parallel_loop3A_594 = arith.constant 128 : i32
        %parallel_loop3A_595 = arith.addi %parallel_loop3A_594, %parallel_loop3A_576 : i32
        %parallel_loop3A_596 = arith.constant 0 : i32
        %parallel_loop3A_597 = arith.index_cast %parallel_loop3A_596 : i32 to index
        %parallel_loop3A_598 = arith.index_cast %parallel_loop3A_595 : i32 to index
        %parallel_loop3A_599 = arith.constant 16 : index
        %parallel_loop3A_600 = tpu.vector_load %arg6[%parallel_loop3A_597, %parallel_loop3A_598, %parallel_loop3A_599] {strides = array<i32>} : memref<2x512x64xf32, #tpu.memory_space<vmem>>, vector<16xf32>,
        %parallel_loop3A_601 = arith.constant 1 : i32
        %parallel_loop3A_602 = arith.constant 0 : i32
        %parallel_loop3A_603 = arith.constant 0 : i32
        %parallel_loop3A_604 = arith.constant 0 : i32
        %parallel_loop3A_605 = tpu.memref_slice %arg7[%parallel_loop3A_601, %parallel_loop3A_602, %parallel_loop3A_603, %parallel_loop3A_604] : memref<4x8x8x128xf32, #tpu.memory_space<vmem>> -> memref<1x8x8x128xf32, #tpu.memory_space<vmem>>
        %parallel_loop3A_606 = tpu.memref_squeeze %parallel_loop3A_605 : memref<1x8x8x128xf32, #tpu.memory_space<vmem>> -> memref<8x8x128xf32, #tpu.memory_space<vmem>>
        tpu.vector_store_idx %parallel_loop3A_606[%add3A_71, %rem3A_10, %parallel_loop3A_580], %parallel_loop3A_600 : memref<8x8x128xf32, #tpu.memory_space<vmem>>[vector<16xi32>, vector<16xi32>, vector<16xi32>], vector<16xf32>,
        %parallel_loop3A_607 = arith.constant 128 : i32
        %parallel_loop3A_608 = arith.addi %parallel_loop3A_607, %parallel_loop3A_576 : i32
        %parallel_loop3A_609 = arith.constant 0 : i32
        %parallel_loop3A_610 = arith.index_cast %parallel_loop3A_609 : i32 to index
        %parallel_loop3A_611 = arith.index_cast %parallel_loop3A_608 : i32 to index
        %parallel_loop3A_612 = arith.constant 32 : index
        %parallel_loop3A_613 = tpu.vector_load %arg6[%parallel_loop3A_610, %parallel_loop3A_611, %parallel_loop3A_612] {strides = array<i32>} : memref<2x512x64xf32, #tpu.memory_space<vmem>>, vector<16xf32>,
        %parallel_loop3A_614 = arith.constant 1 : i32
        %parallel_loop3A_615 = arith.constant 0 : i32
        %parallel_loop3A_616 = arith.constant 0 : i32
        %parallel_loop3A_617 = arith.constant 0 : i32
        %parallel_loop3A_618 = tpu.memref_slice %arg7[%parallel_loop3A_614, %parallel_loop3A_615, %parallel_loop3A_616, %parallel_loop3A_617] : memref<4x8x8x128xf32, #tpu.memory_space<vmem>> -> memref<1x8x8x128xf32, #tpu.memory_space<vmem>>
        %parallel_loop3A_619 = tpu.memref_squeeze %parallel_loop3A_618 : memref<1x8x8x128xf32, #tpu.memory_space<vmem>> -> memref<8x8x128xf32, #tpu.memory_space<vmem>>
        tpu.vector_store_idx %parallel_loop3A_619[%add3A_105, %rem3A_10, %parallel_loop3A_580], %parallel_loop3A_613 : memref<8x8x128xf32, #tpu.memory_space<vmem>>[vector<16xi32>, vector<16xi32>, vector<16xi32>], vector<16xf32>,
        %parallel_loop3A_620 = arith.constant 128 : i32
        %parallel_loop3A_621 = arith.addi %parallel_loop3A_620, %parallel_loop3A_576 : i32
        %parallel_loop3A_622 = arith.constant 0 : i32
        %parallel_loop3A_623 = arith.index_cast %parallel_loop3A_622 : i32 to index
        %parallel_loop3A_624 = arith.index_cast %parallel_loop3A_621 : i32 to index
        %parallel_loop3A_625 = arith.constant 48 : index
        %parallel_loop3A_626 = tpu.vector_load %arg6[%parallel_loop3A_623, %parallel_loop3A_624, %parallel_loop3A_625] {strides = array<i32>} : memref<2x512x64xf32, #tpu.memory_space<vmem>>, vector<16xf32>,
        %parallel_loop3A_627 = arith.constant 1 : i32
        %parallel_loop3A_628 = arith.constant 0 : i32
        %parallel_loop3A_629 = arith.constant 0 : i32
        %parallel_loop3A_630 = arith.constant 0 : i32
        %parallel_loop3A_631 = tpu.memref_slice %arg7[%parallel_loop3A_627, %parallel_loop3A_628, %parallel_loop3A_629, %parallel_loop3A_630] : memref<4x8x8x128xf32, #tpu.memory_space<vmem>> -> memref<1x8x8x128xf32, #tpu.memory_space<vmem>>
        %parallel_loop3A_632 = tpu.memref_squeeze %parallel_loop3A_631 : memref<1x8x8x128xf32, #tpu.memory_space<vmem>> -> memref<8x8x128xf32, #tpu.memory_space<vmem>>
        tpu.vector_store_idx %parallel_loop3A_632[%add3A_139, %rem3A_10, %parallel_loop3A_580], %parallel_loop3A_626 : memref<8x8x128xf32, #tpu.memory_space<vmem>>[vector<16xi32>, vector<16xi32>, vector<16xi32>], vector<16xf32>,
      } {sc.loop_unroll_factor = 8 : i64, sc.parallel_access}
      %mul3A_325 = arith.constant 4 : i32
      %mul3A_326 = arith.muli %add3A, %mul3A_325 : i32
      %add3A_327 = arith.constant 1 : i32
      %add3A_328 = arith.addi %mul3A_326, %add3A_327 : i32
      %dma_start3A_329 = arith.constant 1 : i32
      %dma_start3A_330 = arith.constant 0 : i32
      %dma_start3A_331 = arith.constant 0 : i32
      %dma_start3A_332 = arith.constant 0 : i32
      %dma_start3A_333 = tpu.memref_slice %arg7[%dma_start3A_329, %dma_start3A_330, %dma_start3A_331, %dma_start3A_332] : memref<4x8x8x128xf32, #tpu.memory_space<vmem>> -> memref<1x8x8x128xf32, #tpu.memory_space<vmem>>
      %dma_start3A_334 = tpu.memref_squeeze %dma_start3A_333 : memref<1x8x8x128xf32, #tpu.memory_space<vmem>> -> memref<8x8x128xf32, #tpu.memory_space<vmem>>
      %dma_start3A_335 = arith.constant 0 : i32
      %dma_start3A_336 = arith.constant 0 : i32
      %dma_start3A_337 = arith.constant 0 : i32
      %dma_start3A_338 = tpu.memref_slice %arg4[%add3A_276, %dma_start3A_335, %add3A_328, %dma_start3A_336, %dma_start3A_337] : memref<50x8x128x8x128xf32, #tpu.memory_space<hbm>> -> memref<1x8x1x8x128xf32, #tpu.memory_space<hbm>>
      %dma_start3A_339 = tpu.memref_squeeze %dma_start3A_338 : memref<1x8x1x8x128xf32, #tpu.memory_space<hbm>> -> memref<8x8x128xf32, #tpu.memory_space<hbm>>
      %dma_start3A_340 = arith.constant 0 : i32
      %dma_start3A_341 = arith.constant 0 : i32
      %dma_start3A_342 = arith.constant 0 : i32
      %dma_start3A_343 = tpu.memref_slice %arg4[%add3A_276, %dma_start3A_340, %add3A_328, %dma_start3A_341, %dma_start3A_342] : memref<50x8x128x8x128xf32, #tpu.memory_space<hbm>> -> memref<1x8x1x8x128xf32, #tpu.memory_space<hbm>>
      %dma_start3A_344 = tpu.memref_squeeze %dma_start3A_343 : memref<1x8x1x8x128xf32, #tpu.memory_space<hbm>> -> memref<8x8x128xf32, #tpu.memory_space<hbm>>
      %dma_start3A_345 = arith.constant 0 : i32
      %dma_start3A_346 = arith.constant 0 : i32
      %dma_start3A_347 = arith.constant 0 : i32
      %dma_start3A_348 = tpu.memref_slice %arg7[%dma_start3A_329, %dma_start3A_345, %dma_start3A_346, %dma_start3A_347] : memref<4x8x8x128xf32, #tpu.memory_space<vmem>> -> memref<1x8x8x128xf32, #tpu.memory_space<vmem>>
      %dma_start3A_349 = tpu.memref_squeeze %dma_start3A_348 : memref<1x8x8x128xf32, #tpu.memory_space<vmem>> -> memref<8x8x128xf32, #tpu.memory_space<vmem>>
      tpu.enqueue_dma source(%dma_start3A_349 : memref<8x8x128xf32, #tpu.memory_space<vmem>>) target(%dma_start3A_344 : memref<8x8x128xf32, #tpu.memory_space<hbm>>) target_semaphore(%arg10 : memref<!tpu.dma_semaphore, #tpu.memory_space<semaphore_mem>>)
      %ge3A_350 = arith.constant 1 : i32
      %ge3A_351 = arith.cmpi sge, %add3A_276, %ge3A_350 : i32
      %convert_element_type3A_352 = arith.extui %ge3A_351 : i1 to i32
      %cond3A_353 = arith.constant 0 : i32
      %cond3A_354 = arith.cmpi ne, %convert_element_type3A_352, %cond3A_353 : i32
      scf.if %cond3A_354 {
        %mul3A_576 = arith.constant 4 : i32
        %mul3A_577 = arith.muli %add3A, %mul3A_576 : i32
        %add3A_578 = arith.constant 2 : i32
        %add3A_579 = arith.addi %mul3A_577, %add3A_578 : i32
        %dma_wait3A_580 = arith.constant 2 : i32
        %dma_wait3A_581 = arith.constant 0 : i32
        %dma_wait3A_582 = arith.constant 0 : i32
        %dma_wait3A_583 = arith.constant 0 : i32
        %dma_wait3A_584 = tpu.memref_slice %arg7[%dma_wait3A_580, %dma_wait3A_581, %dma_wait3A_582, %dma_wait3A_583] : memref<4x8x8x128xf32, #tpu.memory_space<vmem>> -> memref<1x8x8x128xf32, #tpu.memory_space<vmem>>
        %dma_wait3A_585 = tpu.memref_squeeze %dma_wait3A_584 : memref<1x8x8x128xf32, #tpu.memory_space<vmem>> -> memref<8x8x128xf32, #tpu.memory_space<vmem>>
        %dma_wait3A_586 = arith.constant 0 : i32
        %dma_wait3A_587 = arith.constant 0 : i32
        %dma_wait3A_588 = arith.constant 0 : i32
        %dma_wait3A_589 = tpu.memref_slice %arg4[%add3A_276, %dma_wait3A_586, %add3A_579, %dma_wait3A_587, %dma_wait3A_588] : memref<50x8x128x8x128xf32, #tpu.memory_space<hbm>> -> memref<1x8x1x8x128xf32, #tpu.memory_space<hbm>>
        %dma_wait3A_590 = tpu.memref_squeeze %dma_wait3A_589 : memref<1x8x1x8x128xf32, #tpu.memory_space<hbm>> -> memref<8x8x128xf32, #tpu.memory_space<hbm>>
        %dma_wait3A_591 = arith.constant 0 : i32
        %dma_wait3A_592 = arith.constant 0 : i32
        %dma_wait3A_593 = arith.constant 0 : i32
        %dma_wait3A_594 = tpu.memref_slice %arg4[%add3A_276, %dma_wait3A_591, %add3A_579, %dma_wait3A_592, %dma_wait3A_593] : memref<50x8x128x8x128xf32, #tpu.memory_space<hbm>> -> memref<1x8x1x8x128xf32, #tpu.memory_space<hbm>>
        %dma_wait3A_595 = tpu.memref_squeeze %dma_wait3A_594 : memref<1x8x1x8x128xf32, #tpu.memory_space<hbm>> -> memref<8x8x128xf32, #tpu.memory_space<hbm>>
        %dma_wait3A_596 = arith.constant 0 : i32
        %dma_wait3A_597 = arith.constant 0 : i32
        %dma_wait3A_598 = arith.constant 0 : i32
        %dma_wait3A_599 = tpu.memref_slice %arg7[%dma_wait3A_580, %dma_wait3A_596, %dma_wait3A_597, %dma_wait3A_598] : memref<4x8x8x128xf32, #tpu.memory_space<vmem>> -> memref<1x8x8x128xf32, #tpu.memory_space<vmem>>
        %dma_wait3A_600 = tpu.memref_squeeze %dma_wait3A_599 : memref<1x8x8x128xf32, #tpu.memory_space<vmem>> -> memref<8x8x128xf32, #tpu.memory_space<vmem>>
        tpu.wait_dma2 semaphore(%arg10 : memref<!tpu.dma_semaphore, #tpu.memory_space<semaphore_mem>>) src(%dma_wait3A_600 : memref<8x8x128xf32, #tpu.memory_space<vmem>>) dst(%dma_wait3A_595 : memref<8x8x128xf32, #tpu.memory_space<hbm>>)
      } else {
      }
      %parallel_loop3A_355 = arith.constant 0 : i32
      %parallel_loop3A_356 = arith.constant 128 : i32
      %parallel_loop3A_357 = arith.constant 1 : i32
      scf.for %parallel_loop3A_576 = %parallel_loop3A_355 to %parallel_loop3A_356 step %parallel_loop3A_357  : i32 {
        %parallel_loop3A_577 = arith.constant 0 : i32
        %parallel_loop3A_578 = vector.broadcast %parallel_loop3A_577 : i32 to vector<16xi32>
        %parallel_loop3A_579 = vector.broadcast %parallel_loop3A_576 : i32 to vector<16xi32>
        %parallel_loop3A_580 = arith.addi %parallel_loop3A_578, %parallel_loop3A_579 : vector<16xi32>
        %parallel_loop3A_581 = arith.constant 256 : i32
        %parallel_loop3A_582 = arith.addi %parallel_loop3A_581, %parallel_loop3A_576 : i32
        %parallel_loop3A_583 = arith.constant 0 : i32
        %parallel_loop3A_584 = arith.index_cast %parallel_loop3A_583 : i32 to index
        %parallel_loop3A_585 = arith.index_cast %parallel_loop3A_582 : i32 to index
        %parallel_loop3A_586 = arith.constant 0 : index
        %parallel_loop3A_587 = tpu.vector_load %arg6[%parallel_loop3A_584, %parallel_loop3A_585, %parallel_loop3A_586] {strides = array<i32>} : memref<2x512x64xf32, #tpu.memory_space<vmem>>, vector<16xf32>,
        %parallel_loop3A_588 = arith.constant 2 : i32
        %parallel_loop3A_589 = arith.constant 0 : i32
        %parallel_loop3A_590 = arith.constant 0 : i32
        %parallel_loop3A_591 = arith.constant 0 : i32
        %parallel_loop3A_592 = tpu.memref_slice %arg7[%parallel_loop3A_588, %parallel_loop3A_589, %parallel_loop3A_590, %parallel_loop3A_591] : memref<4x8x8x128xf32, #tpu.memory_space<vmem>> -> memref<1x8x8x128xf32, #tpu.memory_space<vmem>>
        %parallel_loop3A_593 = tpu.memref_squeeze %parallel_loop3A_592 : memref<1x8x8x128xf32, #tpu.memory_space<vmem>> -> memref<8x8x128xf32, #tpu.memory_space<vmem>>
        tpu.vector_store_idx %parallel_loop3A_593[%add3A_37, %rem3A_10, %parallel_loop3A_580], %parallel_loop3A_587 : memref<8x8x128xf32, #tpu.memory_space<vmem>>[vector<16xi32>, vector<16xi32>, vector<16xi32>], vector<16xf32>,
        %parallel_loop3A_594 = arith.constant 256 : i32
        %parallel_loop3A_595 = arith.addi %parallel_loop3A_594, %parallel_loop3A_576 : i32
        %parallel_loop3A_596 = arith.constant 0 : i32
        %parallel_loop3A_597 = arith.index_cast %parallel_loop3A_596 : i32 to index
        %parallel_loop3A_598 = arith.index_cast %parallel_loop3A_595 : i32 to index
        %parallel_loop3A_599 = arith.constant 16 : index
        %parallel_loop3A_600 = tpu.vector_load %arg6[%parallel_loop3A_597, %parallel_loop3A_598, %parallel_loop3A_599] {strides = array<i32>} : memref<2x512x64xf32, #tpu.memory_space<vmem>>, vector<16xf32>,
        %parallel_loop3A_601 = arith.constant 2 : i32
        %parallel_loop3A_602 = arith.constant 0 : i32
        %parallel_loop3A_603 = arith.constant 0 : i32
        %parallel_loop3A_604 = arith.constant 0 : i32
        %parallel_loop3A_605 = tpu.memref_slice %arg7[%parallel_loop3A_601, %parallel_loop3A_602, %parallel_loop3A_603, %parallel_loop3A_604] : memref<4x8x8x128xf32, #tpu.memory_space<vmem>> -> memref<1x8x8x128xf32, #tpu.memory_space<vmem>>
        %parallel_loop3A_606 = tpu.memref_squeeze %parallel_loop3A_605 : memref<1x8x8x128xf32, #tpu.memory_space<vmem>> -> memref<8x8x128xf32, #tpu.memory_space<vmem>>
        tpu.vector_store_idx %parallel_loop3A_606[%add3A_71, %rem3A_10, %parallel_loop3A_580], %parallel_loop3A_600 : memref<8x8x128xf32, #tpu.memory_space<vmem>>[vector<16xi32>, vector<16xi32>, vector<16xi32>], vector<16xf32>,
        %parallel_loop3A_607 = arith.constant 256 : i32
        %parallel_loop3A_608 = arith.addi %parallel_loop3A_607, %parallel_loop3A_576 : i32
        %parallel_loop3A_609 = arith.constant 0 : i32
        %parallel_loop3A_610 = arith.index_cast %parallel_loop3A_609 : i32 to index
        %parallel_loop3A_611 = arith.index_cast %parallel_loop3A_608 : i32 to index
        %parallel_loop3A_612 = arith.constant 32 : index
        %parallel_loop3A_613 = tpu.vector_load %arg6[%parallel_loop3A_610, %parallel_loop3A_611, %parallel_loop3A_612] {strides = array<i32>} : memref<2x512x64xf32, #tpu.memory_space<vmem>>, vector<16xf32>,
        %parallel_loop3A_614 = arith.constant 2 : i32
        %parallel_loop3A_615 = arith.constant 0 : i32
        %parallel_loop3A_616 = arith.constant 0 : i32
        %parallel_loop3A_617 = arith.constant 0 : i32
        %parallel_loop3A_618 = tpu.memref_slice %arg7[%parallel_loop3A_614, %parallel_loop3A_615, %parallel_loop3A_616, %parallel_loop3A_617] : memref<4x8x8x128xf32, #tpu.memory_space<vmem>> -> memref<1x8x8x128xf32, #tpu.memory_space<vmem>>
        %parallel_loop3A_619 = tpu.memref_squeeze %parallel_loop3A_618 : memref<1x8x8x128xf32, #tpu.memory_space<vmem>> -> memref<8x8x128xf32, #tpu.memory_space<vmem>>
        tpu.vector_store_idx %parallel_loop3A_619[%add3A_105, %rem3A_10, %parallel_loop3A_580], %parallel_loop3A_613 : memref<8x8x128xf32, #tpu.memory_space<vmem>>[vector<16xi32>, vector<16xi32>, vector<16xi32>], vector<16xf32>,
        %parallel_loop3A_620 = arith.constant 256 : i32
        %parallel_loop3A_621 = arith.addi %parallel_loop3A_620, %parallel_loop3A_576 : i32
        %parallel_loop3A_622 = arith.constant 0 : i32
        %parallel_loop3A_623 = arith.index_cast %parallel_loop3A_622 : i32 to index
        %parallel_loop3A_624 = arith.index_cast %parallel_loop3A_621 : i32 to index
        %parallel_loop3A_625 = arith.constant 48 : index
        %parallel_loop3A_626 = tpu.vector_load %arg6[%parallel_loop3A_623, %parallel_loop3A_624, %parallel_loop3A_625] {strides = array<i32>} : memref<2x512x64xf32, #tpu.memory_space<vmem>>, vector<16xf32>,
        %parallel_loop3A_627 = arith.constant 2 : i32
        %parallel_loop3A_628 = arith.constant 0 : i32
        %parallel_loop3A_629 = arith.constant 0 : i32
        %parallel_loop3A_630 = arith.constant 0 : i32
        %parallel_loop3A_631 = tpu.memref_slice %arg7[%parallel_loop3A_627, %parallel_loop3A_628, %parallel_loop3A_629, %parallel_loop3A_630] : memref<4x8x8x128xf32, #tpu.memory_space<vmem>> -> memref<1x8x8x128xf32, #tpu.memory_space<vmem>>
        %parallel_loop3A_632 = tpu.memref_squeeze %parallel_loop3A_631 : memref<1x8x8x128xf32, #tpu.memory_space<vmem>> -> memref<8x8x128xf32, #tpu.memory_space<vmem>>
        tpu.vector_store_idx %parallel_loop3A_632[%add3A_139, %rem3A_10, %parallel_loop3A_580], %parallel_loop3A_626 : memref<8x8x128xf32, #tpu.memory_space<vmem>>[vector<16xi32>, vector<16xi32>, vector<16xi32>], vector<16xf32>,
      } {sc.loop_unroll_factor = 8 : i64, sc.parallel_access}
      %mul3A_358 = arith.constant 4 : i32
      %mul3A_359 = arith.muli %add3A, %mul3A_358 : i32
      %add3A_360 = arith.constant 2 : i32
      %add3A_361 = arith.addi %mul3A_359, %add3A_360 : i32
      %dma_start3A_362 = arith.constant 2 : i32
      %dma_start3A_363 = arith.constant 0 : i32
      %dma_start3A_364 = arith.constant 0 : i32
      %dma_start3A_365 = arith.constant 0 : i32
      %dma_start3A_366 = tpu.memref_slice %arg7[%dma_start3A_362, %dma_start3A_363, %dma_start3A_364, %dma_start3A_365] : memref<4x8x8x128xf32, #tpu.memory_space<vmem>> -> memref<1x8x8x128xf32, #tpu.memory_space<vmem>>
      %dma_start3A_367 = tpu.memref_squeeze %dma_start3A_366 : memref<1x8x8x128xf32, #tpu.memory_space<vmem>> -> memref<8x8x128xf32, #tpu.memory_space<vmem>>
      %dma_start3A_368 = arith.constant 0 : i32
      %dma_start3A_369 = arith.constant 0 : i32
      %dma_start3A_370 = arith.constant 0 : i32
      %dma_start3A_371 = tpu.memref_slice %arg4[%add3A_276, %dma_start3A_368, %add3A_361, %dma_start3A_369, %dma_start3A_370] : memref<50x8x128x8x128xf32, #tpu.memory_space<hbm>> -> memref<1x8x1x8x128xf32, #tpu.memory_space<hbm>>
      %dma_start3A_372 = tpu.memref_squeeze %dma_start3A_371 : memref<1x8x1x8x128xf32, #tpu.memory_space<hbm>> -> memref<8x8x128xf32, #tpu.memory_space<hbm>>
      %dma_start3A_373 = arith.constant 0 : i32
      %dma_start3A_374 = arith.constant 0 : i32
      %dma_start3A_375 = arith.constant 0 : i32
      %dma_start3A_376 = tpu.memref_slice %arg4[%add3A_276, %dma_start3A_373, %add3A_361, %dma_start3A_374, %dma_start3A_375] : memref<50x8x128x8x128xf32, #tpu.memory_space<hbm>> -> memref<1x8x1x8x128xf32, #tpu.memory_space<hbm>>
      %dma_start3A_377 = tpu.memref_squeeze %dma_start3A_376 : memref<1x8x1x8x128xf32, #tpu.memory_space<hbm>> -> memref<8x8x128xf32, #tpu.memory_space<hbm>>
      %dma_start3A_378 = arith.constant 0 : i32
      %dma_start3A_379 = arith.constant 0 : i32
      %dma_start3A_380 = arith.constant 0 : i32
      %dma_start3A_381 = tpu.memref_slice %arg7[%dma_start3A_362, %dma_start3A_378, %dma_start3A_379, %dma_start3A_380] : memref<4x8x8x128xf32, #tpu.memory_space<vmem>> -> memref<1x8x8x128xf32, #tpu.memory_space<vmem>>
      %dma_start3A_382 = tpu.memref_squeeze %dma_start3A_381 : memref<1x8x8x128xf32, #tpu.memory_space<vmem>> -> memref<8x8x128xf32, #tpu.memory_space<vmem>>
      tpu.enqueue_dma source(%dma_start3A_382 : memref<8x8x128xf32, #tpu.memory_space<vmem>>) target(%dma_start3A_377 : memref<8x8x128xf32, #tpu.memory_space<hbm>>) target_semaphore(%arg10 : memref<!tpu.dma_semaphore, #tpu.memory_space<semaphore_mem>>)
      %ge3A_383 = arith.constant 1 : i32
      %ge3A_384 = arith.cmpi sge, %add3A_276, %ge3A_383 : i32
      %convert_element_type3A_385 = arith.extui %ge3A_384 : i1 to i32
      %cond3A_386 = arith.constant 0 : i32
      %cond3A_387 = arith.cmpi ne, %convert_element_type3A_385, %cond3A_386 : i32
      scf.if %cond3A_387 {
        %mul3A_576 = arith.constant 4 : i32
        %mul3A_577 = arith.muli %add3A, %mul3A_576 : i32
        %add3A_578 = arith.constant 3 : i32
        %add3A_579 = arith.addi %mul3A_577, %add3A_578 : i32
        %dma_wait3A_580 = arith.constant 3 : i32
        %dma_wait3A_581 = arith.constant 0 : i32
        %dma_wait3A_582 = arith.constant 0 : i32
        %dma_wait3A_583 = arith.constant 0 : i32
        %dma_wait3A_584 = tpu.memref_slice %arg7[%dma_wait3A_580, %dma_wait3A_581, %dma_wait3A_582, %dma_wait3A_583] : memref<4x8x8x128xf32, #tpu.memory_space<vmem>> -> memref<1x8x8x128xf32, #tpu.memory_space<vmem>>
        %dma_wait3A_585 = tpu.memref_squeeze %dma_wait3A_584 : memref<1x8x8x128xf32, #tpu.memory_space<vmem>> -> memref<8x8x128xf32, #tpu.memory_space<vmem>>
        %dma_wait3A_586 = arith.constant 0 : i32
        %dma_wait3A_587 = arith.constant 0 : i32
        %dma_wait3A_588 = arith.constant 0 : i32
        %dma_wait3A_589 = tpu.memref_slice %arg4[%add3A_276, %dma_wait3A_586, %add3A_579, %dma_wait3A_587, %dma_wait3A_588] : memref<50x8x128x8x128xf32, #tpu.memory_space<hbm>> -> memref<1x8x1x8x128xf32, #tpu.memory_space<hbm>>
        %dma_wait3A_590 = tpu.memref_squeeze %dma_wait3A_589 : memref<1x8x1x8x128xf32, #tpu.memory_space<hbm>> -> memref<8x8x128xf32, #tpu.memory_space<hbm>>
        %dma_wait3A_591 = arith.constant 0 : i32
        %dma_wait3A_592 = arith.constant 0 : i32
        %dma_wait3A_593 = arith.constant 0 : i32
        %dma_wait3A_594 = tpu.memref_slice %arg4[%add3A_276, %dma_wait3A_591, %add3A_579, %dma_wait3A_592, %dma_wait3A_593] : memref<50x8x128x8x128xf32, #tpu.memory_space<hbm>> -> memref<1x8x1x8x128xf32, #tpu.memory_space<hbm>>
        %dma_wait3A_595 = tpu.memref_squeeze %dma_wait3A_594 : memref<1x8x1x8x128xf32, #tpu.memory_space<hbm>> -> memref<8x8x128xf32, #tpu.memory_space<hbm>>
        %dma_wait3A_596 = arith.constant 0 : i32
        %dma_wait3A_597 = arith.constant 0 : i32
        %dma_wait3A_598 = arith.constant 0 : i32
        %dma_wait3A_599 = tpu.memref_slice %arg7[%dma_wait3A_580, %dma_wait3A_596, %dma_wait3A_597, %dma_wait3A_598] : memref<4x8x8x128xf32, #tpu.memory_space<vmem>> -> memref<1x8x8x128xf32, #tpu.memory_space<vmem>>
        %dma_wait3A_600 = tpu.memref_squeeze %dma_wait3A_599 : memref<1x8x8x128xf32, #tpu.memory_space<vmem>> -> memref<8x8x128xf32, #tpu.memory_space<vmem>>
        tpu.wait_dma2 semaphore(%arg10 : memref<!tpu.dma_semaphore, #tpu.memory_space<semaphore_mem>>) src(%dma_wait3A_600 : memref<8x8x128xf32, #tpu.memory_space<vmem>>) dst(%dma_wait3A_595 : memref<8x8x128xf32, #tpu.memory_space<hbm>>)
      } else {
      }
      %parallel_loop3A_388 = arith.constant 0 : i32
      %parallel_loop3A_389 = arith.constant 128 : i32
      %parallel_loop3A_390 = arith.constant 1 : i32
      scf.for %parallel_loop3A_576 = %parallel_loop3A_388 to %parallel_loop3A_389 step %parallel_loop3A_390  : i32 {
        %parallel_loop3A_577 = arith.constant 0 : i32
        %parallel_loop3A_578 = vector.broadcast %parallel_loop3A_577 : i32 to vector<16xi32>
        %parallel_loop3A_579 = vector.broadcast %parallel_loop3A_576 : i32 to vector<16xi32>
        %parallel_loop3A_580 = arith.addi %parallel_loop3A_578, %parallel_loop3A_579 : vector<16xi32>
        %parallel_loop3A_581 = arith.constant 384 : i32
        %parallel_loop3A_582 = arith.addi %parallel_loop3A_581, %parallel_loop3A_576 : i32
        %parallel_loop3A_583 = arith.constant 0 : i32
        %parallel_loop3A_584 = arith.index_cast %parallel_loop3A_583 : i32 to index
        %parallel_loop3A_585 = arith.index_cast %parallel_loop3A_582 : i32 to index
        %parallel_loop3A_586 = arith.constant 0 : index
        %parallel_loop3A_587 = tpu.vector_load %arg6[%parallel_loop3A_584, %parallel_loop3A_585, %parallel_loop3A_586] {strides = array<i32>} : memref<2x512x64xf32, #tpu.memory_space<vmem>>, vector<16xf32>,
        %parallel_loop3A_588 = arith.constant 3 : i32
        %parallel_loop3A_589 = arith.constant 0 : i32
        %parallel_loop3A_590 = arith.constant 0 : i32
        %parallel_loop3A_591 = arith.constant 0 : i32
        %parallel_loop3A_592 = tpu.memref_slice %arg7[%parallel_loop3A_588, %parallel_loop3A_589, %parallel_loop3A_590, %parallel_loop3A_591] : memref<4x8x8x128xf32, #tpu.memory_space<vmem>> -> memref<1x8x8x128xf32, #tpu.memory_space<vmem>>
        %parallel_loop3A_593 = tpu.memref_squeeze %parallel_loop3A_592 : memref<1x8x8x128xf32, #tpu.memory_space<vmem>> -> memref<8x8x128xf32, #tpu.memory_space<vmem>>
        tpu.vector_store_idx %parallel_loop3A_593[%add3A_37, %rem3A_10, %parallel_loop3A_580], %parallel_loop3A_587 : memref<8x8x128xf32, #tpu.memory_space<vmem>>[vector<16xi32>, vector<16xi32>, vector<16xi32>], vector<16xf32>,
        %parallel_loop3A_594 = arith.constant 384 : i32
        %parallel_loop3A_595 = arith.addi %parallel_loop3A_594, %parallel_loop3A_576 : i32
        %parallel_loop3A_596 = arith.constant 0 : i32
        %parallel_loop3A_597 = arith.index_cast %parallel_loop3A_596 : i32 to index
        %parallel_loop3A_598 = arith.index_cast %parallel_loop3A_595 : i32 to index
        %parallel_loop3A_599 = arith.constant 16 : index
        %parallel_loop3A_600 = tpu.vector_load %arg6[%parallel_loop3A_597, %parallel_loop3A_598, %parallel_loop3A_599] {strides = array<i32>} : memref<2x512x64xf32, #tpu.memory_space<vmem>>, vector<16xf32>,
        %parallel_loop3A_601 = arith.constant 3 : i32
        %parallel_loop3A_602 = arith.constant 0 : i32
        %parallel_loop3A_603 = arith.constant 0 : i32
        %parallel_loop3A_604 = arith.constant 0 : i32
        %parallel_loop3A_605 = tpu.memref_slice %arg7[%parallel_loop3A_601, %parallel_loop3A_602, %parallel_loop3A_603, %parallel_loop3A_604] : memref<4x8x8x128xf32, #tpu.memory_space<vmem>> -> memref<1x8x8x128xf32, #tpu.memory_space<vmem>>
        %parallel_loop3A_606 = tpu.memref_squeeze %parallel_loop3A_605 : memref<1x8x8x128xf32, #tpu.memory_space<vmem>> -> memref<8x8x128xf32, #tpu.memory_space<vmem>>
        tpu.vector_store_idx %parallel_loop3A_606[%add3A_71, %rem3A_10, %parallel_loop3A_580], %parallel_loop3A_600 : memref<8x8x128xf32, #tpu.memory_space<vmem>>[vector<16xi32>, vector<16xi32>, vector<16xi32>], vector<16xf32>,
        %parallel_loop3A_607 = arith.constant 384 : i32
        %parallel_loop3A_608 = arith.addi %parallel_loop3A_607, %parallel_loop3A_576 : i32
        %parallel_loop3A_609 = arith.constant 0 : i32
        %parallel_loop3A_610 = arith.index_cast %parallel_loop3A_609 : i32 to index
        %parallel_loop3A_611 = arith.index_cast %parallel_loop3A_608 : i32 to index
        %parallel_loop3A_612 = arith.constant 32 : index
        %parallel_loop3A_613 = tpu.vector_load %arg6[%parallel_loop3A_610, %parallel_loop3A_611, %parallel_loop3A_612] {strides = array<i32>} : memref<2x512x64xf32, #tpu.memory_space<vmem>>, vector<16xf32>,
        %parallel_loop3A_614 = arith.constant 3 : i32
        %parallel_loop3A_615 = arith.constant 0 : i32
        %parallel_loop3A_616 = arith.constant 0 : i32
        %parallel_loop3A_617 = arith.constant 0 : i32
        %parallel_loop3A_618 = tpu.memref_slice %arg7[%parallel_loop3A_614, %parallel_loop3A_615, %parallel_loop3A_616, %parallel_loop3A_617] : memref<4x8x8x128xf32, #tpu.memory_space<vmem>> -> memref<1x8x8x128xf32, #tpu.memory_space<vmem>>
        %parallel_loop3A_619 = tpu.memref_squeeze %parallel_loop3A_618 : memref<1x8x8x128xf32, #tpu.memory_space<vmem>> -> memref<8x8x128xf32, #tpu.memory_space<vmem>>
        tpu.vector_store_idx %parallel_loop3A_619[%add3A_105, %rem3A_10, %parallel_loop3A_580], %parallel_loop3A_613 : memref<8x8x128xf32, #tpu.memory_space<vmem>>[vector<16xi32>, vector<16xi32>, vector<16xi32>], vector<16xf32>,
        %parallel_loop3A_620 = arith.constant 384 : i32
        %parallel_loop3A_621 = arith.addi %parallel_loop3A_620, %parallel_loop3A_576 : i32
        %parallel_loop3A_622 = arith.constant 0 : i32
        %parallel_loop3A_623 = arith.index_cast %parallel_loop3A_622 : i32 to index
        %parallel_loop3A_624 = arith.index_cast %parallel_loop3A_621 : i32 to index
        %parallel_loop3A_625 = arith.constant 48 : index
        %parallel_loop3A_626 = tpu.vector_load %arg6[%parallel_loop3A_623, %parallel_loop3A_624, %parallel_loop3A_625] {strides = array<i32>} : memref<2x512x64xf32, #tpu.memory_space<vmem>>, vector<16xf32>,
        %parallel_loop3A_627 = arith.constant 3 : i32
        %parallel_loop3A_628 = arith.constant 0 : i32
        %parallel_loop3A_629 = arith.constant 0 : i32
        %parallel_loop3A_630 = arith.constant 0 : i32
        %parallel_loop3A_631 = tpu.memref_slice %arg7[%parallel_loop3A_627, %parallel_loop3A_628, %parallel_loop3A_629, %parallel_loop3A_630] : memref<4x8x8x128xf32, #tpu.memory_space<vmem>> -> memref<1x8x8x128xf32, #tpu.memory_space<vmem>>
        %parallel_loop3A_632 = tpu.memref_squeeze %parallel_loop3A_631 : memref<1x8x8x128xf32, #tpu.memory_space<vmem>> -> memref<8x8x128xf32, #tpu.memory_space<vmem>>
        tpu.vector_store_idx %parallel_loop3A_632[%add3A_139, %rem3A_10, %parallel_loop3A_580], %parallel_loop3A_626 : memref<8x8x128xf32, #tpu.memory_space<vmem>>[vector<16xi32>, vector<16xi32>, vector<16xi32>], vector<16xf32>,
      } {sc.loop_unroll_factor = 8 : i64, sc.parallel_access}
      %mul3A_391 = arith.constant 4 : i32
      %mul3A_392 = arith.muli %add3A, %mul3A_391 : i32
      %add3A_393 = arith.constant 3 : i32
      %add3A_394 = arith.addi %mul3A_392, %add3A_393 : i32
      %dma_start3A_395 = arith.constant 3 : i32
      %dma_start3A_396 = arith.constant 0 : i32
      %dma_start3A_397 = arith.constant 0 : i32
      %dma_start3A_398 = arith.constant 0 : i32
      %dma_start3A_399 = tpu.memref_slice %arg7[%dma_start3A_395, %dma_start3A_396, %dma_start3A_397, %dma_start3A_398] : memref<4x8x8x128xf32, #tpu.memory_space<vmem>> -> memref<1x8x8x128xf32, #tpu.memory_space<vmem>>
      %dma_start3A_400 = tpu.memref_squeeze %dma_start3A_399 : memref<1x8x8x128xf32, #tpu.memory_space<vmem>> -> memref<8x8x128xf32, #tpu.memory_space<vmem>>
      %dma_start3A_401 = arith.constant 0 : i32
      %dma_start3A_402 = arith.constant 0 : i32
      %dma_start3A_403 = arith.constant 0 : i32
      %dma_start3A_404 = tpu.memref_slice %arg4[%add3A_276, %dma_start3A_401, %add3A_394, %dma_start3A_402, %dma_start3A_403] : memref<50x8x128x8x128xf32, #tpu.memory_space<hbm>> -> memref<1x8x1x8x128xf32, #tpu.memory_space<hbm>>
      %dma_start3A_405 = tpu.memref_squeeze %dma_start3A_404 : memref<1x8x1x8x128xf32, #tpu.memory_space<hbm>> -> memref<8x8x128xf32, #tpu.memory_space<hbm>>
      %dma_start3A_406 = arith.constant 0 : i32
      %dma_start3A_407 = arith.constant 0 : i32
      %dma_start3A_408 = arith.constant 0 : i32
      %dma_start3A_409 = tpu.memref_slice %arg4[%add3A_276, %dma_start3A_406, %add3A_394, %dma_start3A_407, %dma_start3A_408] : memref<50x8x128x8x128xf32, #tpu.memory_space<hbm>> -> memref<1x8x1x8x128xf32, #tpu.memory_space<hbm>>
      %dma_start3A_410 = tpu.memref_squeeze %dma_start3A_409 : memref<1x8x1x8x128xf32, #tpu.memory_space<hbm>> -> memref<8x8x128xf32, #tpu.memory_space<hbm>>
      %dma_start3A_411 = arith.constant 0 : i32
      %dma_start3A_412 = arith.constant 0 : i32
      %dma_start3A_413 = arith.constant 0 : i32
      %dma_start3A_414 = tpu.memref_slice %arg7[%dma_start3A_395, %dma_start3A_411, %dma_start3A_412, %dma_start3A_413] : memref<4x8x8x128xf32, #tpu.memory_space<vmem>> -> memref<1x8x8x128xf32, #tpu.memory_space<vmem>>
      %dma_start3A_415 = tpu.memref_squeeze %dma_start3A_414 : memref<1x8x8x128xf32, #tpu.memory_space<vmem>> -> memref<8x8x128xf32, #tpu.memory_space<vmem>>
      tpu.enqueue_dma source(%dma_start3A_415 : memref<8x8x128xf32, #tpu.memory_space<vmem>>) target(%dma_start3A_410 : memref<8x8x128xf32, #tpu.memory_space<hbm>>) target_semaphore(%arg10 : memref<!tpu.dma_semaphore, #tpu.memory_space<semaphore_mem>>)
      %add3A_416 = arith.constant 2 : i32
      %add3A_417 = arith.addi %add3A_276, %add3A_416 : i32
      %lt3A = arith.constant 50 : i32
      %lt3A_418 = arith.cmpi slt, %add3A_417, %lt3A : i32
      %convert_element_type3A_419 = arith.extui %lt3A_418 : i1 to i32
      %cond3A_420 = arith.constant 0 : i32
      %cond3A_421 = arith.cmpi ne, %convert_element_type3A_419, %cond3A_420 : i32
      scf.if %cond3A_421 {
        %add3A_576 = arith.constant 2 : i32
        %add3A_577 = arith.addi %add3A_276, %add3A_576 : i32
        %dma_start3A_578 = arith.constant 0 : i32
        %dma_start3A_579 = arith.constant 0 : i32
        %dma_start3A_580 = arith.constant 0 : i32
        %dma_start3A_581 = tpu.memref_slice %arg6[%dma_start3A_578, %dma_start3A_579, %dma_start3A_580] : memref<2x512x64xf32, #tpu.memory_space<vmem>> -> memref<1x512x64xf32, #tpu.memory_space<vmem>>
        %dma_start3A_582 = tpu.memref_squeeze %dma_start3A_581 : memref<1x512x64xf32, #tpu.memory_space<vmem>> -> memref<512x64xf32, #tpu.memory_space<vmem>>
        %dma_start3A_583 = arith.constant 0 : i32
        %dma_start3A_584 = tpu.memref_slice %arg5[%add3A_577, %dma_start3A_583] : memref<50x512xi32, #tpu.memory_space<vmem>> -> memref<1x512xi32, #tpu.memory_space<vmem>>
        %dma_start3A_585 = tpu.memref_squeeze %dma_start3A_584 : memref<1x512xi32, #tpu.memory_space<vmem>> -> memref<512xi32, #tpu.memory_space<vmem>>
        %dma_start3A_586 = arith.constant 0 : i32
        %dma_start3A_587 = arith.constant 0 : i32
        %dma_start3A_588 = tpu.memref_slice %arg2[%dma_start3A_586, %dma_start3A_587] : memref<2000000x64xf32, #tpu.memory_space<hbm>> -> memref<2000000x64xf32, #tpu.memory_space<hbm>>
        tpu.enqueue_indirect_dma source(%dma_start3A_588 : memref<2000000x64xf32, #tpu.memory_space<hbm>>) target(%dma_start3A_582 : memref<512x64xf32, #tpu.memory_space<vmem>>) offsets(%dma_start3A_585 : memref<512xi32, #tpu.memory_space<vmem>>) semaphore(%arg9 : memref<!tpu.dma_semaphore, #tpu.memory_space<semaphore_mem>>)
      } else {
      }
      %add3A_422 = arith.constant 1 : i32
      %add3A_423 = arith.addi %add3A_276, %add3A_422 : i32
      %dma_wait3A_424 = arith.constant 1 : i32
      %dma_wait3A_425 = arith.constant 0 : i32
      %dma_wait3A_426 = arith.constant 0 : i32
      %dma_wait3A_427 = tpu.memref_slice %arg6[%dma_wait3A_424, %dma_wait3A_425, %dma_wait3A_426] : memref<2x512x64xf32, #tpu.memory_space<vmem>> -> memref<1x512x64xf32, #tpu.memory_space<vmem>>
      %dma_wait3A_428 = tpu.memref_squeeze %dma_wait3A_427 : memref<1x512x64xf32, #tpu.memory_space<vmem>> -> memref<512x64xf32, #tpu.memory_space<vmem>>
      %dma_wait3A_429 = arith.constant 0 : i32
      %dma_wait3A_430 = tpu.memref_slice %arg5[%add3A_423, %dma_wait3A_429] : memref<50x512xi32, #tpu.memory_space<vmem>> -> memref<1x512xi32, #tpu.memory_space<vmem>>
      %dma_wait3A_431 = tpu.memref_squeeze %dma_wait3A_430 : memref<1x512xi32, #tpu.memory_space<vmem>> -> memref<512xi32, #tpu.memory_space<vmem>>
      %dma_wait3A_432 = arith.constant 0 : i32
      %dma_wait3A_433 = arith.constant 0 : i32
      %dma_wait3A_434 = tpu.memref_slice %arg2[%dma_wait3A_432, %dma_wait3A_433] : memref<2000000x64xf32, #tpu.memory_space<hbm>> -> memref<2000000x64xf32, #tpu.memory_space<hbm>>
      tpu.wait_indirect_dma semaphore(%arg9 : memref<!tpu.dma_semaphore, #tpu.memory_space<semaphore_mem>>) src(%dma_wait3A_434 : memref<2000000x64xf32, #tpu.memory_space<hbm>>) dst(%dma_wait3A_428 : memref<512x64xf32, #tpu.memory_space<vmem>>)
      %add3A_435 = arith.constant 1 : i32
      %add3A_436 = arith.addi %add3A_276, %add3A_435 : i32
      %ge3A_437 = arith.constant 1 : i32
      %ge3A_438 = arith.cmpi sge, %add3A_436, %ge3A_437 : i32
      %convert_element_type3A_439 = arith.extui %ge3A_438 : i1 to i32
      %cond3A_440 = arith.constant 0 : i32
      %cond3A_441 = arith.cmpi ne, %convert_element_type3A_439, %cond3A_440 : i32
      scf.if %cond3A_441 {
        %mul3A_576 = arith.constant 4 : i32
        %mul3A_577 = arith.muli %add3A, %mul3A_576 : i32
        %add3A_578 = arith.constant 0 : i32
        %add3A_579 = arith.addi %mul3A_577, %add3A_578 : i32
        %dma_wait3A_580 = arith.constant 0 : i32
        %dma_wait3A_581 = arith.constant 0 : i32
        %dma_wait3A_582 = arith.constant 0 : i32
        %dma_wait3A_583 = arith.constant 0 : i32
        %dma_wait3A_584 = tpu.memref_slice %arg7[%dma_wait3A_580, %dma_wait3A_581, %dma_wait3A_582, %dma_wait3A_583] : memref<4x8x8x128xf32, #tpu.memory_space<vmem>> -> memref<1x8x8x128xf32, #tpu.memory_space<vmem>>
        %dma_wait3A_585 = tpu.memref_squeeze %dma_wait3A_584 : memref<1x8x8x128xf32, #tpu.memory_space<vmem>> -> memref<8x8x128xf32, #tpu.memory_space<vmem>>
        %dma_wait3A_586 = arith.constant 0 : i32
        %dma_wait3A_587 = arith.constant 0 : i32
        %dma_wait3A_588 = arith.constant 0 : i32
        %dma_wait3A_589 = tpu.memref_slice %arg4[%add3A_436, %dma_wait3A_586, %add3A_579, %dma_wait3A_587, %dma_wait3A_588] : memref<50x8x128x8x128xf32, #tpu.memory_space<hbm>> -> memref<1x8x1x8x128xf32, #tpu.memory_space<hbm>>
        %dma_wait3A_590 = tpu.memref_squeeze %dma_wait3A_589 : memref<1x8x1x8x128xf32, #tpu.memory_space<hbm>> -> memref<8x8x128xf32, #tpu.memory_space<hbm>>
        %dma_wait3A_591 = arith.constant 0 : i32
        %dma_wait3A_592 = arith.constant 0 : i32
        %dma_wait3A_593 = arith.constant 0 : i32
        %dma_wait3A_594 = tpu.memref_slice %arg4[%add3A_436, %dma_wait3A_591, %add3A_579, %dma_wait3A_592, %dma_wait3A_593] : memref<50x8x128x8x128xf32, #tpu.memory_space<hbm>> -> memref<1x8x1x8x128xf32, #tpu.memory_space<hbm>>
        %dma_wait3A_595 = tpu.memref_squeeze %dma_wait3A_594 : memref<1x8x1x8x128xf32, #tpu.memory_space<hbm>> -> memref<8x8x128xf32, #tpu.memory_space<hbm>>
        %dma_wait3A_596 = arith.constant 0 : i32
        %dma_wait3A_597 = arith.constant 0 : i32
        %dma_wait3A_598 = arith.constant 0 : i32
        %dma_wait3A_599 = tpu.memref_slice %arg7[%dma_wait3A_580, %dma_wait3A_596, %dma_wait3A_597, %dma_wait3A_598] : memref<4x8x8x128xf32, #tpu.memory_space<vmem>> -> memref<1x8x8x128xf32, #tpu.memory_space<vmem>>
        %dma_wait3A_600 = tpu.memref_squeeze %dma_wait3A_599 : memref<1x8x8x128xf32, #tpu.memory_space<vmem>> -> memref<8x8x128xf32, #tpu.memory_space<vmem>>
        tpu.wait_dma2 semaphore(%arg10 : memref<!tpu.dma_semaphore, #tpu.memory_space<semaphore_mem>>) src(%dma_wait3A_600 : memref<8x8x128xf32, #tpu.memory_space<vmem>>) dst(%dma_wait3A_595 : memref<8x8x128xf32, #tpu.memory_space<hbm>>)
      } else {
      }
      %parallel_loop3A_442 = arith.constant 0 : i32
      %parallel_loop3A_443 = arith.constant 128 : i32
      %parallel_loop3A_444 = arith.constant 1 : i32
      scf.for %parallel_loop3A_576 = %parallel_loop3A_442 to %parallel_loop3A_443 step %parallel_loop3A_444  : i32 {
        %parallel_loop3A_577 = arith.constant 0 : i32
        %parallel_loop3A_578 = vector.broadcast %parallel_loop3A_577 : i32 to vector<16xi32>
        %parallel_loop3A_579 = vector.broadcast %parallel_loop3A_576 : i32 to vector<16xi32>
        %parallel_loop3A_580 = arith.addi %parallel_loop3A_578, %parallel_loop3A_579 : vector<16xi32>
        %parallel_loop3A_581 = arith.constant 0 : i32
        %parallel_loop3A_582 = arith.addi %parallel_loop3A_581, %parallel_loop3A_576 : i32
        %parallel_loop3A_583 = arith.constant 1 : i32
        %parallel_loop3A_584 = arith.index_cast %parallel_loop3A_583 : i32 to index
        %parallel_loop3A_585 = arith.index_cast %parallel_loop3A_582 : i32 to index
        %parallel_loop3A_586 = arith.constant 0 : index
        %parallel_loop3A_587 = tpu.vector_load %arg6[%parallel_loop3A_584, %parallel_loop3A_585, %parallel_loop3A_586] {strides = array<i32>} : memref<2x512x64xf32, #tpu.memory_space<vmem>>, vector<16xf32>,
        %parallel_loop3A_588 = arith.constant 0 : i32
        %parallel_loop3A_589 = arith.constant 0 : i32
        %parallel_loop3A_590 = arith.constant 0 : i32
        %parallel_loop3A_591 = arith.constant 0 : i32
        %parallel_loop3A_592 = tpu.memref_slice %arg7[%parallel_loop3A_588, %parallel_loop3A_589, %parallel_loop3A_590, %parallel_loop3A_591] : memref<4x8x8x128xf32, #tpu.memory_space<vmem>> -> memref<1x8x8x128xf32, #tpu.memory_space<vmem>>
        %parallel_loop3A_593 = tpu.memref_squeeze %parallel_loop3A_592 : memref<1x8x8x128xf32, #tpu.memory_space<vmem>> -> memref<8x8x128xf32, #tpu.memory_space<vmem>>
        tpu.vector_store_idx %parallel_loop3A_593[%add3A_37, %rem3A_10, %parallel_loop3A_580], %parallel_loop3A_587 : memref<8x8x128xf32, #tpu.memory_space<vmem>>[vector<16xi32>, vector<16xi32>, vector<16xi32>], vector<16xf32>,
        %parallel_loop3A_594 = arith.constant 0 : i32
        %parallel_loop3A_595 = arith.addi %parallel_loop3A_594, %parallel_loop3A_576 : i32
        %parallel_loop3A_596 = arith.constant 1 : i32
        %parallel_loop3A_597 = arith.index_cast %parallel_loop3A_596 : i32 to index
        %parallel_loop3A_598 = arith.index_cast %parallel_loop3A_595 : i32 to index
        %parallel_loop3A_599 = arith.constant 16 : index
        %parallel_loop3A_600 = tpu.vector_load %arg6[%parallel_loop3A_597, %parallel_loop3A_598, %parallel_loop3A_599] {strides = array<i32>} : memref<2x512x64xf32, #tpu.memory_space<vmem>>, vector<16xf32>,
        %parallel_loop3A_601 = arith.constant 0 : i32
        %parallel_loop3A_602 = arith.constant 0 : i32
        %parallel_loop3A_603 = arith.constant 0 : i32
        %parallel_loop3A_604 = arith.constant 0 : i32
        %parallel_loop3A_605 = tpu.memref_slice %arg7[%parallel_loop3A_601, %parallel_loop3A_602, %parallel_loop3A_603, %parallel_loop3A_604] : memref<4x8x8x128xf32, #tpu.memory_space<vmem>> -> memref<1x8x8x128xf32, #tpu.memory_space<vmem>>
        %parallel_loop3A_606 = tpu.memref_squeeze %parallel_loop3A_605 : memref<1x8x8x128xf32, #tpu.memory_space<vmem>> -> memref<8x8x128xf32, #tpu.memory_space<vmem>>
        tpu.vector_store_idx %parallel_loop3A_606[%add3A_71, %rem3A_10, %parallel_loop3A_580], %parallel_loop3A_600 : memref<8x8x128xf32, #tpu.memory_space<vmem>>[vector<16xi32>, vector<16xi32>, vector<16xi32>], vector<16xf32>,
        %parallel_loop3A_607 = arith.constant 0 : i32
        %parallel_loop3A_608 = arith.addi %parallel_loop3A_607, %parallel_loop3A_576 : i32
        %parallel_loop3A_609 = arith.constant 1 : i32
        %parallel_loop3A_610 = arith.index_cast %parallel_loop3A_609 : i32 to index
        %parallel_loop3A_611 = arith.index_cast %parallel_loop3A_608 : i32 to index
        %parallel_loop3A_612 = arith.constant 32 : index
        %parallel_loop3A_613 = tpu.vector_load %arg6[%parallel_loop3A_610, %parallel_loop3A_611, %parallel_loop3A_612] {strides = array<i32>} : memref<2x512x64xf32, #tpu.memory_space<vmem>>, vector<16xf32>,
        %parallel_loop3A_614 = arith.constant 0 : i32
        %parallel_loop3A_615 = arith.constant 0 : i32
        %parallel_loop3A_616 = arith.constant 0 : i32
        %parallel_loop3A_617 = arith.constant 0 : i32
        %parallel_loop3A_618 = tpu.memref_slice %arg7[%parallel_loop3A_614, %parallel_loop3A_615, %parallel_loop3A_616, %parallel_loop3A_617] : memref<4x8x8x128xf32, #tpu.memory_space<vmem>> -> memref<1x8x8x128xf32, #tpu.memory_space<vmem>>
        %parallel_loop3A_619 = tpu.memref_squeeze %parallel_loop3A_618 : memref<1x8x8x128xf32, #tpu.memory_space<vmem>> -> memref<8x8x128xf32, #tpu.memory_space<vmem>>
        tpu.vector_store_idx %parallel_loop3A_619[%add3A_105, %rem3A_10, %parallel_loop3A_580], %parallel_loop3A_613 : memref<8x8x128xf32, #tpu.memory_space<vmem>>[vector<16xi32>, vector<16xi32>, vector<16xi32>], vector<16xf32>,
        %parallel_loop3A_620 = arith.constant 0 : i32
        %parallel_loop3A_621 = arith.addi %parallel_loop3A_620, %parallel_loop3A_576 : i32
        %parallel_loop3A_622 = arith.constant 1 : i32
        %parallel_loop3A_623 = arith.index_cast %parallel_loop3A_622 : i32 to index
        %parallel_loop3A_624 = arith.index_cast %parallel_loop3A_621 : i32 to index
        %parallel_loop3A_625 = arith.constant 48 : index
        %parallel_loop3A_626 = tpu.vector_load %arg6[%parallel_loop3A_623, %parallel_loop3A_624, %parallel_loop3A_625] {strides = array<i32>} : memref<2x512x64xf32, #tpu.memory_space<vmem>>, vector<16xf32>,
        %parallel_loop3A_627 = arith.constant 0 : i32
        %parallel_loop3A_628 = arith.constant 0 : i32
        %parallel_loop3A_629 = arith.constant 0 : i32
        %parallel_loop3A_630 = arith.constant 0 : i32
        %parallel_loop3A_631 = tpu.memref_slice %arg7[%parallel_loop3A_627, %parallel_loop3A_628, %parallel_loop3A_629, %parallel_loop3A_630] : memref<4x8x8x128xf32, #tpu.memory_space<vmem>> -> memref<1x8x8x128xf32, #tpu.memory_space<vmem>>
        %parallel_loop3A_632 = tpu.memref_squeeze %parallel_loop3A_631 : memref<1x8x8x128xf32, #tpu.memory_space<vmem>> -> memref<8x8x128xf32, #tpu.memory_space<vmem>>
        tpu.vector_store_idx %parallel_loop3A_632[%add3A_139, %rem3A_10, %parallel_loop3A_580], %parallel_loop3A_626 : memref<8x8x128xf32, #tpu.memory_space<vmem>>[vector<16xi32>, vector<16xi32>, vector<16xi32>], vector<16xf32>,
      } {sc.loop_unroll_factor = 8 : i64, sc.parallel_access}
      %mul3A_445 = arith.constant 4 : i32
      %mul3A_446 = arith.muli %add3A, %mul3A_445 : i32
      %add3A_447 = arith.constant 0 : i32
      %add3A_448 = arith.addi %mul3A_446, %add3A_447 : i32
      %dma_start3A_449 = arith.constant 0 : i32
      %dma_start3A_450 = arith.constant 0 : i32
      %dma_start3A_451 = arith.constant 0 : i32
      %dma_start3A_452 = arith.constant 0 : i32
      %dma_start3A_453 = tpu.memref_slice %arg7[%dma_start3A_449, %dma_start3A_450, %dma_start3A_451, %dma_start3A_452] : memref<4x8x8x128xf32, #tpu.memory_space<vmem>> -> memref<1x8x8x128xf32, #tpu.memory_space<vmem>>
      %dma_start3A_454 = tpu.memref_squeeze %dma_start3A_453 : memref<1x8x8x128xf32, #tpu.memory_space<vmem>> -> memref<8x8x128xf32, #tpu.memory_space<vmem>>
      %dma_start3A_455 = arith.constant 0 : i32
      %dma_start3A_456 = arith.constant 0 : i32
      %dma_start3A_457 = arith.constant 0 : i32
      %dma_start3A_458 = tpu.memref_slice %arg4[%add3A_436, %dma_start3A_455, %add3A_448, %dma_start3A_456, %dma_start3A_457] : memref<50x8x128x8x128xf32, #tpu.memory_space<hbm>> -> memref<1x8x1x8x128xf32, #tpu.memory_space<hbm>>
      %dma_start3A_459 = tpu.memref_squeeze %dma_start3A_458 : memref<1x8x1x8x128xf32, #tpu.memory_space<hbm>> -> memref<8x8x128xf32, #tpu.memory_space<hbm>>
      %dma_start3A_460 = arith.constant 0 : i32
      %dma_start3A_461 = arith.constant 0 : i32
      %dma_start3A_462 = arith.constant 0 : i32
      %dma_start3A_463 = tpu.memref_slice %arg4[%add3A_436, %dma_start3A_460, %add3A_448, %dma_start3A_461, %dma_start3A_462] : memref<50x8x128x8x128xf32, #tpu.memory_space<hbm>> -> memref<1x8x1x8x128xf32, #tpu.memory_space<hbm>>
      %dma_start3A_464 = tpu.memref_squeeze %dma_start3A_463 : memref<1x8x1x8x128xf32, #tpu.memory_space<hbm>> -> memref<8x8x128xf32, #tpu.memory_space<hbm>>
      %dma_start3A_465 = arith.constant 0 : i32
      %dma_start3A_466 = arith.constant 0 : i32
      %dma_start3A_467 = arith.constant 0 : i32
      %dma_start3A_468 = tpu.memref_slice %arg7[%dma_start3A_449, %dma_start3A_465, %dma_start3A_466, %dma_start3A_467] : memref<4x8x8x128xf32, #tpu.memory_space<vmem>> -> memref<1x8x8x128xf32, #tpu.memory_space<vmem>>
      %dma_start3A_469 = tpu.memref_squeeze %dma_start3A_468 : memref<1x8x8x128xf32, #tpu.memory_space<vmem>> -> memref<8x8x128xf32, #tpu.memory_space<vmem>>
      tpu.enqueue_dma source(%dma_start3A_469 : memref<8x8x128xf32, #tpu.memory_space<vmem>>) target(%dma_start3A_464 : memref<8x8x128xf32, #tpu.memory_space<hbm>>) target_semaphore(%arg10 : memref<!tpu.dma_semaphore, #tpu.memory_space<semaphore_mem>>)
      %ge3A_470 = arith.constant 1 : i32
      %ge3A_471 = arith.cmpi sge, %add3A_436, %ge3A_470 : i32
      %convert_element_type3A_472 = arith.extui %ge3A_471 : i1 to i32
      %cond3A_473 = arith.constant 0 : i32
      %cond3A_474 = arith.cmpi ne, %convert_element_type3A_472, %cond3A_473 : i32
      scf.if %cond3A_474 {
        %mul3A_576 = arith.constant 4 : i32
        %mul3A_577 = arith.muli %add3A, %mul3A_576 : i32
        %add3A_578 = arith.constant 1 : i32
        %add3A_579 = arith.addi %mul3A_577, %add3A_578 : i32
        %dma_wait3A_580 = arith.constant 1 : i32
        %dma_wait3A_581 = arith.constant 0 : i32
        %dma_wait3A_582 = arith.constant 0 : i32
        %dma_wait3A_583 = arith.constant 0 : i32
        %dma_wait3A_584 = tpu.memref_slice %arg7[%dma_wait3A_580, %dma_wait3A_581, %dma_wait3A_582, %dma_wait3A_583] : memref<4x8x8x128xf32, #tpu.memory_space<vmem>> -> memref<1x8x8x128xf32, #tpu.memory_space<vmem>>
        %dma_wait3A_585 = tpu.memref_squeeze %dma_wait3A_584 : memref<1x8x8x128xf32, #tpu.memory_space<vmem>> -> memref<8x8x128xf32, #tpu.memory_space<vmem>>
        %dma_wait3A_586 = arith.constant 0 : i32
        %dma_wait3A_587 = arith.constant 0 : i32
        %dma_wait3A_588 = arith.constant 0 : i32
        %dma_wait3A_589 = tpu.memref_slice %arg4[%add3A_436, %dma_wait3A_586, %add3A_579, %dma_wait3A_587, %dma_wait3A_588] : memref<50x8x128x8x128xf32, #tpu.memory_space<hbm>> -> memref<1x8x1x8x128xf32, #tpu.memory_space<hbm>>
        %dma_wait3A_590 = tpu.memref_squeeze %dma_wait3A_589 : memref<1x8x1x8x128xf32, #tpu.memory_space<hbm>> -> memref<8x8x128xf32, #tpu.memory_space<hbm>>
        %dma_wait3A_591 = arith.constant 0 : i32
        %dma_wait3A_592 = arith.constant 0 : i32
        %dma_wait3A_593 = arith.constant 0 : i32
        %dma_wait3A_594 = tpu.memref_slice %arg4[%add3A_436, %dma_wait3A_591, %add3A_579, %dma_wait3A_592, %dma_wait3A_593] : memref<50x8x128x8x128xf32, #tpu.memory_space<hbm>> -> memref<1x8x1x8x128xf32, #tpu.memory_space<hbm>>
        %dma_wait3A_595 = tpu.memref_squeeze %dma_wait3A_594 : memref<1x8x1x8x128xf32, #tpu.memory_space<hbm>> -> memref<8x8x128xf32, #tpu.memory_space<hbm>>
        %dma_wait3A_596 = arith.constant 0 : i32
        %dma_wait3A_597 = arith.constant 0 : i32
        %dma_wait3A_598 = arith.constant 0 : i32
        %dma_wait3A_599 = tpu.memref_slice %arg7[%dma_wait3A_580, %dma_wait3A_596, %dma_wait3A_597, %dma_wait3A_598] : memref<4x8x8x128xf32, #tpu.memory_space<vmem>> -> memref<1x8x8x128xf32, #tpu.memory_space<vmem>>
        %dma_wait3A_600 = tpu.memref_squeeze %dma_wait3A_599 : memref<1x8x8x128xf32, #tpu.memory_space<vmem>> -> memref<8x8x128xf32, #tpu.memory_space<vmem>>
        tpu.wait_dma2 semaphore(%arg10 : memref<!tpu.dma_semaphore, #tpu.memory_space<semaphore_mem>>) src(%dma_wait3A_600 : memref<8x8x128xf32, #tpu.memory_space<vmem>>) dst(%dma_wait3A_595 : memref<8x8x128xf32, #tpu.memory_space<hbm>>)
      } else {
      }
      %parallel_loop3A_475 = arith.constant 0 : i32
      %parallel_loop3A_476 = arith.constant 128 : i32
      %parallel_loop3A_477 = arith.constant 1 : i32
      scf.for %parallel_loop3A_576 = %parallel_loop3A_475 to %parallel_loop3A_476 step %parallel_loop3A_477  : i32 {
        %parallel_loop3A_577 = arith.constant 0 : i32
        %parallel_loop3A_578 = vector.broadcast %parallel_loop3A_577 : i32 to vector<16xi32>
        %parallel_loop3A_579 = vector.broadcast %parallel_loop3A_576 : i32 to vector<16xi32>
        %parallel_loop3A_580 = arith.addi %parallel_loop3A_578, %parallel_loop3A_579 : vector<16xi32>
        %parallel_loop3A_581 = arith.constant 128 : i32
        %parallel_loop3A_582 = arith.addi %parallel_loop3A_581, %parallel_loop3A_576 : i32
        %parallel_loop3A_583 = arith.constant 1 : i32
        %parallel_loop3A_584 = arith.index_cast %parallel_loop3A_583 : i32 to index
        %parallel_loop3A_585 = arith.index_cast %parallel_loop3A_582 : i32 to index
        %parallel_loop3A_586 = arith.constant 0 : index
        %parallel_loop3A_587 = tpu.vector_load %arg6[%parallel_loop3A_584, %parallel_loop3A_585, %parallel_loop3A_586] {strides = array<i32>} : memref<2x512x64xf32, #tpu.memory_space<vmem>>, vector<16xf32>,
        %parallel_loop3A_588 = arith.constant 1 : i32
        %parallel_loop3A_589 = arith.constant 0 : i32
        %parallel_loop3A_590 = arith.constant 0 : i32
        %parallel_loop3A_591 = arith.constant 0 : i32
        %parallel_loop3A_592 = tpu.memref_slice %arg7[%parallel_loop3A_588, %parallel_loop3A_589, %parallel_loop3A_590, %parallel_loop3A_591] : memref<4x8x8x128xf32, #tpu.memory_space<vmem>> -> memref<1x8x8x128xf32, #tpu.memory_space<vmem>>
        %parallel_loop3A_593 = tpu.memref_squeeze %parallel_loop3A_592 : memref<1x8x8x128xf32, #tpu.memory_space<vmem>> -> memref<8x8x128xf32, #tpu.memory_space<vmem>>
        tpu.vector_store_idx %parallel_loop3A_593[%add3A_37, %rem3A_10, %parallel_loop3A_580], %parallel_loop3A_587 : memref<8x8x128xf32, #tpu.memory_space<vmem>>[vector<16xi32>, vector<16xi32>, vector<16xi32>], vector<16xf32>,
        %parallel_loop3A_594 = arith.constant 128 : i32
        %parallel_loop3A_595 = arith.addi %parallel_loop3A_594, %parallel_loop3A_576 : i32
        %parallel_loop3A_596 = arith.constant 1 : i32
        %parallel_loop3A_597 = arith.index_cast %parallel_loop3A_596 : i32 to index
        %parallel_loop3A_598 = arith.index_cast %parallel_loop3A_595 : i32 to index
        %parallel_loop3A_599 = arith.constant 16 : index
        %parallel_loop3A_600 = tpu.vector_load %arg6[%parallel_loop3A_597, %parallel_loop3A_598, %parallel_loop3A_599] {strides = array<i32>} : memref<2x512x64xf32, #tpu.memory_space<vmem>>, vector<16xf32>,
        %parallel_loop3A_601 = arith.constant 1 : i32
        %parallel_loop3A_602 = arith.constant 0 : i32
        %parallel_loop3A_603 = arith.constant 0 : i32
        %parallel_loop3A_604 = arith.constant 0 : i32
        %parallel_loop3A_605 = tpu.memref_slice %arg7[%parallel_loop3A_601, %parallel_loop3A_602, %parallel_loop3A_603, %parallel_loop3A_604] : memref<4x8x8x128xf32, #tpu.memory_space<vmem>> -> memref<1x8x8x128xf32, #tpu.memory_space<vmem>>
        %parallel_loop3A_606 = tpu.memref_squeeze %parallel_loop3A_605 : memref<1x8x8x128xf32, #tpu.memory_space<vmem>> -> memref<8x8x128xf32, #tpu.memory_space<vmem>>
        tpu.vector_store_idx %parallel_loop3A_606[%add3A_71, %rem3A_10, %parallel_loop3A_580], %parallel_loop3A_600 : memref<8x8x128xf32, #tpu.memory_space<vmem>>[vector<16xi32>, vector<16xi32>, vector<16xi32>], vector<16xf32>,
        %parallel_loop3A_607 = arith.constant 128 : i32
        %parallel_loop3A_608 = arith.addi %parallel_loop3A_607, %parallel_loop3A_576 : i32
        %parallel_loop3A_609 = arith.constant 1 : i32
        %parallel_loop3A_610 = arith.index_cast %parallel_loop3A_609 : i32 to index
        %parallel_loop3A_611 = arith.index_cast %parallel_loop3A_608 : i32 to index
        %parallel_loop3A_612 = arith.constant 32 : index
        %parallel_loop3A_613 = tpu.vector_load %arg6[%parallel_loop3A_610, %parallel_loop3A_611, %parallel_loop3A_612] {strides = array<i32>} : memref<2x512x64xf32, #tpu.memory_space<vmem>>, vector<16xf32>,
        %parallel_loop3A_614 = arith.constant 1 : i32
        %parallel_loop3A_615 = arith.constant 0 : i32
        %parallel_loop3A_616 = arith.constant 0 : i32
        %parallel_loop3A_617 = arith.constant 0 : i32
        %parallel_loop3A_618 = tpu.memref_slice %arg7[%parallel_loop3A_614, %parallel_loop3A_615, %parallel_loop3A_616, %parallel_loop3A_617] : memref<4x8x8x128xf32, #tpu.memory_space<vmem>> -> memref<1x8x8x128xf32, #tpu.memory_space<vmem>>
        %parallel_loop3A_619 = tpu.memref_squeeze %parallel_loop3A_618 : memref<1x8x8x128xf32, #tpu.memory_space<vmem>> -> memref<8x8x128xf32, #tpu.memory_space<vmem>>
        tpu.vector_store_idx %parallel_loop3A_619[%add3A_105, %rem3A_10, %parallel_loop3A_580], %parallel_loop3A_613 : memref<8x8x128xf32, #tpu.memory_space<vmem>>[vector<16xi32>, vector<16xi32>, vector<16xi32>], vector<16xf32>,
        %parallel_loop3A_620 = arith.constant 128 : i32
        %parallel_loop3A_621 = arith.addi %parallel_loop3A_620, %parallel_loop3A_576 : i32
        %parallel_loop3A_622 = arith.constant 1 : i32
        %parallel_loop3A_623 = arith.index_cast %parallel_loop3A_622 : i32 to index
        %parallel_loop3A_624 = arith.index_cast %parallel_loop3A_621 : i32 to index
        %parallel_loop3A_625 = arith.constant 48 : index
        %parallel_loop3A_626 = tpu.vector_load %arg6[%parallel_loop3A_623, %parallel_loop3A_624, %parallel_loop3A_625] {strides = array<i32>} : memref<2x512x64xf32, #tpu.memory_space<vmem>>, vector<16xf32>,
        %parallel_loop3A_627 = arith.constant 1 : i32
        %parallel_loop3A_628 = arith.constant 0 : i32
        %parallel_loop3A_629 = arith.constant 0 : i32
        %parallel_loop3A_630 = arith.constant 0 : i32
        %parallel_loop3A_631 = tpu.memref_slice %arg7[%parallel_loop3A_627, %parallel_loop3A_628, %parallel_loop3A_629, %parallel_loop3A_630] : memref<4x8x8x128xf32, #tpu.memory_space<vmem>> -> memref<1x8x8x128xf32, #tpu.memory_space<vmem>>
        %parallel_loop3A_632 = tpu.memref_squeeze %parallel_loop3A_631 : memref<1x8x8x128xf32, #tpu.memory_space<vmem>> -> memref<8x8x128xf32, #tpu.memory_space<vmem>>
        tpu.vector_store_idx %parallel_loop3A_632[%add3A_139, %rem3A_10, %parallel_loop3A_580], %parallel_loop3A_626 : memref<8x8x128xf32, #tpu.memory_space<vmem>>[vector<16xi32>, vector<16xi32>, vector<16xi32>], vector<16xf32>,
      } {sc.loop_unroll_factor = 8 : i64, sc.parallel_access}
      %mul3A_478 = arith.constant 4 : i32
      %mul3A_479 = arith.muli %add3A, %mul3A_478 : i32
      %add3A_480 = arith.constant 1 : i32
      %add3A_481 = arith.addi %mul3A_479, %add3A_480 : i32
      %dma_start3A_482 = arith.constant 1 : i32
      %dma_start3A_483 = arith.constant 0 : i32
      %dma_start3A_484 = arith.constant 0 : i32
      %dma_start3A_485 = arith.constant 0 : i32
      %dma_start3A_486 = tpu.memref_slice %arg7[%dma_start3A_482, %dma_start3A_483, %dma_start3A_484, %dma_start3A_485] : memref<4x8x8x128xf32, #tpu.memory_space<vmem>> -> memref<1x8x8x128xf32, #tpu.memory_space<vmem>>
      %dma_start3A_487 = tpu.memref_squeeze %dma_start3A_486 : memref<1x8x8x128xf32, #tpu.memory_space<vmem>> -> memref<8x8x128xf32, #tpu.memory_space<vmem>>
      %dma_start3A_488 = arith.constant 0 : i32
      %dma_start3A_489 = arith.constant 0 : i32
      %dma_start3A_490 = arith.constant 0 : i32
      %dma_start3A_491 = tpu.memref_slice %arg4[%add3A_436, %dma_start3A_488, %add3A_481, %dma_start3A_489, %dma_start3A_490] : memref<50x8x128x8x128xf32, #tpu.memory_space<hbm>> -> memref<1x8x1x8x128xf32, #tpu.memory_space<hbm>>
      %dma_start3A_492 = tpu.memref_squeeze %dma_start3A_491 : memref<1x8x1x8x128xf32, #tpu.memory_space<hbm>> -> memref<8x8x128xf32, #tpu.memory_space<hbm>>
      %dma_start3A_493 = arith.constant 0 : i32
      %dma_start3A_494 = arith.constant 0 : i32
      %dma_start3A_495 = arith.constant 0 : i32
      %dma_start3A_496 = tpu.memref_slice %arg4[%add3A_436, %dma_start3A_493, %add3A_481, %dma_start3A_494, %dma_start3A_495] : memref<50x8x128x8x128xf32, #tpu.memory_space<hbm>> -> memref<1x8x1x8x128xf32, #tpu.memory_space<hbm>>
      %dma_start3A_497 = tpu.memref_squeeze %dma_start3A_496 : memref<1x8x1x8x128xf32, #tpu.memory_space<hbm>> -> memref<8x8x128xf32, #tpu.memory_space<hbm>>
      %dma_start3A_498 = arith.constant 0 : i32
      %dma_start3A_499 = arith.constant 0 : i32
      %dma_start3A_500 = arith.constant 0 : i32
      %dma_start3A_501 = tpu.memref_slice %arg7[%dma_start3A_482, %dma_start3A_498, %dma_start3A_499, %dma_start3A_500] : memref<4x8x8x128xf32, #tpu.memory_space<vmem>> -> memref<1x8x8x128xf32, #tpu.memory_space<vmem>>
      %dma_start3A_502 = tpu.memref_squeeze %dma_start3A_501 : memref<1x8x8x128xf32, #tpu.memory_space<vmem>> -> memref<8x8x128xf32, #tpu.memory_space<vmem>>
      tpu.enqueue_dma source(%dma_start3A_502 : memref<8x8x128xf32, #tpu.memory_space<vmem>>) target(%dma_start3A_497 : memref<8x8x128xf32, #tpu.memory_space<hbm>>) target_semaphore(%arg10 : memref<!tpu.dma_semaphore, #tpu.memory_space<semaphore_mem>>)
      %ge3A_503 = arith.constant 1 : i32
      %ge3A_504 = arith.cmpi sge, %add3A_436, %ge3A_503 : i32
      %convert_element_type3A_505 = arith.extui %ge3A_504 : i1 to i32
      %cond3A_506 = arith.constant 0 : i32
      %cond3A_507 = arith.cmpi ne, %convert_element_type3A_505, %cond3A_506 : i32
      scf.if %cond3A_507 {
        %mul3A_576 = arith.constant 4 : i32
        %mul3A_577 = arith.muli %add3A, %mul3A_576 : i32
        %add3A_578 = arith.constant 2 : i32
        %add3A_579 = arith.addi %mul3A_577, %add3A_578 : i32
        %dma_wait3A_580 = arith.constant 2 : i32
        %dma_wait3A_581 = arith.constant 0 : i32
        %dma_wait3A_582 = arith.constant 0 : i32
        %dma_wait3A_583 = arith.constant 0 : i32
        %dma_wait3A_584 = tpu.memref_slice %arg7[%dma_wait3A_580, %dma_wait3A_581, %dma_wait3A_582, %dma_wait3A_583] : memref<4x8x8x128xf32, #tpu.memory_space<vmem>> -> memref<1x8x8x128xf32, #tpu.memory_space<vmem>>
        %dma_wait3A_585 = tpu.memref_squeeze %dma_wait3A_584 : memref<1x8x8x128xf32, #tpu.memory_space<vmem>> -> memref<8x8x128xf32, #tpu.memory_space<vmem>>
        %dma_wait3A_586 = arith.constant 0 : i32
        %dma_wait3A_587 = arith.constant 0 : i32
        %dma_wait3A_588 = arith.constant 0 : i32
        %dma_wait3A_589 = tpu.memref_slice %arg4[%add3A_436, %dma_wait3A_586, %add3A_579, %dma_wait3A_587, %dma_wait3A_588] : memref<50x8x128x8x128xf32, #tpu.memory_space<hbm>> -> memref<1x8x1x8x128xf32, #tpu.memory_space<hbm>>
        %dma_wait3A_590 = tpu.memref_squeeze %dma_wait3A_589 : memref<1x8x1x8x128xf32, #tpu.memory_space<hbm>> -> memref<8x8x128xf32, #tpu.memory_space<hbm>>
        %dma_wait3A_591 = arith.constant 0 : i32
        %dma_wait3A_592 = arith.constant 0 : i32
        %dma_wait3A_593 = arith.constant 0 : i32
        %dma_wait3A_594 = tpu.memref_slice %arg4[%add3A_436, %dma_wait3A_591, %add3A_579, %dma_wait3A_592, %dma_wait3A_593] : memref<50x8x128x8x128xf32, #tpu.memory_space<hbm>> -> memref<1x8x1x8x128xf32, #tpu.memory_space<hbm>>
        %dma_wait3A_595 = tpu.memref_squeeze %dma_wait3A_594 : memref<1x8x1x8x128xf32, #tpu.memory_space<hbm>> -> memref<8x8x128xf32, #tpu.memory_space<hbm>>
        %dma_wait3A_596 = arith.constant 0 : i32
        %dma_wait3A_597 = arith.constant 0 : i32
        %dma_wait3A_598 = arith.constant 0 : i32
        %dma_wait3A_599 = tpu.memref_slice %arg7[%dma_wait3A_580, %dma_wait3A_596, %dma_wait3A_597, %dma_wait3A_598] : memref<4x8x8x128xf32, #tpu.memory_space<vmem>> -> memref<1x8x8x128xf32, #tpu.memory_space<vmem>>
        %dma_wait3A_600 = tpu.memref_squeeze %dma_wait3A_599 : memref<1x8x8x128xf32, #tpu.memory_space<vmem>> -> memref<8x8x128xf32, #tpu.memory_space<vmem>>
        tpu.wait_dma2 semaphore(%arg10 : memref<!tpu.dma_semaphore, #tpu.memory_space<semaphore_mem>>) src(%dma_wait3A_600 : memref<8x8x128xf32, #tpu.memory_space<vmem>>) dst(%dma_wait3A_595 : memref<8x8x128xf32, #tpu.memory_space<hbm>>)
      } else {
      }
      %parallel_loop3A_508 = arith.constant 0 : i32
      %parallel_loop3A_509 = arith.constant 128 : i32
      %parallel_loop3A_510 = arith.constant 1 : i32
      scf.for %parallel_loop3A_576 = %parallel_loop3A_508 to %parallel_loop3A_509 step %parallel_loop3A_510  : i32 {
        %parallel_loop3A_577 = arith.constant 0 : i32
        %parallel_loop3A_578 = vector.broadcast %parallel_loop3A_577 : i32 to vector<16xi32>
        %parallel_loop3A_579 = vector.broadcast %parallel_loop3A_576 : i32 to vector<16xi32>
        %parallel_loop3A_580 = arith.addi %parallel_loop3A_578, %parallel_loop3A_579 : vector<16xi32>
        %parallel_loop3A_581 = arith.constant 256 : i32
        %parallel_loop3A_582 = arith.addi %parallel_loop3A_581, %parallel_loop3A_576 : i32
        %parallel_loop3A_583 = arith.constant 1 : i32
        %parallel_loop3A_584 = arith.index_cast %parallel_loop3A_583 : i32 to index
        %parallel_loop3A_585 = arith.index_cast %parallel_loop3A_582 : i32 to index
        %parallel_loop3A_586 = arith.constant 0 : index
        %parallel_loop3A_587 = tpu.vector_load %arg6[%parallel_loop3A_584, %parallel_loop3A_585, %parallel_loop3A_586] {strides = array<i32>} : memref<2x512x64xf32, #tpu.memory_space<vmem>>, vector<16xf32>,
        %parallel_loop3A_588 = arith.constant 2 : i32
        %parallel_loop3A_589 = arith.constant 0 : i32
        %parallel_loop3A_590 = arith.constant 0 : i32
        %parallel_loop3A_591 = arith.constant 0 : i32
        %parallel_loop3A_592 = tpu.memref_slice %arg7[%parallel_loop3A_588, %parallel_loop3A_589, %parallel_loop3A_590, %parallel_loop3A_591] : memref<4x8x8x128xf32, #tpu.memory_space<vmem>> -> memref<1x8x8x128xf32, #tpu.memory_space<vmem>>
        %parallel_loop3A_593 = tpu.memref_squeeze %parallel_loop3A_592 : memref<1x8x8x128xf32, #tpu.memory_space<vmem>> -> memref<8x8x128xf32, #tpu.memory_space<vmem>>
        tpu.vector_store_idx %parallel_loop3A_593[%add3A_37, %rem3A_10, %parallel_loop3A_580], %parallel_loop3A_587 : memref<8x8x128xf32, #tpu.memory_space<vmem>>[vector<16xi32>, vector<16xi32>, vector<16xi32>], vector<16xf32>,
        %parallel_loop3A_594 = arith.constant 256 : i32
        %parallel_loop3A_595 = arith.addi %parallel_loop3A_594, %parallel_loop3A_576 : i32
        %parallel_loop3A_596 = arith.constant 1 : i32
        %parallel_loop3A_597 = arith.index_cast %parallel_loop3A_596 : i32 to index
        %parallel_loop3A_598 = arith.index_cast %parallel_loop3A_595 : i32 to index
        %parallel_loop3A_599 = arith.constant 16 : index
        %parallel_loop3A_600 = tpu.vector_load %arg6[%parallel_loop3A_597, %parallel_loop3A_598, %parallel_loop3A_599] {strides = array<i32>} : memref<2x512x64xf32, #tpu.memory_space<vmem>>, vector<16xf32>,
        %parallel_loop3A_601 = arith.constant 2 : i32
        %parallel_loop3A_602 = arith.constant 0 : i32
        %parallel_loop3A_603 = arith.constant 0 : i32
        %parallel_loop3A_604 = arith.constant 0 : i32
        %parallel_loop3A_605 = tpu.memref_slice %arg7[%parallel_loop3A_601, %parallel_loop3A_602, %parallel_loop3A_603, %parallel_loop3A_604] : memref<4x8x8x128xf32, #tpu.memory_space<vmem>> -> memref<1x8x8x128xf32, #tpu.memory_space<vmem>>
        %parallel_loop3A_606 = tpu.memref_squeeze %parallel_loop3A_605 : memref<1x8x8x128xf32, #tpu.memory_space<vmem>> -> memref<8x8x128xf32, #tpu.memory_space<vmem>>
        tpu.vector_store_idx %parallel_loop3A_606[%add3A_71, %rem3A_10, %parallel_loop3A_580], %parallel_loop3A_600 : memref<8x8x128xf32, #tpu.memory_space<vmem>>[vector<16xi32>, vector<16xi32>, vector<16xi32>], vector<16xf32>,
        %parallel_loop3A_607 = arith.constant 256 : i32
        %parallel_loop3A_608 = arith.addi %parallel_loop3A_607, %parallel_loop3A_576 : i32
        %parallel_loop3A_609 = arith.constant 1 : i32
        %parallel_loop3A_610 = arith.index_cast %parallel_loop3A_609 : i32 to index
        %parallel_loop3A_611 = arith.index_cast %parallel_loop3A_608 : i32 to index
        %parallel_loop3A_612 = arith.constant 32 : index
        %parallel_loop3A_613 = tpu.vector_load %arg6[%parallel_loop3A_610, %parallel_loop3A_611, %parallel_loop3A_612] {strides = array<i32>} : memref<2x512x64xf32, #tpu.memory_space<vmem>>, vector<16xf32>,
        %parallel_loop3A_614 = arith.constant 2 : i32
        %parallel_loop3A_615 = arith.constant 0 : i32
        %parallel_loop3A_616 = arith.constant 0 : i32
        %parallel_loop3A_617 = arith.constant 0 : i32
        %parallel_loop3A_618 = tpu.memref_slice %arg7[%parallel_loop3A_614, %parallel_loop3A_615, %parallel_loop3A_616, %parallel_loop3A_617] : memref<4x8x8x128xf32, #tpu.memory_space<vmem>> -> memref<1x8x8x128xf32, #tpu.memory_space<vmem>>
        %parallel_loop3A_619 = tpu.memref_squeeze %parallel_loop3A_618 : memref<1x8x8x128xf32, #tpu.memory_space<vmem>> -> memref<8x8x128xf32, #tpu.memory_space<vmem>>
        tpu.vector_store_idx %parallel_loop3A_619[%add3A_105, %rem3A_10, %parallel_loop3A_580], %parallel_loop3A_613 : memref<8x8x128xf32, #tpu.memory_space<vmem>>[vector<16xi32>, vector<16xi32>, vector<16xi32>], vector<16xf32>,
        %parallel_loop3A_620 = arith.constant 256 : i32
        %parallel_loop3A_621 = arith.addi %parallel_loop3A_620, %parallel_loop3A_576 : i32
        %parallel_loop3A_622 = arith.constant 1 : i32
        %parallel_loop3A_623 = arith.index_cast %parallel_loop3A_622 : i32 to index
        %parallel_loop3A_624 = arith.index_cast %parallel_loop3A_621 : i32 to index
        %parallel_loop3A_625 = arith.constant 48 : index
        %parallel_loop3A_626 = tpu.vector_load %arg6[%parallel_loop3A_623, %parallel_loop3A_624, %parallel_loop3A_625] {strides = array<i32>} : memref<2x512x64xf32, #tpu.memory_space<vmem>>, vector<16xf32>,
        %parallel_loop3A_627 = arith.constant 2 : i32
        %parallel_loop3A_628 = arith.constant 0 : i32
        %parallel_loop3A_629 = arith.constant 0 : i32
        %parallel_loop3A_630 = arith.constant 0 : i32
        %parallel_loop3A_631 = tpu.memref_slice %arg7[%parallel_loop3A_627, %parallel_loop3A_628, %parallel_loop3A_629, %parallel_loop3A_630] : memref<4x8x8x128xf32, #tpu.memory_space<vmem>> -> memref<1x8x8x128xf32, #tpu.memory_space<vmem>>
        %parallel_loop3A_632 = tpu.memref_squeeze %parallel_loop3A_631 : memref<1x8x8x128xf32, #tpu.memory_space<vmem>> -> memref<8x8x128xf32, #tpu.memory_space<vmem>>
        tpu.vector_store_idx %parallel_loop3A_632[%add3A_139, %rem3A_10, %parallel_loop3A_580], %parallel_loop3A_626 : memref<8x8x128xf32, #tpu.memory_space<vmem>>[vector<16xi32>, vector<16xi32>, vector<16xi32>], vector<16xf32>,
      } {sc.loop_unroll_factor = 8 : i64, sc.parallel_access}
      %mul3A_511 = arith.constant 4 : i32
      %mul3A_512 = arith.muli %add3A, %mul3A_511 : i32
      %add3A_513 = arith.constant 2 : i32
      %add3A_514 = arith.addi %mul3A_512, %add3A_513 : i32
      %dma_start3A_515 = arith.constant 2 : i32
      %dma_start3A_516 = arith.constant 0 : i32
      %dma_start3A_517 = arith.constant 0 : i32
      %dma_start3A_518 = arith.constant 0 : i32
      %dma_start3A_519 = tpu.memref_slice %arg7[%dma_start3A_515, %dma_start3A_516, %dma_start3A_517, %dma_start3A_518] : memref<4x8x8x128xf32, #tpu.memory_space<vmem>> -> memref<1x8x8x128xf32, #tpu.memory_space<vmem>>
      %dma_start3A_520 = tpu.memref_squeeze %dma_start3A_519 : memref<1x8x8x128xf32, #tpu.memory_space<vmem>> -> memref<8x8x128xf32, #tpu.memory_space<vmem>>
      %dma_start3A_521 = arith.constant 0 : i32
      %dma_start3A_522 = arith.constant 0 : i32
      %dma_start3A_523 = arith.constant 0 : i32
      %dma_start3A_524 = tpu.memref_slice %arg4[%add3A_436, %dma_start3A_521, %add3A_514, %dma_start3A_522, %dma_start3A_523] : memref<50x8x128x8x128xf32, #tpu.memory_space<hbm>> -> memref<1x8x1x8x128xf32, #tpu.memory_space<hbm>>
      %dma_start3A_525 = tpu.memref_squeeze %dma_start3A_524 : memref<1x8x1x8x128xf32, #tpu.memory_space<hbm>> -> memref<8x8x128xf32, #tpu.memory_space<hbm>>
      %dma_start3A_526 = arith.constant 0 : i32
      %dma_start3A_527 = arith.constant 0 : i32
      %dma_start3A_528 = arith.constant 0 : i32
      %dma_start3A_529 = tpu.memref_slice %arg4[%add3A_436, %dma_start3A_526, %add3A_514, %dma_start3A_527, %dma_start3A_528] : memref<50x8x128x8x128xf32, #tpu.memory_space<hbm>> -> memref<1x8x1x8x128xf32, #tpu.memory_space<hbm>>
      %dma_start3A_530 = tpu.memref_squeeze %dma_start3A_529 : memref<1x8x1x8x128xf32, #tpu.memory_space<hbm>> -> memref<8x8x128xf32, #tpu.memory_space<hbm>>
      %dma_start3A_531 = arith.constant 0 : i32
      %dma_start3A_532 = arith.constant 0 : i32
      %dma_start3A_533 = arith.constant 0 : i32
      %dma_start3A_534 = tpu.memref_slice %arg7[%dma_start3A_515, %dma_start3A_531, %dma_start3A_532, %dma_start3A_533] : memref<4x8x8x128xf32, #tpu.memory_space<vmem>> -> memref<1x8x8x128xf32, #tpu.memory_space<vmem>>
      %dma_start3A_535 = tpu.memref_squeeze %dma_start3A_534 : memref<1x8x8x128xf32, #tpu.memory_space<vmem>> -> memref<8x8x128xf32, #tpu.memory_space<vmem>>
      tpu.enqueue_dma source(%dma_start3A_535 : memref<8x8x128xf32, #tpu.memory_space<vmem>>) target(%dma_start3A_530 : memref<8x8x128xf32, #tpu.memory_space<hbm>>) target_semaphore(%arg10 : memref<!tpu.dma_semaphore, #tpu.memory_space<semaphore_mem>>)
      %ge3A_536 = arith.constant 1 : i32
      %ge3A_537 = arith.cmpi sge, %add3A_436, %ge3A_536 : i32
      %convert_element_type3A_538 = arith.extui %ge3A_537 : i1 to i32
      %cond3A_539 = arith.constant 0 : i32
      %cond3A_540 = arith.cmpi ne, %convert_element_type3A_538, %cond3A_539 : i32
      scf.if %cond3A_540 {
        %mul3A_576 = arith.constant 4 : i32
        %mul3A_577 = arith.muli %add3A, %mul3A_576 : i32
        %add3A_578 = arith.constant 3 : i32
        %add3A_579 = arith.addi %mul3A_577, %add3A_578 : i32
        %dma_wait3A_580 = arith.constant 3 : i32
        %dma_wait3A_581 = arith.constant 0 : i32
        %dma_wait3A_582 = arith.constant 0 : i32
        %dma_wait3A_583 = arith.constant 0 : i32
        %dma_wait3A_584 = tpu.memref_slice %arg7[%dma_wait3A_580, %dma_wait3A_581, %dma_wait3A_582, %dma_wait3A_583] : memref<4x8x8x128xf32, #tpu.memory_space<vmem>> -> memref<1x8x8x128xf32, #tpu.memory_space<vmem>>
        %dma_wait3A_585 = tpu.memref_squeeze %dma_wait3A_584 : memref<1x8x8x128xf32, #tpu.memory_space<vmem>> -> memref<8x8x128xf32, #tpu.memory_space<vmem>>
        %dma_wait3A_586 = arith.constant 0 : i32
        %dma_wait3A_587 = arith.constant 0 : i32
        %dma_wait3A_588 = arith.constant 0 : i32
        %dma_wait3A_589 = tpu.memref_slice %arg4[%add3A_436, %dma_wait3A_586, %add3A_579, %dma_wait3A_587, %dma_wait3A_588] : memref<50x8x128x8x128xf32, #tpu.memory_space<hbm>> -> memref<1x8x1x8x128xf32, #tpu.memory_space<hbm>>
        %dma_wait3A_590 = tpu.memref_squeeze %dma_wait3A_589 : memref<1x8x1x8x128xf32, #tpu.memory_space<hbm>> -> memref<8x8x128xf32, #tpu.memory_space<hbm>>
        %dma_wait3A_591 = arith.constant 0 : i32
        %dma_wait3A_592 = arith.constant 0 : i32
        %dma_wait3A_593 = arith.constant 0 : i32
        %dma_wait3A_594 = tpu.memref_slice %arg4[%add3A_436, %dma_wait3A_591, %add3A_579, %dma_wait3A_592, %dma_wait3A_593] : memref<50x8x128x8x128xf32, #tpu.memory_space<hbm>> -> memref<1x8x1x8x128xf32, #tpu.memory_space<hbm>>
        %dma_wait3A_595 = tpu.memref_squeeze %dma_wait3A_594 : memref<1x8x1x8x128xf32, #tpu.memory_space<hbm>> -> memref<8x8x128xf32, #tpu.memory_space<hbm>>
        %dma_wait3A_596 = arith.constant 0 : i32
        %dma_wait3A_597 = arith.constant 0 : i32
        %dma_wait3A_598 = arith.constant 0 : i32
        %dma_wait3A_599 = tpu.memref_slice %arg7[%dma_wait3A_580, %dma_wait3A_596, %dma_wait3A_597, %dma_wait3A_598] : memref<4x8x8x128xf32, #tpu.memory_space<vmem>> -> memref<1x8x8x128xf32, #tpu.memory_space<vmem>>
        %dma_wait3A_600 = tpu.memref_squeeze %dma_wait3A_599 : memref<1x8x8x128xf32, #tpu.memory_space<vmem>> -> memref<8x8x128xf32, #tpu.memory_space<vmem>>
        tpu.wait_dma2 semaphore(%arg10 : memref<!tpu.dma_semaphore, #tpu.memory_space<semaphore_mem>>) src(%dma_wait3A_600 : memref<8x8x128xf32, #tpu.memory_space<vmem>>) dst(%dma_wait3A_595 : memref<8x8x128xf32, #tpu.memory_space<hbm>>)
      } else {
      }
      %parallel_loop3A_541 = arith.constant 0 : i32
      %parallel_loop3A_542 = arith.constant 128 : i32
      %parallel_loop3A_543 = arith.constant 1 : i32
      scf.for %parallel_loop3A_576 = %parallel_loop3A_541 to %parallel_loop3A_542 step %parallel_loop3A_543  : i32 {
        %parallel_loop3A_577 = arith.constant 0 : i32
        %parallel_loop3A_578 = vector.broadcast %parallel_loop3A_577 : i32 to vector<16xi32>
        %parallel_loop3A_579 = vector.broadcast %parallel_loop3A_576 : i32 to vector<16xi32>
        %parallel_loop3A_580 = arith.addi %parallel_loop3A_578, %parallel_loop3A_579 : vector<16xi32>
        %parallel_loop3A_581 = arith.constant 384 : i32
        %parallel_loop3A_582 = arith.addi %parallel_loop3A_581, %parallel_loop3A_576 : i32
        %parallel_loop3A_583 = arith.constant 1 : i32
        %parallel_loop3A_584 = arith.index_cast %parallel_loop3A_583 : i32 to index
        %parallel_loop3A_585 = arith.index_cast %parallel_loop3A_582 : i32 to index
        %parallel_loop3A_586 = arith.constant 0 : index
        %parallel_loop3A_587 = tpu.vector_load %arg6[%parallel_loop3A_584, %parallel_loop3A_585, %parallel_loop3A_586] {strides = array<i32>} : memref<2x512x64xf32, #tpu.memory_space<vmem>>, vector<16xf32>,
        %parallel_loop3A_588 = arith.constant 3 : i32
        %parallel_loop3A_589 = arith.constant 0 : i32
        %parallel_loop3A_590 = arith.constant 0 : i32
        %parallel_loop3A_591 = arith.constant 0 : i32
        %parallel_loop3A_592 = tpu.memref_slice %arg7[%parallel_loop3A_588, %parallel_loop3A_589, %parallel_loop3A_590, %parallel_loop3A_591] : memref<4x8x8x128xf32, #tpu.memory_space<vmem>> -> memref<1x8x8x128xf32, #tpu.memory_space<vmem>>
        %parallel_loop3A_593 = tpu.memref_squeeze %parallel_loop3A_592 : memref<1x8x8x128xf32, #tpu.memory_space<vmem>> -> memref<8x8x128xf32, #tpu.memory_space<vmem>>
        tpu.vector_store_idx %parallel_loop3A_593[%add3A_37, %rem3A_10, %parallel_loop3A_580], %parallel_loop3A_587 : memref<8x8x128xf32, #tpu.memory_space<vmem>>[vector<16xi32>, vector<16xi32>, vector<16xi32>], vector<16xf32>,
        %parallel_loop3A_594 = arith.constant 384 : i32
        %parallel_loop3A_595 = arith.addi %parallel_loop3A_594, %parallel_loop3A_576 : i32
        %parallel_loop3A_596 = arith.constant 1 : i32
        %parallel_loop3A_597 = arith.index_cast %parallel_loop3A_596 : i32 to index
        %parallel_loop3A_598 = arith.index_cast %parallel_loop3A_595 : i32 to index
        %parallel_loop3A_599 = arith.constant 16 : index
        %parallel_loop3A_600 = tpu.vector_load %arg6[%parallel_loop3A_597, %parallel_loop3A_598, %parallel_loop3A_599] {strides = array<i32>} : memref<2x512x64xf32, #tpu.memory_space<vmem>>, vector<16xf32>,
        %parallel_loop3A_601 = arith.constant 3 : i32
        %parallel_loop3A_602 = arith.constant 0 : i32
        %parallel_loop3A_603 = arith.constant 0 : i32
        %parallel_loop3A_604 = arith.constant 0 : i32
        %parallel_loop3A_605 = tpu.memref_slice %arg7[%parallel_loop3A_601, %parallel_loop3A_602, %parallel_loop3A_603, %parallel_loop3A_604] : memref<4x8x8x128xf32, #tpu.memory_space<vmem>> -> memref<1x8x8x128xf32, #tpu.memory_space<vmem>>
        %parallel_loop3A_606 = tpu.memref_squeeze %parallel_loop3A_605 : memref<1x8x8x128xf32, #tpu.memory_space<vmem>> -> memref<8x8x128xf32, #tpu.memory_space<vmem>>
        tpu.vector_store_idx %parallel_loop3A_606[%add3A_71, %rem3A_10, %parallel_loop3A_580], %parallel_loop3A_600 : memref<8x8x128xf32, #tpu.memory_space<vmem>>[vector<16xi32>, vector<16xi32>, vector<16xi32>], vector<16xf32>,
        %parallel_loop3A_607 = arith.constant 384 : i32
        %parallel_loop3A_608 = arith.addi %parallel_loop3A_607, %parallel_loop3A_576 : i32
        %parallel_loop3A_609 = arith.constant 1 : i32
        %parallel_loop3A_610 = arith.index_cast %parallel_loop3A_609 : i32 to index
        %parallel_loop3A_611 = arith.index_cast %parallel_loop3A_608 : i32 to index
        %parallel_loop3A_612 = arith.constant 32 : index
        %parallel_loop3A_613 = tpu.vector_load %arg6[%parallel_loop3A_610, %parallel_loop3A_611, %parallel_loop3A_612] {strides = array<i32>} : memref<2x512x64xf32, #tpu.memory_space<vmem>>, vector<16xf32>,
        %parallel_loop3A_614 = arith.constant 3 : i32
        %parallel_loop3A_615 = arith.constant 0 : i32
        %parallel_loop3A_616 = arith.constant 0 : i32
        %parallel_loop3A_617 = arith.constant 0 : i32
        %parallel_loop3A_618 = tpu.memref_slice %arg7[%parallel_loop3A_614, %parallel_loop3A_615, %parallel_loop3A_616, %parallel_loop3A_617] : memref<4x8x8x128xf32, #tpu.memory_space<vmem>> -> memref<1x8x8x128xf32, #tpu.memory_space<vmem>>
        %parallel_loop3A_619 = tpu.memref_squeeze %parallel_loop3A_618 : memref<1x8x8x128xf32, #tpu.memory_space<vmem>> -> memref<8x8x128xf32, #tpu.memory_space<vmem>>
        tpu.vector_store_idx %parallel_loop3A_619[%add3A_105, %rem3A_10, %parallel_loop3A_580], %parallel_loop3A_613 : memref<8x8x128xf32, #tpu.memory_space<vmem>>[vector<16xi32>, vector<16xi32>, vector<16xi32>], vector<16xf32>,
        %parallel_loop3A_620 = arith.constant 384 : i32
        %parallel_loop3A_621 = arith.addi %parallel_loop3A_620, %parallel_loop3A_576 : i32
        %parallel_loop3A_622 = arith.constant 1 : i32
        %parallel_loop3A_623 = arith.index_cast %parallel_loop3A_622 : i32 to index
        %parallel_loop3A_624 = arith.index_cast %parallel_loop3A_621 : i32 to index
        %parallel_loop3A_625 = arith.constant 48 : index
        %parallel_loop3A_626 = tpu.vector_load %arg6[%parallel_loop3A_623, %parallel_loop3A_624, %parallel_loop3A_625] {strides = array<i32>} : memref<2x512x64xf32, #tpu.memory_space<vmem>>, vector<16xf32>,
        %parallel_loop3A_627 = arith.constant 3 : i32
        %parallel_loop3A_628 = arith.constant 0 : i32
        %parallel_loop3A_629 = arith.constant 0 : i32
        %parallel_loop3A_630 = arith.constant 0 : i32
        %parallel_loop3A_631 = tpu.memref_slice %arg7[%parallel_loop3A_627, %parallel_loop3A_628, %parallel_loop3A_629, %parallel_loop3A_630] : memref<4x8x8x128xf32, #tpu.memory_space<vmem>> -> memref<1x8x8x128xf32, #tpu.memory_space<vmem>>
        %parallel_loop3A_632 = tpu.memref_squeeze %parallel_loop3A_631 : memref<1x8x8x128xf32, #tpu.memory_space<vmem>> -> memref<8x8x128xf32, #tpu.memory_space<vmem>>
        tpu.vector_store_idx %parallel_loop3A_632[%add3A_139, %rem3A_10, %parallel_loop3A_580], %parallel_loop3A_626 : memref<8x8x128xf32, #tpu.memory_space<vmem>>[vector<16xi32>, vector<16xi32>, vector<16xi32>], vector<16xf32>,
      } {sc.loop_unroll_factor = 8 : i64, sc.parallel_access}
      %mul3A_544 = arith.constant 4 : i32
      %mul3A_545 = arith.muli %add3A, %mul3A_544 : i32
      %add3A_546 = arith.constant 3 : i32
      %add3A_547 = arith.addi %mul3A_545, %add3A_546 : i32
      %dma_start3A_548 = arith.constant 3 : i32
      %dma_start3A_549 = arith.constant 0 : i32
      %dma_start3A_550 = arith.constant 0 : i32
      %dma_start3A_551 = arith.constant 0 : i32
      %dma_start3A_552 = tpu.memref_slice %arg7[%dma_start3A_548, %dma_start3A_549, %dma_start3A_550, %dma_start3A_551] : memref<4x8x8x128xf32, #tpu.memory_space<vmem>> -> memref<1x8x8x128xf32, #tpu.memory_space<vmem>>
      %dma_start3A_553 = tpu.memref_squeeze %dma_start3A_552 : memref<1x8x8x128xf32, #tpu.memory_space<vmem>> -> memref<8x8x128xf32, #tpu.memory_space<vmem>>
      %dma_start3A_554 = arith.constant 0 : i32
      %dma_start3A_555 = arith.constant 0 : i32
      %dma_start3A_556 = arith.constant 0 : i32
      %dma_start3A_557 = tpu.memref_slice %arg4[%add3A_436, %dma_start3A_554, %add3A_547, %dma_start3A_555, %dma_start3A_556] : memref<50x8x128x8x128xf32, #tpu.memory_space<hbm>> -> memref<1x8x1x8x128xf32, #tpu.memory_space<hbm>>
      %dma_start3A_558 = tpu.memref_squeeze %dma_start3A_557 : memref<1x8x1x8x128xf32, #tpu.memory_space<hbm>> -> memref<8x8x128xf32, #tpu.memory_space<hbm>>
      %dma_start3A_559 = arith.constant 0 : i32
      %dma_start3A_560 = arith.constant 0 : i32
      %dma_start3A_561 = arith.constant 0 : i32
      %dma_start3A_562 = tpu.memref_slice %arg4[%add3A_436, %dma_start3A_559, %add3A_547, %dma_start3A_560, %dma_start3A_561] : memref<50x8x128x8x128xf32, #tpu.memory_space<hbm>> -> memref<1x8x1x8x128xf32, #tpu.memory_space<hbm>>
      %dma_start3A_563 = tpu.memref_squeeze %dma_start3A_562 : memref<1x8x1x8x128xf32, #tpu.memory_space<hbm>> -> memref<8x8x128xf32, #tpu.memory_space<hbm>>
      %dma_start3A_564 = arith.constant 0 : i32
      %dma_start3A_565 = arith.constant 0 : i32
      %dma_start3A_566 = arith.constant 0 : i32
      %dma_start3A_567 = tpu.memref_slice %arg7[%dma_start3A_548, %dma_start3A_564, %dma_start3A_565, %dma_start3A_566] : memref<4x8x8x128xf32, #tpu.memory_space<vmem>> -> memref<1x8x8x128xf32, #tpu.memory_space<vmem>>
      %dma_start3A_568 = tpu.memref_squeeze %dma_start3A_567 : memref<1x8x8x128xf32, #tpu.memory_space<vmem>> -> memref<8x8x128xf32, #tpu.memory_space<vmem>>
      tpu.enqueue_dma source(%dma_start3A_568 : memref<8x8x128xf32, #tpu.memory_space<vmem>>) target(%dma_start3A_563 : memref<8x8x128xf32, #tpu.memory_space<hbm>>) target_semaphore(%arg10 : memref<!tpu.dma_semaphore, #tpu.memory_space<semaphore_mem>>)
      %add3A_569 = arith.constant 3 : i32
      %add3A_570 = arith.addi %add3A_276, %add3A_569 : i32
      %lt3A_571 = arith.constant 50 : i32
      %lt3A_572 = arith.cmpi slt, %add3A_570, %lt3A_571 : i32
      %convert_element_type3A_573 = arith.extui %lt3A_572 : i1 to i32
      %cond3A_574 = arith.constant 0 : i32
      %cond3A_575 = arith.cmpi ne, %convert_element_type3A_573, %cond3A_574 : i32
      scf.if %cond3A_575 {
        %add3A_576 = arith.constant 3 : i32
        %add3A_577 = arith.addi %add3A_276, %add3A_576 : i32
        %dma_start3A_578 = arith.constant 1 : i32
        %dma_start3A_579 = arith.constant 0 : i32
        %dma_start3A_580 = arith.constant 0 : i32
        %dma_start3A_581 = tpu.memref_slice %arg6[%dma_start3A_578, %dma_start3A_579, %dma_start3A_580] : memref<2x512x64xf32, #tpu.memory_space<vmem>> -> memref<1x512x64xf32, #tpu.memory_space<vmem>>
        %dma_start3A_582 = tpu.memref_squeeze %dma_start3A_581 : memref<1x512x64xf32, #tpu.memory_space<vmem>> -> memref<512x64xf32, #tpu.memory_space<vmem>>
        %dma_start3A_583 = arith.constant 0 : i32
        %dma_start3A_584 = tpu.memref_slice %arg5[%add3A_577, %dma_start3A_583] : memref<50x512xi32, #tpu.memory_space<vmem>> -> memref<1x512xi32, #tpu.memory_space<vmem>>
        %dma_start3A_585 = tpu.memref_squeeze %dma_start3A_584 : memref<1x512xi32, #tpu.memory_space<vmem>> -> memref<512xi32, #tpu.memory_space<vmem>>
        %dma_start3A_586 = arith.constant 0 : i32
        %dma_start3A_587 = arith.constant 0 : i32
        %dma_start3A_588 = tpu.memref_slice %arg2[%dma_start3A_586, %dma_start3A_587] : memref<2000000x64xf32, #tpu.memory_space<hbm>> -> memref<2000000x64xf32, #tpu.memory_space<hbm>>
        tpu.enqueue_indirect_dma source(%dma_start3A_588 : memref<2000000x64xf32, #tpu.memory_space<hbm>>) target(%dma_start3A_582 : memref<512x64xf32, #tpu.memory_space<vmem>>) offsets(%dma_start3A_585 : memref<512xi32, #tpu.memory_space<vmem>>) semaphore(%arg9 : memref<!tpu.dma_semaphore, #tpu.memory_space<semaphore_mem>>)
      } else {
      }
    }
    %scan3A_167 = arith.constant 25 : i32
    %mul3A_168 = arith.constant 4 : i32
    %mul3A_169 = arith.muli %add3A, %mul3A_168 : i32
    %add3A_170 = arith.constant 0 : i32
    %add3A_171 = arith.addi %mul3A_169, %add3A_170 : i32
    %dma_wait3A_172 = arith.constant 0 : i32
    %dma_wait3A_173 = arith.constant 49 : i32
    %dma_wait3A_174 = arith.constant 0 : i32
    %dma_wait3A_175 = arith.constant 0 : i32
    %dma_wait3A_176 = arith.constant 0 : i32
    %dma_wait3A_177 = tpu.memref_slice %arg7[%dma_wait3A_172, %dma_wait3A_174, %dma_wait3A_175, %dma_wait3A_176] : memref<4x8x8x128xf32, #tpu.memory_space<vmem>> -> memref<1x8x8x128xf32, #tpu.memory_space<vmem>>
    %dma_wait3A_178 = tpu.memref_squeeze %dma_wait3A_177 : memref<1x8x8x128xf32, #tpu.memory_space<vmem>> -> memref<8x8x128xf32, #tpu.memory_space<vmem>>
    %dma_wait3A_179 = arith.constant 0 : i32
    %dma_wait3A_180 = arith.constant 0 : i32
    %dma_wait3A_181 = arith.constant 0 : i32
    %dma_wait3A_182 = tpu.memref_slice %arg4[%dma_wait3A_173, %dma_wait3A_179, %add3A_171, %dma_wait3A_180, %dma_wait3A_181] : memref<50x8x128x8x128xf32, #tpu.memory_space<hbm>> -> memref<1x8x1x8x128xf32, #tpu.memory_space<hbm>>
    %dma_wait3A_183 = tpu.memref_squeeze %dma_wait3A_182 : memref<1x8x1x8x128xf32, #tpu.memory_space<hbm>> -> memref<8x8x128xf32, #tpu.memory_space<hbm>>
    %dma_wait3A_184 = arith.constant 0 : i32
    %dma_wait3A_185 = arith.constant 0 : i32
    %dma_wait3A_186 = arith.constant 0 : i32
    %dma_wait3A_187 = tpu.memref_slice %arg4[%dma_wait3A_173, %dma_wait3A_184, %add3A_171, %dma_wait3A_185, %dma_wait3A_186] : memref<50x8x128x8x128xf32, #tpu.memory_space<hbm>> -> memref<1x8x1x8x128xf32, #tpu.memory_space<hbm>>
    %dma_wait3A_188 = tpu.memref_squeeze %dma_wait3A_187 : memref<1x8x1x8x128xf32, #tpu.memory_space<hbm>> -> memref<8x8x128xf32, #tpu.memory_space<hbm>>
    %dma_wait3A_189 = arith.constant 0 : i32
    %dma_wait3A_190 = arith.constant 0 : i32
    %dma_wait3A_191 = arith.constant 0 : i32
    %dma_wait3A_192 = tpu.memref_slice %arg7[%dma_wait3A_172, %dma_wait3A_189, %dma_wait3A_190, %dma_wait3A_191] : memref<4x8x8x128xf32, #tpu.memory_space<vmem>> -> memref<1x8x8x128xf32, #tpu.memory_space<vmem>>
    %dma_wait3A_193 = tpu.memref_squeeze %dma_wait3A_192 : memref<1x8x8x128xf32, #tpu.memory_space<vmem>> -> memref<8x8x128xf32, #tpu.memory_space<vmem>>
    tpu.wait_dma2 semaphore(%arg10 : memref<!tpu.dma_semaphore, #tpu.memory_space<semaphore_mem>>) src(%dma_wait3A_193 : memref<8x8x128xf32, #tpu.memory_space<vmem>>) dst(%dma_wait3A_188 : memref<8x8x128xf32, #tpu.memory_space<hbm>>)
    %mul3A_194 = arith.constant 4 : i32
    %mul3A_195 = arith.muli %add3A, %mul3A_194 : i32
    %add3A_196 = arith.constant 1 : i32
    %add3A_197 = arith.addi %mul3A_195, %add3A_196 : i32
    %dma_wait3A_198 = arith.constant 1 : i32
    %dma_wait3A_199 = arith.constant 49 : i32
    %dma_wait3A_200 = arith.constant 0 : i32
    %dma_wait3A_201 = arith.constant 0 : i32
    %dma_wait3A_202 = arith.constant 0 : i32
    %dma_wait3A_203 = tpu.memref_slice %arg7[%dma_wait3A_198, %dma_wait3A_200, %dma_wait3A_201, %dma_wait3A_202] : memref<4x8x8x128xf32, #tpu.memory_space<vmem>> -> memref<1x8x8x128xf32, #tpu.memory_space<vmem>>
    %dma_wait3A_204 = tpu.memref_squeeze %dma_wait3A_203 : memref<1x8x8x128xf32, #tpu.memory_space<vmem>> -> memref<8x8x128xf32, #tpu.memory_space<vmem>>
    %dma_wait3A_205 = arith.constant 0 : i32
    %dma_wait3A_206 = arith.constant 0 : i32
    %dma_wait3A_207 = arith.constant 0 : i32
    %dma_wait3A_208 = tpu.memref_slice %arg4[%dma_wait3A_199, %dma_wait3A_205, %add3A_197, %dma_wait3A_206, %dma_wait3A_207] : memref<50x8x128x8x128xf32, #tpu.memory_space<hbm>> -> memref<1x8x1x8x128xf32, #tpu.memory_space<hbm>>
    %dma_wait3A_209 = tpu.memref_squeeze %dma_wait3A_208 : memref<1x8x1x8x128xf32, #tpu.memory_space<hbm>> -> memref<8x8x128xf32, #tpu.memory_space<hbm>>
    %dma_wait3A_210 = arith.constant 0 : i32
    %dma_wait3A_211 = arith.constant 0 : i32
    %dma_wait3A_212 = arith.constant 0 : i32
    %dma_wait3A_213 = tpu.memref_slice %arg4[%dma_wait3A_199, %dma_wait3A_210, %add3A_197, %dma_wait3A_211, %dma_wait3A_212] : memref<50x8x128x8x128xf32, #tpu.memory_space<hbm>> -> memref<1x8x1x8x128xf32, #tpu.memory_space<hbm>>
    %dma_wait3A_214 = tpu.memref_squeeze %dma_wait3A_213 : memref<1x8x1x8x128xf32, #tpu.memory_space<hbm>> -> memref<8x8x128xf32, #tpu.memory_space<hbm>>
    %dma_wait3A_215 = arith.constant 0 : i32
    %dma_wait3A_216 = arith.constant 0 : i32
    %dma_wait3A_217 = arith.constant 0 : i32
    %dma_wait3A_218 = tpu.memref_slice %arg7[%dma_wait3A_198, %dma_wait3A_215, %dma_wait3A_216, %dma_wait3A_217] : memref<4x8x8x128xf32, #tpu.memory_space<vmem>> -> memref<1x8x8x128xf32, #tpu.memory_space<vmem>>
    %dma_wait3A_219 = tpu.memref_squeeze %dma_wait3A_218 : memref<1x8x8x128xf32, #tpu.memory_space<vmem>> -> memref<8x8x128xf32, #tpu.memory_space<vmem>>
    tpu.wait_dma2 semaphore(%arg10 : memref<!tpu.dma_semaphore, #tpu.memory_space<semaphore_mem>>) src(%dma_wait3A_219 : memref<8x8x128xf32, #tpu.memory_space<vmem>>) dst(%dma_wait3A_214 : memref<8x8x128xf32, #tpu.memory_space<hbm>>)
    %mul3A_220 = arith.constant 4 : i32
    %mul3A_221 = arith.muli %add3A, %mul3A_220 : i32
    %add3A_222 = arith.constant 2 : i32
    %add3A_223 = arith.addi %mul3A_221, %add3A_222 : i32
    %dma_wait3A_224 = arith.constant 2 : i32
    %dma_wait3A_225 = arith.constant 49 : i32
    %dma_wait3A_226 = arith.constant 0 : i32
    %dma_wait3A_227 = arith.constant 0 : i32
    %dma_wait3A_228 = arith.constant 0 : i32
    %dma_wait3A_229 = tpu.memref_slice %arg7[%dma_wait3A_224, %dma_wait3A_226, %dma_wait3A_227, %dma_wait3A_228] : memref<4x8x8x128xf32, #tpu.memory_space<vmem>> -> memref<1x8x8x128xf32, #tpu.memory_space<vmem>>
    %dma_wait3A_230 = tpu.memref_squeeze %dma_wait3A_229 : memref<1x8x8x128xf32, #tpu.memory_space<vmem>> -> memref<8x8x128xf32, #tpu.memory_space<vmem>>
    %dma_wait3A_231 = arith.constant 0 : i32
    %dma_wait3A_232 = arith.constant 0 : i32
    %dma_wait3A_233 = arith.constant 0 : i32
    %dma_wait3A_234 = tpu.memref_slice %arg4[%dma_wait3A_225, %dma_wait3A_231, %add3A_223, %dma_wait3A_232, %dma_wait3A_233] : memref<50x8x128x8x128xf32, #tpu.memory_space<hbm>> -> memref<1x8x1x8x128xf32, #tpu.memory_space<hbm>>
    %dma_wait3A_235 = tpu.memref_squeeze %dma_wait3A_234 : memref<1x8x1x8x128xf32, #tpu.memory_space<hbm>> -> memref<8x8x128xf32, #tpu.memory_space<hbm>>
    %dma_wait3A_236 = arith.constant 0 : i32
    %dma_wait3A_237 = arith.constant 0 : i32
    %dma_wait3A_238 = arith.constant 0 : i32
    %dma_wait3A_239 = tpu.memref_slice %arg4[%dma_wait3A_225, %dma_wait3A_236, %add3A_223, %dma_wait3A_237, %dma_wait3A_238] : memref<50x8x128x8x128xf32, #tpu.memory_space<hbm>> -> memref<1x8x1x8x128xf32, #tpu.memory_space<hbm>>
    %dma_wait3A_240 = tpu.memref_squeeze %dma_wait3A_239 : memref<1x8x1x8x128xf32, #tpu.memory_space<hbm>> -> memref<8x8x128xf32, #tpu.memory_space<hbm>>
    %dma_wait3A_241 = arith.constant 0 : i32
    %dma_wait3A_242 = arith.constant 0 : i32
    %dma_wait3A_243 = arith.constant 0 : i32
    %dma_wait3A_244 = tpu.memref_slice %arg7[%dma_wait3A_224, %dma_wait3A_241, %dma_wait3A_242, %dma_wait3A_243] : memref<4x8x8x128xf32, #tpu.memory_space<vmem>> -> memref<1x8x8x128xf32, #tpu.memory_space<vmem>>
    %dma_wait3A_245 = tpu.memref_squeeze %dma_wait3A_244 : memref<1x8x8x128xf32, #tpu.memory_space<vmem>> -> memref<8x8x128xf32, #tpu.memory_space<vmem>>
    tpu.wait_dma2 semaphore(%arg10 : memref<!tpu.dma_semaphore, #tpu.memory_space<semaphore_mem>>) src(%dma_wait3A_245 : memref<8x8x128xf32, #tpu.memory_space<vmem>>) dst(%dma_wait3A_240 : memref<8x8x128xf32, #tpu.memory_space<hbm>>)
    %mul3A_246 = arith.constant 4 : i32
    %mul3A_247 = arith.muli %add3A, %mul3A_246 : i32
    %add3A_248 = arith.constant 3 : i32
    %add3A_249 = arith.addi %mul3A_247, %add3A_248 : i32
    %dma_wait3A_250 = arith.constant 3 : i32
    %dma_wait3A_251 = arith.constant 49 : i32
    %dma_wait3A_252 = arith.constant 0 : i32
    %dma_wait3A_253 = arith.constant 0 : i32
    %dma_wait3A_254 = arith.constant 0 : i32
    %dma_wait3A_255 = tpu.memref_slice %arg7[%dma_wait3A_250, %dma_wait3A_252, %dma_wait3A_253, %dma_wait3A_254] : memref<4x8x8x128xf32, #tpu.memory_space<vmem>> -> memref<1x8x8x128xf32, #tpu.memory_space<vmem>>
    %dma_wait3A_256 = tpu.memref_squeeze %dma_wait3A_255 : memref<1x8x8x128xf32, #tpu.memory_space<vmem>> -> memref<8x8x128xf32, #tpu.memory_space<vmem>>
    %dma_wait3A_257 = arith.constant 0 : i32
    %dma_wait3A_258 = arith.constant 0 : i32
    %dma_wait3A_259 = arith.constant 0 : i32
    %dma_wait3A_260 = tpu.memref_slice %arg4[%dma_wait3A_251, %dma_wait3A_257, %add3A_249, %dma_wait3A_258, %dma_wait3A_259] : memref<50x8x128x8x128xf32, #tpu.memory_space<hbm>> -> memref<1x8x1x8x128xf32, #tpu.memory_space<hbm>>
    %dma_wait3A_261 = tpu.memref_squeeze %dma_wait3A_260 : memref<1x8x1x8x128xf32, #tpu.memory_space<hbm>> -> memref<8x8x128xf32, #tpu.memory_space<hbm>>
    %dma_wait3A_262 = arith.constant 0 : i32
    %dma_wait3A_263 = arith.constant 0 : i32
    %dma_wait3A_264 = arith.constant 0 : i32
    %dma_wait3A_265 = tpu.memref_slice %arg4[%dma_wait3A_251, %dma_wait3A_262, %add3A_249, %dma_wait3A_263, %dma_wait3A_264] : memref<50x8x128x8x128xf32, #tpu.memory_space<hbm>> -> memref<1x8x1x8x128xf32, #tpu.memory_space<hbm>>
    %dma_wait3A_266 = tpu.memref_squeeze %dma_wait3A_265 : memref<1x8x1x8x128xf32, #tpu.memory_space<hbm>> -> memref<8x8x128xf32, #tpu.memory_space<hbm>>
    %dma_wait3A_267 = arith.constant 0 : i32
    %dma_wait3A_268 = arith.constant 0 : i32
    %dma_wait3A_269 = arith.constant 0 : i32
    %dma_wait3A_270 = tpu.memref_slice %arg7[%dma_wait3A_250, %dma_wait3A_267, %dma_wait3A_268, %dma_wait3A_269] : memref<4x8x8x128xf32, #tpu.memory_space<vmem>> -> memref<1x8x8x128xf32, #tpu.memory_space<vmem>>
    %dma_wait3A_271 = tpu.memref_squeeze %dma_wait3A_270 : memref<1x8x8x128xf32, #tpu.memory_space<vmem>> -> memref<8x8x128xf32, #tpu.memory_space<vmem>>
    tpu.wait_dma2 semaphore(%arg10 : memref<!tpu.dma_semaphore, #tpu.memory_space<semaphore_mem>>) src(%dma_wait3A_271 : memref<8x8x128xf32, #tpu.memory_space<vmem>>) dst(%dma_wait3A_266 : memref<8x8x128xf32, #tpu.memory_space<hbm>>)
    return
  }
}

</mosaic_0001>

<sc_bundles>
// kernel: kernel.3.cloned.1.call-start
scs
__scs_entry_jumppad:
0x0: {  	(pc) =	sbr.rel $0x88, $3  }
0x1: {  	(tag) =	ssettag $0x0;
	lr =	simm.s32 $0x1  }
0x2: {  	[smem:$0x3F9F] =	sst lr;
	_ =	strace $0xD0000000  }
0x3: {  	_ = 	snop  }
0x4: {  	_ = 	snop  }
0x5: {  	_ = 	snop  }
0x6: {  	_ = 	snop  }
0x7: {  	_ = 	snop  }
__scs_overlays_trampoline_lowered:
0x8: {  	[smem:$0x3FAE] =	sst s0  }
0x9: {  	[smem:$0x3FAF] =	sst s1  }
0xa: {  	[smem:$0x3FB0] =	sst s2  }
0xb: {  	[smem:$0x3FB1] =	sst s3  }
0xc: {  	[smem:$0x3FB2] =	sst s4  }
0xd: {  	[smem:$0x3FB3] =	sst s5  }
0xe: {  	[smem:$0x3FB4] =	sst s6  }
0xf: {  	[smem:$0x3FB5] =	sst s7  }
0x10: {  	[smem:$0x3FB6] =	sst s8  }
0x11: {  	[smem:$0x3FB7] =	sst s9;
	s0 =	simm.s32 @!p0 $0x0  }
0x12: {  	s1 =	sld [smem:$0x3F9D];
	s0 =	simm.s32 @p0 $0x1  }
0x13: {  	[smem:$0x3FB8] =	sst s0;
	s0 =	simm.s32 @!p1 $0x0  }
0x14: {  	s2 =	sld [smem:$0x3F9C];
	s0 =	simm.s32 @p1 $0x1  }
0x15: {  	[smem:$0x3FB9] =	sst s0;
	s0 =	simm.s32 @!p2 $0x0  }
0x16: {  	s3 =	sld [smem:$0x3FDB];
	s0 =	simm.s32 @p2 $0x1  }
0x17: {  	s4 =	simm.s32 $0x1BF5;
	[smem:$0x3FBB] =	sst s0  }
0x18: {  	s0 =	sld [smem:$0x3F9E];
	_ =	swait.ge [sflag:s4], $0x0  }
0x19: {  	s7 =	sld [smem:$0x3F9F]  }
0x1a: {  	s8 =	sadd.s32 $0xFFFFE003, lr  }
0x1b: {  	s9 =	sadd.s32 $0xFFFFFEF7, lr;
	s5 =	simm.s32 $0xFFFFFFFF;
	p2 =	slt.u32 s8, $0xFFFFF086  }
0x1c: {  	p1 =	slt.u32 s9, $0xF7A;
	s5 =	simm.s32 @!p2 $0x0  }
0x1d: {  	s5 =	simm.s32 @p1 $0x1;
	p0 =	seq.s32 s7, s2  }
0x1e: {  	s7 =	smul.u32 @!p0 $0xF7A, s2;
	p2 =	seq.s32 @!p0 s5, $0x0  }
0x1f: {  	s9 =	smul.u32 $0xF7A, s1;
	s8 =	simm.s32 @!p0 $0x1BF5;
	p2 =	por !p2, p0  }
0x20: {  	[sflag:s8] =	ssyncset.s32 @!p0 $0xFFFFF086;
	s6 =	sadd.s32 @!p0 s3, s7;
	s7 =	simm.s32 @!p0 $0x108  }
0x21: {  	s3 =	sadd.s32 s3, s9;
	s6 =	sadd.s32 @!p0 $0x88, s6;
	s7 =	simm.s32 @p2 $0x1082  }
0x22: {  	[simem:s7], [sflag:s8] =	dma.local @!p0 [hbm:s6], $0xF7A  }
0x23: {  	s9 =	sor.u32 $0xD0000000, s2;
	s6 =	simm.s32 $0x108;
	_ =	swait.ge @!p0 [sflag:s8], $0x0  }
0x24: {  	s3 =	sadd.s32 $0x88, s3;
	s6 =	simm.s32 @!p1 $0x1082;
	[sflag:s4] =	ssyncset.s32 $0xFFFFF086  }
0x25: {  	[simem:s6], [sflag:s4] =	dma.local [hbm:s3], $0xF7A  }
0x26: {  	[smem:$0x3F9F] =	sst s1;
	(tag) =	ssettag s2;
	_ =	strace s9  }
0x27: {  	s1 =	sld [smem:$0x3FAF]  }
0x28: {  	s2 =	sld [smem:$0x3FB0]  }
0x29: {  	s4 =	sld [smem:$0x3FB2]  }
0x2a: {  	p0 =	seq.s32 s5, $0x0;
	s5 =	sld [smem:$0x3FB3]  }
0x2b: {  	s6 =	sld [smem:$0x3FB4]  }
0x2c: {  	s7 =	sld [smem:$0x3FB5]  }
0x2d: {  	s3 =	simm.s32 $0x108;
	s8 =	sld [smem:$0x3FB6]  }
0x2e: {  	s3 =	simm.s32 @!p0 $0x1082;
	s9 =	sld [smem:$0x3FB7]  }
0x2f: {  	lr =	sadd.s32 s0, s3;
	s0 =	sld [smem:$0x3FAE]  }
0x30: {  	s3 =	sld [smem:$0x3FB1]  }
0x31: {  	[smem:$0x3FBA] =	sst s10  }
0x32: {  	s10 =	sld [smem:$0x3FB8];
	_ =	sdelay $0x3  }
0x33: {  	p0 =	seq.s32 s10, $0x1;
	s10 =	sld [smem:$0x3FBA];
	_ =	sdelay $0x3  }
0x34: {  	[smem:$0x3FBA] =	sst s10  }
0x35: {  	s10 =	sld [smem:$0x3FB9];
	_ =	sdelay $0x3  }
0x36: {  	p1 =	seq.s32 s10, $0x1;
	s10 =	sld [smem:$0x3FBA];
	_ =	sdelay $0x3  }
0x37: {  	[smem:$0x3FBA] =	sst s10  }
0x38: {  	s10 =	sld [smem:$0x3FBB]  }
0x39: {  	_ = 	snop;
	(pc) =	sbr.ind lr, $3  }
0x3a: {  	_ = 	snop  }
0x3b: {  	_ = 	snop  }
0x3c: {  	p2 =	seq.s32 s10, $0x1;
	s10 =	sld [smem:$0x3FBA]  }
0x3d: {  	_ =	shalt  }
0x3e: {  	_ =	shalt  }
0x3f: {  	_ =	shalt  }
0x40: {  	_ =	shalt  }
0x41: {  	_ =	shalt  }
0x42: {  	_ =	shalt  }
0x43: {  	_ =	shalt  }
0x44: {  	_ =	shalt  }
0x45: {  	_ =	shalt  }
0x46: {  	_ =	shalt  }
0x47: {  	_ =	shalt  }
0x48: {  	_ =	shalt  }
0x49: {  	_ =	shalt  }
0x4a: {  	_ =	shalt  }
0x4b: {  	_ =	shalt  }
0x4c: {  	_ =	shalt  }
0x4d: {  	_ =	shalt  }
0x4e: {  	_ =	shalt  }
0x4f: {  	_ =	shalt  }
0x50: {  	_ =	shalt  }
0x51: {  	_ =	shalt  }
0x52: {  	_ =	shalt  }
0x53: {  	_ =	shalt  }
0x54: {  	_ =	shalt  }
0x55: {  	_ =	shalt  }
0x56: {  	_ =	shalt  }
0x57: {  	_ =	shalt  }
0x58: {  	_ =	shalt  }
0x59: {  	_ =	shalt  }
0x5a: {  	_ =	shalt  }
0x5b: {  	_ =	shalt  }
0x5c: {  	_ =	shalt  }
0x5d: {  	_ =	shalt  }
0x5e: {  	_ =	shalt  }
0x5f: {  	_ =	shalt  }
0x60: {  	_ =	shalt  }
0x61: {  	_ =	shalt  }
0x62: {  	_ =	shalt  }
0x63: {  	_ =	shalt  }
0x64: {  	_ =	shalt  }
0x65: {  	_ =	shalt  }
0x66: {  	_ =	shalt  }
0x67: {  	_ =	shalt  }
0x68: {  	_ =	shalt  }
0x69: {  	_ =	shalt  }
0x6a: {  	_ =	shalt  }
0x6b: {  	_ =	shalt  }
0x6c: {  	_ =	shalt  }
0x6d: {  	_ =	shalt  }
0x6e: {  	_ =	shalt  }
0x6f: {  	_ =	shalt  }
0x70: {  	_ =	shalt  }
0x71: {  	_ =	shalt  }
0x72: {  	_ =	shalt  }
0x73: {  	_ =	shalt  }
0x74: {  	_ =	shalt  }
0x75: {  	_ =	shalt  }
0x76: {  	_ =	shalt  }
0x77: {  	_ =	shalt  }
0x78: {  	_ =	shalt  }
0x79: {  	_ =	shalt  }
0x7a: {  	_ =	shalt  }
0x7b: {  	_ =	shalt  }
0x7c: {  	_ =	shalt  }
0x7d: {  	_ =	shalt  }
0x7e: {  	_ =	shalt  }
0x7f: {  	_ =	shalt  }
0x80: {  	_ =	shalt  }
0x81: {  	_ =	shalt  }
0x82: {  	_ =	shalt  }
0x83: {  	_ =	shalt  }
0x84: {  	_ =	shalt  }
0x85: {  	_ =	shalt  }
0x86: {  	_ =	shalt  }
0x87: {  	_ =	shalt  }
.Lfunc_end0:
.L_simem_size_0:
called_computation.1_lowered:
.L_overlay_start_0:
0x88: {  	s2 =	sld [smem:$0x3FD9]  }
0x89: {  	s3 =	sld [smem:$0x3FFE];
	_ =	sdelay $0x1  }
0x8a: {  	s1 =	srdreg.scid  }
0x8b: {  	s0 =	sand.u32 $0x1, s1  }
0x8c: {  	s17 =	sshll.u32 s0, $0xA;
	s2 =	sadd.s32 s3, s2  }
0x8d: {  	s2 =	sadd.s32 s2, s17  }
0x8e: {  	[smem:$0x3FC6] =	sst s2  }
0x8f: {  	_ = 	snop  }
0x90: {  	s2 =	sld [smem:$0x3FD0];
	(tm) =	ssettm $0x1  }
0x91: {  	s18 =	sld [smem:$0x3FFB];
	_ =	sdelay $0x3  }
0x92: {  	_ =	strace s18  }
0x93: {  	s3 =	sld [smem:$0x3FFC];
	_ =	sdelay $0x3  }
0x94: {  	_ =	strace s3  }
0x95: {  	s3 =	sld [smem:$0x3FFD];
	_ =	sdelay $0x3  }
0x96: {  	_ =	strace s3  }
0x97: {  	_ =	strace $0x8FFFFFFF  }
0x98: {  	s19 =	sld [smem:$0x3FDB];
	_ =	sdelay $0x1  }
0x99: {  	s4 =	simm.s32 $_scs_section_size  }
0x9a: {  	s5 =	simm.s32 $_size__tile_overlayer_lowered;
	s6 =	simm.s32 $_tile_overlayer_lowered  }
0x9b: {  	s22 =	simm.s32 $0x1BFF;
	s21 =	sshll.u32 s6, $0x1;
	s3 =	sadd.s32 s4, s19  }
0x9c: {  	s7 =	simm.s32 $0x0;
	s20 =	sshll.u32 s5, $0x1;
	s5 =	sadd.s32 s21, s3  }
0x9d: {  	[timem:s7], [sflag:s22] =	dma.local [hbm:s5], s20  }
0x9e: {  	_ =	swait.ge [sflag:s22], s20  }
0x9f: {  	s4 =	ssub.s32 $0x0, s20;
	[sflag:s22] =	ssyncset.done $0x0  }
0xa0: {  	[sflag:s22] =	ssyncadd.s32 s4;
	_ =	sdelay $0x1  }
0xa1: {  	s23 =	simm.s32 $0x1B8B  }
0xa2: {  	_ =	swait.ge [sflag:s23], $0x1  }
0xa3: {  	[sflag:s23] =	ssyncset.done $0x0  }
0xa4: {  	s25 =	simm.s32 $0x1B8E;
	s24 =	sld [smem:$0x3FFE];
	[sflag:s23] =	ssyncadd.s32 $0xFFFFFFFF  }
0xa5: {  	s26 =	simm.s32 $execute0_lowered;
	[smem:$0x3FD2] =	sst s25  }
0xa6: {  	s5 =	sshll.u32 s26, $0x1;
	_ =	strace $0x80000049;
	[dreg:$0x1] =	wrdreg $0xFFFFFFFF  }
0xa7: {  	s28 =	simm.s32 $_size_execute0_lowered;
	s3 =	sadd.s32 s3, s5;
	[dreg:$0x0] =	wrdreg $0x0  }
0xa8: {  	s5 =	sshll.u32 s28, $0x1;
	[dreg:$0x2] =	wrdreg s3  }
0xa9: {  	[dreg:$0x3] =	wrdreg s5  }
0xaa: {  	[dreg:$0x4] =	wrdreg $0xC0  }
0xab: {  	_ =	task [dreg:s7], $0x5FFFF  }
0xac: {  	[dreg:$0x1] =	wrdreg $0xFFFFFFFF  }
0xad: {  	[dreg:$0x0] =	wrdreg $0x60  }
0xae: {  	[dreg:$0x2] =	wrdreg s24  }
0xaf: {  	[dreg:$0x3] =	wrdreg s2  }
0xb0: {  	[dreg:$0x4] =	wrdreg $0x9  }
0xb1: {  	_ =	task.clear_ibuf [dreg:s7], $0x5FFFF;
	_ =	strace $0x90000049  }
0xb2: {  	s29 =	simm.s32 $0x9;
	_ =	strace $0x8000004B  }
0xb3: {  	_ =	swait.ge [sflag:s29], $0x1  }
0xb4: {  	[sflag:s29] =	ssyncadd.s32 $0xFFFFFFFF  }
0xb5: {  	_ =	strace $0x9000004B  }
0xb6: {  	_ =	sfence  }
0xb7: {  	s30 =	sld [smem:$0x0];
	_ =	sdelay $0x2  }
0xb8: {  	s31 =	sshll.u32 s1, $0xD;
	s1 =	sshrl.u32 s1, $0x2  }
0xb9: {  	s3 =	sand.u32 $0x4000, s31;
	s1 =	sadd.s32 s1, s30  }
0xba: {  	s0 =	sor.u32 s3, s0;
	s1 =	sshll.u32 s1, $0x11  }
0xbb: {  	s0 =	sor.u32 s1, s0  }
0xbc: {  	s0 =	sadd.s32 $0x8F2B, s0  }
0xbd: {  	[sflag:s0] =	ssyncadd.remote.s32 $0x1  }
0xbe: {  	_ =	sfence.sel $0xFFFF  }
0xbf: {  	[dreg:$0x0] =	wrdreg $0xFFFFFFFF;
	(pc) =	sbr.abs _section_cstart, $3  }
0xc0: {  	[dreg:$0x1] =	wrdreg $0xFFFFFFFF  }
0xc1: {  	_ =	task.clear_ibuf [dreg:s7], $0x2FFFF;
	_ =	strace $0x9FFFFFFF  }
0xc2: {  	(tm) =	ssettm $0x7FFFFFFF  }
0xc3: {  	_ =	shalt  }
tec
execute0_lowered:
.L_overlay_start_1:
0x0: {  	(tag) =	ssettag $0x1  }
0x1: {  	s5 =	rddreg [dreg:$0x0];
	v0 =	vlaneseq.u32  }
0x2: {  	s1 =	rddreg [dreg:$0x1];
	v0 =	vmul.u32 $0x80, v0  }
0x3: {  	s4 =	srdreg.scid;
	s2 =	stileid.u32;
	v1 =	vimm.s32 $0x0;
	vm0 =	vcmask $0x300  }
0x4: {  	s3 =	simm.s32 $0x0;
	s11 =	simm.s32 $0x200;
	s12 =	simm.s32 $0x4000;
	v1 =	vsel vm0, $0x3, v1;
	v2 =	vor.u32 $0x800, v0  }
0x5: {  	s13 =	simm.s32 $0x1;
	s14 =	simm.s32 $0x6400;
	s15 =	simm.s32 $0xE400;
	v3 =	vor.u32 $0x1000, v0;
	v4 =	vor.u32 $0x1800, v0;
	v5 =	vor.u32 $0x1, v0  }
0x6: {  	s16 =	simm.s32 $0x2;
	s17 =	simm.s32 $0x16400;
	s18 =	simm.s32 $0x400;
	v6 =	vor.u32 $0x801, v0;
	v7 =	vor.u32 $0x1001, v0;
	v8 =	vor.u32 $0x1801, v0  }
0x7: {  	s19 =	simm.s32 $0x20000;
	s20 =	simm.s32 $0x18400;
	s21 =	simm.s32 $0x1A400;
	v9 =	vor.u32 $0x2, v0;
	v10 =	vor.u32 $0x802, v0;
	v11 =	vor.u32 $0x1002, v0  }
0x8: {  	s22 =	simm.s32 $0x1C400;
	s23 =	simm.s32 $0x3;
	s24 =	simm.s32 $0x0;
	v12 =	vor.u32 $0x1802, v0;
	v13 =	vor.u32 $0x3, v0;
	v14 =	vor.u32 $0x803, v0  }
0x9: {  	s4 =	sand.u32 $0x1, s4;
	s6 =	sshll.u32 s2, $0x1;
	[smem:$0x7FF] =	sst s3;
	v15 =	vor.u32 $0x1003, v0;
	v16 =	vor.u32 $0x1803, v0;
	v17 =	vor.u32 $0x4, v0  }
.Ltmp0:
0xa: {  	s6 =	sor.u32 s4, s6;
	_ =	strace $0x8000004A;
	v18 =	vor.u32 $0x804, v0;
	v19 =	vor.u32 $0x1004, v0;
	v20 =	vor.u32 $0x1804, v0;
	(pc) =	sbr.rel .LBB2_1-.Ltmp0, $4  }
0xb: {  	s8 =	ssub.s32 $0x2, s4;
	s4 =	sadd.s32 $0xF5BE00, s5;
	s7 =	sshll.u32 s6, $0x6;
	v21 =	vor.u32 $0x5, v0;
	v22 =	vor.u32 $0x805, v0;
	v23 =	vor.u32 $0x1005, v0  }
0xc: {  	s31 =	sshrl.u32 s8, $0x1;
	s6 =	sshll.u32 s6, $0xC;
	v24 =	vor.u32 $0x1805, v0;
	v25 =	vor.u32 $0x6, v0;
	v26 =	vor.u32 $0x806, v0;
	s5 =	sadd.s32 s7, s5  }
0xd: {  	v27 =	vor.u32 $0x1006, v0;
	v28 =	vor.u32 $0x1806, v0;
	v29 =	vor.u32 $0x7, v0;
	s10 =	ssub.s32 s8, s31;
	s7 =	sor.u32 $0x400, s6;
	s8 =	sor.u32 $0x800, s6  }
0xe: {  	v30 =	vor.u32 $0x807, v0;
	v31 =	vor.u32 $0x1007, v0;
	v32 =	vor.u32 $0x1807, v0;
	s9 =	sor.u32 $0xC00, s6;
	s5 =	sadd.s32 $0xF42E00, s5;
	s10 =	smax.u32 s10, $0x1  }
.LBB2_20:
0xf: {  	_ =	swait.ge [sflag:s23], $0x2000  }
0x10: {  	[sflag:s23] =	ssyncset.done $0x0  }
0x11: {  	[sflag:s23] =	ssyncadd.s32 $0xFFFFE000  }
0x12: {  	_ =	swait.ge [sflag:s23], $0x2000  }
0x13: {  	[sflag:s23] =	ssyncset.done $0x0  }
0x14: {  	s24 =	sadd.s32 $0x1, s24;
	[sflag:s23] =	ssyncadd.s32 $0xFFFFE000  }
0x15: {  	p0 =	sne.s32 s24, s10;
	_ =	swait.ge [sflag:s23], $0x2000  }
.Ltmp1:
0x16: {  	[sflag:s23] =	ssyncset.done $0x0;
	(pc) =	sbr.rel @!p0 .LBB2_21-.Ltmp1, $4  }
0x17: {  	[sflag:s23] =	ssyncadd.s32 $0xFFFFE000  }
0x18: {  	_ =	swait.ge [sflag:s23], $0x2000  }
0x19: {  	[sflag:s23] =	ssyncset.done $0x0  }
0x1a: {  	[sflag:s23] =	ssyncadd.s32 $0xFFFFE000  }
.LBB2_1:
0x1b: {  	[tilespmem:s3], [sflag:$0x1] =	stream.strided.gather [hbm4b:s5+s11], $0x6400, s12, s11, $0x38;
	[tilespmem:$0x1E400] =	vst v63  }
0x1c: {  	_ =	swait.ge [sflag:s13], $0x6400  }
0x1d: {  	[sflag:s13] =	ssyncset.done $0x0  }
0x1e: {  	[sflag:s13] =	ssyncadd.s32 $0xFFFF9C00  }
0x1f: {  	[tilespmem:s14], [sflag:$0x2] =	stream.indirect.gather [hbm4b:s4+s11], $0x40, s3, s11, $0xb8;
	[tilespmem:$0x1E400] =	vst v63  }
0x20: {  	s25 =	simm.s32 $0x0  }
0x21: {  	[tilespmem:s15], [sflag:$0x2] =	stream.indirect.gather [hbm4b:s4+s11], $0x40, s11, s11, $0xb8;
	[tilespmem:$0x1E400] =	vst v63  }
.LBB2_2:
0x22: {  	s26 =	simm.s32 $0x0;
	s0 =	simm.s32 $0x1;
	s28 =	simm.s32 $0x2  }
0x23: {  	s31 =	simm.s32 $0x3;
	s29 =	simm.s32 $0x7;
	v33 =	vmov s26;
	v34 =	vmov s0;
	v35 =	vmov s28  }
0x24: {  	_ =	swait.ge [sflag:s16], $0x8000;
	s28 =	simm.s32 $0x4;
	v36 =	vmov s31;
	s0 =	simm.s32 $0x5;
	v38 =	vmov s29;
	v33 =	vshrl.u32 v33, $0x3  }
0x25: {  	p0 =	seq.s32 s25, $0x0;
	[sflag:s16] =	ssyncset.done $0x0;
	s31 =	simm.s32 $0x6;
	v37 =	vmov s28;
	v39 =	vmov s0;
	v38 =	vshrl.u32 v38, $0x3  }
0x26: {  	[sflag:s16] =	ssyncadd.s32 $0xFFFF8000;
	s28 =	simm.s32 @!p0 $0x3;
	v40 =	vmov s31;
	v34 =	vshrl.u32 v34, $0x3;
	v35 =	vshrl.u32 v35, $0x3  }
0x27: {  	v36 =	vshrl.u32 v36, $0x3;
	v33 =	vshll.u32 v33, v1;
	_ =	swait.ge @!p0 [sflag:s28], $0x2000;
	v38 =	vshll.u32 v38, v1  }
0x28: {  	v37 =	vshrl.u32 v37, $0x3;
	v34 =	vshll.u32 v34, v1;
	[sflag:s28] =	ssyncset.done @!p0 $0x0;
	v38 =	vbroadcast v38, $0x0  }
0x29: {  	v51 =	vshll.u32 v35, v1;
	v52 =	vshll.u32 v36, v1;
	v33 =	vbroadcast v33, $0x0;
	[sflag:s28] =	ssyncadd.s32 @!p0 $0xFFFFE000;
	s28 =	simm.s32 $0x6500  }
0x2a: {  	v55 =	vshrl.u32 v39, $0x3;
	v47 =	vbroadcast v34, $0x0;
	v41 =	vld [tilespmem:s28+$0xC0];
	v42 =	vor.u32 v29, v38  }
0x2b: {  	v40 =	vshrl.u32 v40, $0x3;
	v53 =	vbroadcast v51, $0x0;
	v43 =	vld [tilespmem:s28+$0xFFFFFF00];
	v44 =	vor.u32 v0, v33  }
0x2c: {  	v35 =	vbroadcast v52, $0x0;
	v54 =	vshll.u32 v37, v1;
	v45 =	vld [tilespmem:s28+$0xFFFFFF40];
	v46 =	vor.u32 v5, v47  }
0x2d: {  	v36 =	vshll.u32 v55, v1;
	v34 =	vbroadcast v54, $0x0;
	v48 =	vld [tilespmem:s28+$0xFFFFFF80];
	v49 =	vor.u32 v9, v53  }
0x2e: {  	v56 =	vshll.u32 v40, v1;
	v37 =	vbroadcast v36, $0x0;
	v39 =	vld [tilespmem:s28+$0xFFFFFFC0];
	v50 =	vor.u32 v13, v35  }
0x2f: {  	v36 =	vbroadcast v56, $0x0;
	v51 =	vld [tilespmem:s28+$0x0];
	v52 =	vor.u32 v17, v34;
	[tilespmem:v42+s17+$0x0] =	vst.idx.msk $0xffff, v41  }
0x30: {  	v59 =	vld [tilespmem:s28+$0x40];
	v60 =	vor.u32 v21, v37;
	[tilespmem:v44+s17+$0x0] =	vst.idx.msk $0xffff, v43  }
0x31: {  	v61 =	vld [tilespmem:s28+$0x80];
	v62 =	vor.u32 v25, v36;
	[tilespmem:v46+s17+$0x0] =	vst.idx.msk $0xffff, v45  }
0x32: {  	v58 =	vor.u32 v30, v38;
	[tilespmem:v49+s17+$0x0] =	vst.idx.msk $0xffff, v48;
	v57 =	vld [tilespmem:s28+$0xD0]  }
0x33: {  	v63 =	vor.u32 v6, v47;
	[tilespmem:v50+s17+$0x0] =	vst.idx.msk $0xffff, v39;
	v46 =	vld [tilespmem:s28+$0xFFFFFF50]  }
0x34: {  	v55 =	vor.u32 v10, v53;
	v54 =	vld [tilespmem:s28+$0xFFFFFF90];
	[tilespmem:v52+s17+$0x0] =	vst.idx.msk $0xffff, v51  }
0x35: {  	v56 =	vor.u32 v14, v35;
	v50 =	vld [tilespmem:s28+$0xFFFFFFD0];
	[tilespmem:v60+s17+$0x0] =	vst.idx.msk $0xffff, v59  }
0x36: {  	[tilespmem:v62+s17+$0x0] =	vst.idx.msk $0xffff, v61;
	v61 =	vld [tilespmem:s28+$0xFFFFFF10];
	v62 =	vor.u32 v2, v33  }
0x37: {  	v59 =	vor.u32 v18, v34;
	[tilespmem:v58+s17+$0x0] =	vst.idx.msk $0xffff, v57;
	v58 =	vld [tilespmem:s28+$0x10]  }
0x38: {  	v57 =	vor.u32 v31, v38;
	[tilespmem:v63+s17+$0x0] =	vst.idx.msk $0xffff, v46;
	v40 =	vld [tilespmem:s28+$0xE0]  }
0x39: {  	v45 =	vor.u32 v22, v37;
	v44 =	vld [tilespmem:s28+$0x50];
	[tilespmem:v55+s17+$0x0] =	vst.idx.msk $0xffff, v54  }
0x3a: {  	v60 =	vor.u32 v26, v36;
	v63 =	vld [tilespmem:s28+$0x90];
	[tilespmem:v56+s17+$0x0] =	vst.idx.msk $0xffff, v50  }
0x3b: {  	v51 =	vor.u32 v7, v47;
	[tilespmem:v62+s17+$0x0] =	vst.idx.msk $0xffff, v61;
	v50 =	vld [tilespmem:s28+$0xFFFFFF60]  }
0x3c: {  	v56 =	vor.u32 v11, v53;
	v55 =	vld [tilespmem:s28+$0xFFFFFFA0];
	[tilespmem:v59+s17+$0x0] =	vst.idx.msk $0xffff, v58  }
0x3d: {  	v58 =	vor.u32 v15, v35;
	[tilespmem:v57+s17+$0x0] =	vst.idx.msk $0xffff, v40;
	v57 =	vld [tilespmem:s28+$0xFFFFFFE0]  }
0x3e: {  	v38 =	vor.u32 v32, v38;
	[tilespmem:v45+s17+$0x0] =	vst.idx.msk $0xffff, v44;
	v54 =	vld [tilespmem:s28+$0xF0]  }
0x3f: {  	s31 =	simm.s32 $0x9;
	[tilespmem:v60+s17+$0x0] =	vst.idx.msk $0xffff, v63;
	v60 =	vor.u32 v19, v34;
	v59 =	vld [tilespmem:s28+$0x20]  }
0x40: {  	v41 =	vor.u32 v23, v37;
	v52 =	vmov s31;
	s31 =	simm.s32 $0xC;
	[tilespmem:v51+s17+$0x0] =	vst.idx.msk $0xffff, v50;
	v40 =	vld [tilespmem:s28+$0x60]  }
0x41: {  	s29 =	simm.s32 $0xB;
	s0 =	simm.s32 $0x8;
	v43 =	vor.u32 v27, v36;
	v48 =	vor.u32 v3, v33;
	v46 =	vmov s31;
	v42 =	vld [tilespmem:s28+$0xA0];
	[tilespmem:v56+s17+$0x0] =	vst.idx.msk $0xffff, v55  }
0x42: {  	v53 =	vor.u32 v12, v53;
	v44 =	vmov s29;
	s29 =	simm.s32 $0xD;
	v45 =	vld [tilespmem:s28+$0xFFFFFF20];
	v63 =	vmov s0;
	[tilespmem:v58+s17+$0x0] =	vst.idx.msk $0xffff, v57  }
0x43: {  	s0 =	simm.s32 $0xA;
	v39 =	vshrl.u32 v63, $0x3;
	v51 =	vor.u32 v8, v47;
	v49 =	vld [tilespmem:s28+$0xFFFFFF70];
	[tilespmem:v38+s17+$0x0] =	vst.idx.msk $0xffff, v54;
	v38 =	vmov s29;
	s29 =	simm.s32 $0xE  }
0x44: {  	s30 =	simm.s32 $0xF;
	s26 =	sshll.u32 s25, $0xC;
	v47 =	vshll.u32 v39, v1;
	v50 =	vld [tilespmem:s28+$0xFFFFFFB0];
	[tilespmem:v60+s17+$0x0] =	vst.idx.msk $0xffff, v59;
	v54 =	vmov s0;
	v39 =	vmov s29;
	s29 =	simm.s32 $0x10  }
.LBB2_3:
0x45: {  	p1 =	slt.u32 s29, $0x78;
	v52 =	vshrl.u32 v52, $0x3;
	v55 =	vmov s30;
	v56 =	vld [tilespmem:s28+$0xFFFFFFF0];
	v35 =	vor.u32 v16, v35;
	[tilespmem:v41+s17+$0x0] =	vst.idx.msk $0xffff, v40  }
0x46: {  	v40 =	vshrl.u32 v54, $0x3;
	v34 =	vor.u32 v20, v34;
	v41 =	vshrl.u32 v55, $0x3;
	v54 =	vld [tilespmem:s28+$0x30];
	[tilespmem:v43+s17+$0x0] =	vst.idx.msk $0xffff, v42  }
0x47: {  	v37 =	vor.u32 v24, v37;
	v42 =	vshrl.u32 v44, $0x3;
	v41 =	vshll.u32 v41, v1;
	[tilespmem:v48+s17+$0x0] =	vst.idx.msk $0xffff, v45;
	v43 =	vld [tilespmem:s28+$0x70]  }
0x48: {  	v36 =	vor.u32 v28, v36;
	v44 =	vshrl.u32 v46, $0x3;
	v41 =	vbroadcast v41, $0x0;
	[tilespmem:v51+s17+$0x0] =	vst.idx.msk $0xffff, v49;
	v45 =	vld [tilespmem:s28+$0xB0]  }
0x49: {  	v46 =	vshll.u32 v52, v1;
	v49 =	vor.u32 v4, v33;
	v33 =	vbroadcast v47, $0x0;
	v48 =	vld [tilespmem:s28+$0xFFFFFF30];
	[tilespmem:v53+s17+$0x0] =	vst.idx.msk $0xffff, v50;
	s28 =	sadd.s32 $0x200, s28  }
0x4a: {  	v40 =	vshll.u32 v40, v1;
	v47 =	vbroadcast v46, $0x0;
	v46 =	vld [tilespmem:s28+$0xC0];
	v50 =	vor.u32 v29, v41;
	[tilespmem:v35+s17+$0x0] =	vst.idx.msk $0xffff, v56  }
0x4b: {  	v53 =	vbroadcast v40, $0x0;
	v52 =	vor.u32 v0, v33;
	v35 =	vshll.u32 v42, v1;
	v51 =	vld [tilespmem:s28+$0xFFFFFF00];
	[tilespmem:v34+s17+$0x0] =	vst.idx.msk $0xffff, v54  }
0x4c: {  	v42 =	vor.u32 v5, v47;
	v35 =	vbroadcast v35, $0x0;
	v34 =	vshll.u32 v44, v1;
	v40 =	vld [tilespmem:s28+$0xFFFFFF40];
	[tilespmem:v37+s17+$0x0] =	vst.idx.msk $0xffff, v43  }
0x4d: {  	v44 =	vor.u32 v9, v53;
	v34 =	vbroadcast v34, $0x0;
	v37 =	vshrl.u32 v38, $0x3;
	v43 =	vld [tilespmem:s28+$0xFFFFFF80];
	[tilespmem:v36+s17+$0x0] =	vst.idx.msk $0xffff, v45  }
0x4e: {  	v39 =	vshrl.u32 v39, $0x3;
	v45 =	vor.u32 v13, v35;
	v36 =	vshll.u32 v37, v1;
	v38 =	vld [tilespmem:s28+$0xFFFFFFC0];
	[tilespmem:v49+s17+$0x0] =	vst.idx.msk $0xffff, v48  }
0x4f: {  	v49 =	vor.u32 v17, v34;
	v37 =	vbroadcast v36, $0x0;
	v36 =	vshll.u32 v39, v1;
	v48 =	vld [tilespmem:s28+$0x0];
	[tilespmem:v50+s17+$0x0] =	vst.idx.msk $0xffff, v46  }
0x50: {  	v36 =	vbroadcast v36, $0x0;
	v46 =	vor.u32 v30, v41;
	[tilespmem:v52+s17+$0x0] =	vst.idx.msk $0xffff, v51;
	v39 =	vld [tilespmem:s28+$0xD0]  }
0x51: {  	[tilespmem:v42+s17+$0x0] =	vst.idx.msk $0xffff, v40;
	v40 =	vld [tilespmem:s28+$0x40];
	v42 =	vor.u32 v21, v37  }
0x52: {  	[tilespmem:v44+s17+$0x0] =	vst.idx.msk $0xffff, v43;
	v43 =	vld [tilespmem:s28+$0x80];
	v44 =	vor.u32 v25, v36  }
0x53: {  	v51 =	vor.u32 v6, v47;
	v50 =	vld [tilespmem:s28+$0xFFFFFF50];
	[tilespmem:v45+s17+$0x0] =	vst.idx.msk $0xffff, v38  }
0x54: {  	v45 =	vor.u32 v10, v53;
	v38 =	vld [tilespmem:s28+$0xFFFFFF90];
	[tilespmem:v49+s17+$0x0] =	vst.idx.msk $0xffff, v48  }
0x55: {  	v49 =	vor.u32 v14, v35;
	v48 =	vld [tilespmem:s28+$0xFFFFFFD0];
	[tilespmem:v46+s17+$0x0] =	vst.idx.msk $0xffff, v39  }
0x56: {  	[tilespmem:v42+s17+$0x0] =	vst.idx.msk $0xffff, v40;
	v39 =	vld [tilespmem:s28+$0xE0];
	v40 =	vor.u32 v31, v41  }
0x57: {  	v46 =	vor.u32 v18, v34;
	v42 =	vld [tilespmem:s28+$0x10];
	[tilespmem:v44+s17+$0x0] =	vst.idx.msk $0xffff, v43  }
0x58: {  	v44 =	vor.u32 v22, v37;
	[tilespmem:v51+s17+$0x0] =	vst.idx.msk $0xffff, v50;
	v43 =	vld [tilespmem:s28+$0x50]  }
0x59: {  	[tilespmem:v45+s17+$0x0] =	vst.idx.msk $0xffff, v38;
	v38 =	vld [tilespmem:s28+$0x90];
	v45 =	vor.u32 v26, v36  }
0x5a: {  	v51 =	vor.u32 v2, v33;
	v50 =	vld [tilespmem:s28+$0xFFFFFF10];
	[tilespmem:v49+s17+$0x0] =	vst.idx.msk $0xffff, v48  }
0x5b: {  	v49 =	vor.u32 v7, v47;
	v48 =	vld [tilespmem:s28+$0xFFFFFF60];
	[tilespmem:v40+s17+$0x0] =	vst.idx.msk $0xffff, v39  }
0x5c: {  	[tilespmem:v46+s17+$0x0] =	vst.idx.msk $0xffff, v42;
	v39 =	vld [tilespmem:s28+$0xF0];
	v46 =	vor.u32 v32, v41  }
0x5d: {  	v56 =	vor.u32 v11, v53;
	v55 =	vld [tilespmem:s28+$0xFFFFFFA0];
	[tilespmem:v44+s17+$0x0] =	vst.idx.msk $0xffff, v43  }
0x5e: {  	v58 =	vor.u32 v15, v35;
	v57 =	vld [tilespmem:s28+$0xFFFFFFE0];
	[tilespmem:v45+s17+$0x0] =	vst.idx.msk $0xffff, v38  }
0x5f: {  	v60 =	vor.u32 v19, v34;
	[tilespmem:v51+s17+$0x0] =	vst.idx.msk $0xffff, v50;
	v59 =	vld [tilespmem:s28+$0x20]  }
.Ltmp2:
0x60: {  	s30 =	sadd.s32 $0x1, s29;
	v41 =	vor.u32 v23, v37;
	v38 =	vmov s29;
	[tilespmem:v49+s17+$0x0] =	vst.idx.msk $0xffff, v48;
	v40 =	vld [tilespmem:s28+$0x60];
	(pc) =	sbr.rel @p1 .LBB2_3-.Ltmp2, $4  }
0x61: {  	s31 =	sadd.s32 $0x3, s29;
	v52 =	vmov s30;
	s30 =	sadd.s32 $0x2, s29;
	v43 =	vor.u32 v27, v36;
	v50 =	vshrl.u32 v38, $0x3;
	v42 =	vld [tilespmem:s28+$0xA0];
	[tilespmem:v46+s17+$0x0] =	vst.idx.msk $0xffff, v39  }
0x62: {  	v54 =	vmov s30;
	s30 =	sadd.s32 $0x4, s29;
	v44 =	vmov s31;
	s31 =	sadd.s32 $0x5, s29;
	v48 =	vor.u32 v3, v33;
	v45 =	vld [tilespmem:s28+$0xFFFFFF20];
	[tilespmem:v56+s17+$0x0] =	vst.idx.msk $0xffff, v55  }
0x63: {  	v38 =	vmov s31;
	v51 =	vor.u32 v8, v47;
	v46 =	vmov s30;
	s30 =	sadd.s32 $0x6, s29;
	v49 =	vld [tilespmem:s28+$0xFFFFFF70];
	[tilespmem:v58+s17+$0x0] =	vst.idx.msk $0xffff, v57  }
0x64: {  	v53 =	vor.u32 v12, v53;
	v47 =	vshll.u32 v50, v1;
	v39 =	vmov s30;
	s30 =	sadd.s32 $0x7, s29;
	s29 =	sadd.s32 $0x8, s29;
	v50 =	vld [tilespmem:s28+$0xFFFFFFB0];
	[tilespmem:v60+s17+$0x0] =	vst.idx.msk $0xffff, v59  }
0x65: {  	_ =	sdelay $0x1  }
0x66: {  	v52 =	vshrl.u32 v52, $0x3  }
0x67: {  	v55 =	vmov s30;
	v56 =	vld [tilespmem:s28+$0xFFFFFFF0];
	v35 =	vor.u32 v16, v35;
	v61 =	vshrl.u32 v54, $0x3  }
0x68: {  	[tilespmem:v41+s17+$0x0] =	vst.idx.msk $0xffff, v40;
	v63 =	vld [tilespmem:s28+$0x30];
	v34 =	vor.u32 v20, v34;
	v37 =	vor.u32 v24, v37;
	v57 =	vshrl.u32 v46, $0x3  }
0x69: {  	v36 =	vor.u32 v28, v36;
	v46 =	vbroadcast v47, $0x0;
	v38 =	vshrl.u32 v38, $0x3;
	[tilespmem:v43+s17+$0x0] =	vst.idx.msk $0xffff, v42;
	v43 =	vld [tilespmem:s28+$0x70]  }
0x6a: {  	v39 =	vshrl.u32 v39, $0x3;
	v62 =	vshrl.u32 v55, $0x3;
	v40 =	vshll.u32 v61, v1;
	[tilespmem:v48+s17+$0x0] =	vst.idx.msk $0xffff, v45;
	v58 =	vld [tilespmem:s28+$0xB0]  }
0x6b: {  	v55 =	vshrl.u32 v44, $0x3;
	v41 =	vshll.u32 v62, v1;
	v40 =	vbroadcast v40, $0x0;
	[tilespmem:v51+s17+$0x0] =	vst.idx.msk $0xffff, v49;
	v48 =	vld [tilespmem:s28+$0xFFFFFF30];
	s28 =	sadd.s32 $0x200, s28  }
0x6c: {  	v59 =	vshll.u32 v52, v1;
	v61 =	vor.u32 v0, v46;
	v41 =	vbroadcast v41, $0x0;
	[tilespmem:v53+s17+$0x0] =	vst.idx.msk $0xffff, v50;
	v60 =	vld [tilespmem:s28+$0xFFFFFF00]  }
0x6d: {  	v47 =	vbroadcast v59, $0x0;
	v42 =	vshll.u32 v55, v1;
	v54 =	vld [tilespmem:s28+$0xFFFFFF80];
	v55 =	vor.u32 v9, v40;
	[tilespmem:v35+s17+$0x0] =	vst.idx.msk $0xffff, v56  }
0x6e: {  	v44 =	vshll.u32 v57, v1;
	v42 =	vbroadcast v42, $0x0;
	v49 =	vld [tilespmem:s28+$0xC0];
	v50 =	vor.u32 v29, v41;
	[tilespmem:v34+s17+$0x0] =	vst.idx.msk $0xffff, v63  }
0x6f: {  	v39 =	vshll.u32 v39, v1;
	v44 =	vbroadcast v44, $0x0;
	v62 =	vld [tilespmem:s28+$0xFFFFFF40];
	v63 =	vor.u32 v5, v47;
	[tilespmem:v37+s17+$0x0] =	vst.idx.msk $0xffff, v43  }
0x70: {  	v38 =	vshll.u32 v38, v1;
	v56 =	vld [tilespmem:s28+$0xFFFFFFC0];
	v57 =	vor.u32 v13, v42;
	v35 =	vbroadcast v39, $0x0;
	[tilespmem:v36+s17+$0x0] =	vst.idx.msk $0xffff, v58  }
0x71: {  	v38 =	vbroadcast v38, $0x0;
	v59 =	vor.u32 v17, v44;
	v58 =	vld [tilespmem:s28+$0x0];
	[tilespmem:v61+s17+$0x0] =	vst.idx.msk $0xffff, v60  }
0x72: {  	v37 =	vld [tilespmem:s28+$0x80];
	v43 =	vor.u32 v25, v35;
	[tilespmem:v55+s17+$0x0] =	vst.idx.msk $0xffff, v54  }
0x73: {  	v60 =	vld [tilespmem:s28+$0x40];
	v61 =	vor.u32 v21, v38;
	[tilespmem:v50+s17+$0x0] =	vst.idx.msk $0xffff, v49  }
0x74: {  	v49 =	vor.u32 v30, v41;
	[tilespmem:v63+s17+$0x0] =	vst.idx.msk $0xffff, v62;
	v39 =	vld [tilespmem:s28+$0xD0]  }
0x75: {  	v63 =	vor.u32 v6, v47;
	[tilespmem:v57+s17+$0x0] =	vst.idx.msk $0xffff, v56;
	v62 =	vld [tilespmem:s28+$0xFFFFFF50]  }
0x76: {  	v33 =	vor.u32 v4, v33;
	[tilespmem:v59+s17+$0x0] =	vst.idx.msk $0xffff, v58  }
0x77: {  	v56 =	vld [tilespmem:s28+$0xFFFFFF90];
	v57 =	vor.u32 v10, v40;
	[tilespmem:v43+s17+$0x0] =	vst.idx.msk $0xffff, v37  }
0x78: {  	v58 =	vld [tilespmem:s28+$0xFFFFFFD0];
	v59 =	vor.u32 v14, v42;
	[tilespmem:v61+s17+$0x0] =	vst.idx.msk $0xffff, v60  }
0x79: {  	v60 =	vld [tilespmem:s28+$0x10];
	v61 =	vor.u32 v18, v44;
	[tilespmem:v49+s17+$0x0] =	vst.idx.msk $0xffff, v39  }
0x7a: {  	v37 =	vld [tilespmem:s28+$0x50];
	[tilespmem:v63+s17+$0x0] =	vst.idx.msk $0xffff, v62;
	v62 =	vor.u32 v22, v38  }
0x7b: {  	[tilespmem:v33+s17+$0x0] =	vst.idx.msk $0xffff, v48;
	v39 =	vor.u32 v31, v41;
	v34 =	vld [tilespmem:s28+$0xE0]  }
0x7c: {  	[tilespmem:v57+s17+$0x0] =	vst.idx.msk $0xffff, v56;
	v56 =	vld [tilespmem:s28+$0xFFFFFF10];
	v57 =	vor.u32 v2, v46  }
0x7d: {  	v36 =	vld [tilespmem:s28+$0x90];
	v63 =	vor.u32 v26, v35;
	[tilespmem:v59+s17+$0x0] =	vst.idx.msk $0xffff, v58  }
0x7e: {  	v58 =	vld [tilespmem:s28+$0xFFFFFF60];
	v59 =	vor.u32 v7, v47;
	[tilespmem:v61+s17+$0x0] =	vst.idx.msk $0xffff, v60  }
0x7f: {  	v60 =	vor.u32 v32, v41;
	v41 =	vld [tilespmem:s28+$0xFFFFFFA0];
	v61 =	vor.u32 v11, v40;
	[tilespmem:v62+s17+$0x0] =	vst.idx.msk $0xffff, v37  }
0x80: {  	v37 =	vld [tilespmem:s28+$0xFFFFFFE0];
	v62 =	vor.u32 v15, v42;
	[tilespmem:v39+s17+$0x0] =	vst.idx.msk $0xffff, v34  }
0x81: {  	[tilespmem:v57+s17+$0x0] =	vst.idx.msk $0xffff, v56;
	v34 =	vld [tilespmem:s28+$0xF0]  }
0x82: {  	v54 =	vor.u32 v19, v44;
	[tilespmem:v63+s17+$0x0] =	vst.idx.msk $0xffff, v36;
	v63 =	vld [tilespmem:s28+$0x20]  }
0x83: {  	v56 =	vor.u32 v23, v38;
	[tilespmem:v59+s17+$0x0] =	vst.idx.msk $0xffff, v58;
	v55 =	vld [tilespmem:s28+$0x60]  }
0x84: {  	v57 =	vld [tilespmem:s28+$0xA0];
	v58 =	vor.u32 v27, v35;
	[tilespmem:v61+s17+$0x0] =	vst.idx.msk $0xffff, v41  }
0x85: {  	v47 =	vor.u32 v8, v47;
	v61 =	vld [tilespmem:s28+$0xFFFFFF70];
	[tilespmem:v62+s17+$0x0] =	vst.idx.msk $0xffff, v37  }
0x86: {  	v59 =	vld [tilespmem:s28+$0xFFFFFF20];
	[tilespmem:v60+s17+$0x0] =	vst.idx.msk $0xffff, v34;
	v60 =	vor.u32 v3, v46  }
0x87: {  	v40 =	vor.u32 v12, v40;
	v62 =	vld [tilespmem:s28+$0xFFFFFFB0];
	[tilespmem:v54+s17+$0x0] =	vst.idx.msk $0xffff, v63  }
0x88: {  	v42 =	vor.u32 v16, v42;
	v63 =	vld [tilespmem:s28+$0xFFFFFFF0];
	[tilespmem:v56+s17+$0x0] =	vst.idx.msk $0xffff, v55  }
0x89: {  	v49 =	vor.u32 v20, v44;
	v48 =	vld [tilespmem:s28+$0x30];
	[tilespmem:v58+s17+$0x0] =	vst.idx.msk $0xffff, v57  }
0x8a: {  	v38 =	vor.u32 v24, v38;
	v51 =	vld [tilespmem:s28+$0x70];
	[tilespmem:v47+s17+$0x0] =	vst.idx.msk $0xffff, v61  }
0x8b: {  	v35 =	vor.u32 v28, v35;
	v52 =	vld [tilespmem:s28+$0xB0];
	[tilespmem:v60+s17+$0x0] =	vst.idx.msk $0xffff, v59  }
0x8c: {  	v54 =	vor.u32 v4, v46;
	[tilespmem:v40+s17+$0x0] =	vst.idx.msk $0xffff, v62;
	v53 =	vld [tilespmem:s28+$0xFFFFFF30]  }
0x8d: {  	[tilespmem:v42+s17+$0x0] =	vst.idx.msk $0xffff, v63  }
0x8e: {  	[tilespmem:v49+s17+$0x0] =	vst.idx.msk $0xffff, v48;
	s28 =	sshll.u32 s25, $0x15  }
0x8f: {  	[tilespmem:v38+s17+$0x0] =	vst.idx.msk $0xffff, v51;
	s29 =	sor.u32 s6, s28  }
0x90: {  	[tilespmem:v35+s17+$0x0] =	vst.idx.msk $0xffff, v52;
	s29 =	sshrl.u32 s29, $0x3  }
0x91: {  	s29 =	sadd.s32 s1, s29;
	[tilespmem:v54+s17+$0x0] =	vst.idx.msk $0xffff, v53  }
0x92: {  	[hbm4b:s29+s18] =	stream.strided.scatter [tilespmem:s17], [sflag:$0x3], $0x2000, s19, s18, $0x38;
	[tilespmem:$0x1E400] =	vst v63  }
0x93: {  	s30 =	simm.s32 $0x0;
	s29 =	simm.s32 @!p0 $0x3  }
0x94: {  	v55 =	vmov s30;
	_ =	swait.ge @!p0 [sflag:s29], $0x2000  }
0x95: {  	v33 =	vshrl.u32 v55, $0x3;
	[sflag:s29] =	ssyncset.done @!p0 $0x0  }
0x96: {  	v33 =	vshll.u32 v33, $0x3;
	[sflag:s29] =	ssyncadd.s32 @!p0 $0xFFFFE000;
	s29 =	simm.s32 $0x85F0  }
0x97: {  	v33 =	vbroadcast v33, $0x0;
	v34 =	vld [tilespmem:s29+$0xFFFFFED0]  }
0x98: {  	v35 =	vld [tilespmem:s29+$0xFFFFFFD0]  }
0x99: {  	v57 =	vor.u32 v25, v33;
	v56 =	vld [tilespmem:s29+$0xFFFFFF90]  }
0x9a: {  	v58 =	vor.u32 v0, v33;
	v59 =	vld [tilespmem:s29+$0xFFFFFE10]  }
0x9b: {  	v60 =	vor.u32 v21, v33;
	v61 =	vld [tilespmem:s29+$0xFFFFFF50]  }
0x9c: {  	v62 =	vor.u32 v9, v33;
	v63 =	vld [tilespmem:s29+$0xFFFFFE90]  }
0x9d: {  	v52 =	vor.u32 v17, v33;
	v53 =	vld [tilespmem:s29+$0xFFFFFF10]  }
0x9e: {  	v54 =	vor.u32 v5, v33;
	v55 =	vld [tilespmem:s29+$0xFFFFFE50];
	[tilespmem:v57+s20+$0x0] =	vst.idx.msk $0xffff, v56  }
0x9f: {  	[tilespmem:v58+s20+$0x0] =	vst.idx.msk $0xffff, v59;
	v56 =	vor.u32 v29, v33;
	v36 =	vld [tilespmem:s29+$0xFFFFFFA0]  }
0xa0: {  	v57 =	vor.u32 v13, v33;
	[tilespmem:v60+s20+$0x0] =	vst.idx.msk $0xffff, v61;
	v58 =	vld [tilespmem:s29+$0xFFFFFE20]  }
0xa1: {  	v59 =	vor.u32 v2, v33;
	[tilespmem:v62+s20+$0x0] =	vst.idx.msk $0xffff, v63;
	v41 =	vld [tilespmem:s29+$0xFFFFFF60]  }
0xa2: {  	[tilespmem:v52+s20+$0x0] =	vst.idx.msk $0xffff, v53;
	v60 =	vor.u32 v26, v33;
	v42 =	vld [tilespmem:s29+$0xFFFFFEA0]  }
0xa3: {  	[tilespmem:v54+s20+$0x0] =	vst.idx.msk $0xffff, v55;
	v61 =	vor.u32 v22, v33;
	v37 =	vld [tilespmem:s29+$0xFFFFFF20]  }
0xa4: {  	v62 =	vor.u32 v10, v33;
	v45 =	vld [tilespmem:s29+$0xFFFFFE60];
	[tilespmem:v56+s20+$0x0] =	vst.idx.msk $0xffff, v35  }
0xa5: {  	v55 =	vor.u32 v6, v33;
	[tilespmem:v57+s20+$0x0] =	vst.idx.msk $0xffff, v34;
	v63 =	vld [tilespmem:s29+$0xFFFFFFE0]  }
0xa6: {  	v54 =	vor.u32 v30, v33;
	[tilespmem:v59+s20+$0x0] =	vst.idx.msk $0xffff, v58;
	v40 =	vld [tilespmem:s29+$0xFFFFFEE0]  }
0xa7: {  	[tilespmem:v60+s20+$0x0] =	vst.idx.msk $0xffff, v36;
	v58 =	vor.u32 v14, v33;
	v56 =	vld [tilespmem:s29+$0xFFFFFE30]  }
0xa8: {  	v57 =	vor.u32 v3, v33;
	[tilespmem:v61+s20+$0x0] =	vst.idx.msk $0xffff, v41;
	v59 =	vld [tilespmem:s29+$0xFFFFFFB0]  }
0xa9: {  	[tilespmem:v62+s20+$0x0] =	vst.idx.msk $0xffff, v42;
	v60 =	vor.u32 v23, v33;
	v41 =	vld [tilespmem:s29+$0xFFFFFF70]  }
0xaa: {  	v62 =	vor.u32 v27, v33;
	[tilespmem:v55+s20+$0x0] =	vst.idx.msk $0xffff, v45;
	v61 =	vld [tilespmem:s29+$0xFFFFFEB0]  }
0xab: {  	v38 =	vld [tilespmem:s29+$0xFFFFFE70];
	[tilespmem:v54+s20+$0x0] =	vst.idx.msk $0xffff, v63;
	v63 =	vor.u32 v11, v33  }
0xac: {  	v44 =	vor.u32 v18, v33;
	[tilespmem:v58+s20+$0x0] =	vst.idx.msk $0xffff, v40;
	v39 =	vld [tilespmem:s29+$0xFFFFFFF0]  }
0xad: {  	v46 =	vor.u32 v31, v33;
	[tilespmem:v57+s20+$0x0] =	vst.idx.msk $0xffff, v56;
	v45 =	vld [tilespmem:s29+$0xFFFFFEF0]  }
0xae: {  	v47 =	vor.u32 v15, v33;
	[tilespmem:v60+s20+$0x0] =	vst.idx.msk $0xffff, v41;
	v36 =	vld [tilespmem:s29+$0xFFFFFE40]  }
0xaf: {  	v43 =	vor.u32 v7, v33;
	v42 =	vor.u32 v24, v33;
	[tilespmem:v62+s20+$0x0] =	vst.idx.msk $0xffff, v59;
	v41 =	vld [tilespmem:s29+$0xFFFFFF80]  }
0xb0: {  	s31 =	simm.s32 $0x87F0;
	v34 =	vor.u32 v19, v33;
	v35 =	vor.u32 v28, v33;
	v40 =	vld [tilespmem:s29+$0xFFFFFFC0];
	[tilespmem:v63+s20+$0x0] =	vst.idx.msk $0xffff, v61  }
.LBB2_5:
0xb1: {  	s30 =	sadd.s32 $0x8, s30;
	v48 =	vld [tilespmem:s31+$0xFFFFFED0];
	[tilespmem:v44+s20+$0x0] =	vst.idx.msk $0xffff, v37  }
0xb2: {  	v37 =	vmov s30;
	p1 =	slt.u32 s30, $0x78;
	v44 =	vld [tilespmem:s29+$0xFFFFFF30];
	[tilespmem:v46+s20+$0x0] =	vst.idx.msk $0xffff, v39  }
0xb3: {  	v37 =	vshrl.u32 v37, $0x3;
	[tilespmem:v47+s20+$0x0] =	vst.idx.msk $0xffff, v45;
	v39 =	vld [tilespmem:s29+$0x0];
	v45 =	vor.u32 v32, v33  }
0xb4: {  	v47 =	vor.u32 v16, v33;
	v37 =	vshll.u32 v37, $0x3;
	v46 =	vld [tilespmem:s29+$0xFFFFFF00];
	[tilespmem:v42+s20+$0x0] =	vst.idx.msk $0xffff, v41  }
0xb5: {  	v41 =	vor.u32 v12, v33;
	v42 =	vor.u32 v20, v33;
	v37 =	vbroadcast v37, $0x0;
	[tilespmem:v43+s20+$0x0] =	vst.idx.msk $0xffff, v38;
	v38 =	vld [tilespmem:s29+$0xFFFFFEC0]  }
0xb6: {  	v50 =	vor.u32 v8, v33;
	v43 =	vor.u32 v4, v33;
	v49 =	vld [tilespmem:s29+$0xFFFFFE80];
	[tilespmem:v35+s20+$0x0] =	vst.idx.msk $0xffff, v40  }
0xb7: {  	v40 =	vor.u32 v0, v37;
	v51 =	vor.u32 v17, v37;
	v52 =	vld [tilespmem:s31+$0xFFFFFFD0];
	[tilespmem:v34+s20+$0x0] =	vst.idx.msk $0xffff, v44;
	v33 =	vmov v37  }
0xb8: {  	v37 =	vor.u32 v5, v33;
	v44 =	vor.u32 v9, v33;
	v53 =	vld [tilespmem:s29+$0xFFFFFF40];
	[tilespmem:v45+s20+$0x0] =	vst.idx.msk $0xffff, v39;
	s29 =	smov.u32 s31  }
0xb9: {  	v39 =	vor.u32 v21, v33;
	v54 =	vor.u32 v25, v33;
	v45 =	vld [tilespmem:s31+$0xFFFFFF90];
	[tilespmem:v47+s20+$0x0] =	vst.idx.msk $0xffff, v46  }
0xba: {  	v34 =	vor.u32 v19, v33;
	v47 =	vor.u32 v13, v33;
	v46 =	vld [tilespmem:s31+$0xFFFFFE10];
	[tilespmem:v41+s20+$0x0] =	vst.idx.msk $0xffff, v38  }
0xbb: {  	v35 =	vor.u32 v28, v33;
	v38 =	vld [tilespmem:s31+$0xFFFFFF50];
	[tilespmem:v50+s20+$0x0] =	vst.idx.msk $0xffff, v49  }
0xbc: {  	v41 =	vld [tilespmem:s31+$0xFFFFFE90];
	[tilespmem:v43+s20+$0x0] =	vst.idx.msk $0xffff, v36  }
0xbd: {  	v36 =	vld [tilespmem:s31+$0xFFFFFF10];
	[tilespmem:v42+s20+$0x0] =	vst.idx.msk $0xffff, v53  }
0xbe: {  	v42 =	vld [tilespmem:s31+$0xFFFFFE50];
	[tilespmem:v54+s20+$0x0] =	vst.idx.msk $0xffff, v45  }
0xbf: {  	v43 =	vor.u32 v29, v33;
	[tilespmem:v40+s20+$0x0] =	vst.idx.msk $0xffff, v46;
	v40 =	vld [tilespmem:s31+$0xFFFFFFA0]  }
0xc0: {  	v45 =	vld [tilespmem:s31+$0xFFFFFE20];
	[tilespmem:v39+s20+$0x0] =	vst.idx.msk $0xffff, v38  }
0xc1: {  	v38 =	vor.u32 v2, v33;
	[tilespmem:v44+s20+$0x0] =	vst.idx.msk $0xffff, v41;
	v39 =	vld [tilespmem:s31+$0xFFFFFF60]  }
0xc2: {  	v41 =	vld [tilespmem:s31+$0xFFFFFEA0];
	[tilespmem:v51+s20+$0x0] =	vst.idx.msk $0xffff, v36;
	v36 =	vor.u32 v26, v33  }
0xc3: {  	[tilespmem:v37+s20+$0x0] =	vst.idx.msk $0xffff, v42;
	v37 =	vld [tilespmem:s31+$0xFFFFFF20];
	v42 =	vor.u32 v22, v33  }
0xc4: {  	v46 =	vor.u32 v10, v33;
	v44 =	vld [tilespmem:s31+$0xFFFFFE60];
	[tilespmem:v43+s20+$0x0] =	vst.idx.msk $0xffff, v52  }
0xc5: {  	[tilespmem:v47+s20+$0x0] =	vst.idx.msk $0xffff, v48;
	v43 =	vld [tilespmem:s31+$0xFFFFFFE0];
	v47 =	vor.u32 v30, v33  }
0xc6: {  	[tilespmem:v38+s20+$0x0] =	vst.idx.msk $0xffff, v45;
	v38 =	vor.u32 v6, v33;
	v45 =	vld [tilespmem:s31+$0xFFFFFEE0]  }
0xc7: {  	v49 =	vor.u32 v3, v33;
	v48 =	vld [tilespmem:s31+$0xFFFFFE30];
	[tilespmem:v36+s20+$0x0] =	vst.idx.msk $0xffff, v40  }
0xc8: {  	v40 =	vor.u32 v14, v33;
	[tilespmem:v42+s20+$0x0] =	vst.idx.msk $0xffff, v39;
	v50 =	vld [tilespmem:s31+$0xFFFFFFB0]  }
0xc9: {  	v42 =	vor.u32 v23, v33;
	[tilespmem:v46+s20+$0x0] =	vst.idx.msk $0xffff, v41;
	v41 =	vld [tilespmem:s31+$0xFFFFFF70]  }
0xca: {  	v52 =	vor.u32 v27, v33;
	v51 =	vld [tilespmem:s31+$0xFFFFFEB0];
	[tilespmem:v47+s20+$0x0] =	vst.idx.msk $0xffff, v43  }
0xcb: {  	v53 =	vor.u32 v11, v33;
	[tilespmem:v38+s20+$0x0] =	vst.idx.msk $0xffff, v44;
	v44 =	vor.u32 v18, v33;
	v39 =	vld [tilespmem:s31+$0xFFFFFFF0]  }
.Ltmp3:
0xcc: {  	[tilespmem:v49+s20+$0x0] =	vst.idx.msk $0xffff, v48;
	v38 =	vld [tilespmem:s31+$0xFFFFFE70];
	(pc) =	sbr.rel @p1 .LBB2_5-.Ltmp3, $4  }
0xcd: {  	v46 =	vor.u32 v31, v33;
	v36 =	vld [tilespmem:s31+$0xFFFFFE40];
	[tilespmem:v40+s20+$0x0] =	vst.idx.msk $0xffff, v45  }
0xce: {  	v47 =	vor.u32 v15, v33;
	v45 =	vld [tilespmem:s31+$0xFFFFFEF0];
	[tilespmem:v42+s20+$0x0] =	vst.idx.msk $0xffff, v41  }
0xcf: {  	v42 =	vor.u32 v24, v33;
	v41 =	vld [tilespmem:s31+$0xFFFFFF80];
	[tilespmem:v52+s20+$0x0] =	vst.idx.msk $0xffff, v50  }
0xd0: {  	v43 =	vor.u32 v7, v33;
	s31 =	sadd.s32 $0x200, s31;
	[tilespmem:v53+s20+$0x0] =	vst.idx.msk $0xffff, v51;
	v40 =	vld [tilespmem:s29+$0xFFFFFFC0]  }
0xd1: {  	_ =	sdelay $0x3  }
0xd2: {  	[tilespmem:v44+s20+$0x0] =	vst.idx.msk $0xffff, v37  }
0xd3: {  	[tilespmem:v46+s20+$0x0] =	vst.idx.msk $0xffff, v39;
	v37 =	vld [tilespmem:s29+$0xFFFFFF30]  }
0xd4: {  	[tilespmem:v43+s20+$0x0] =	vst.idx.msk $0xffff, v38;
	v60 =	vld [tilespmem:s29+$0xFFFFFEC0];
	v61 =	vor.u32 v12, v33  }
0xd5: {  	v58 =	vor.u32 v32, v33;
	v39 =	vld [tilespmem:s29+$0x0];
	[tilespmem:v47+s20+$0x0] =	vst.idx.msk $0xffff, v45  }
0xd6: {  	v63 =	vor.u32 v8, v33;
	v62 =	vld [tilespmem:s29+$0xFFFFFE80];
	[tilespmem:v42+s20+$0x0] =	vst.idx.msk $0xffff, v41  }
0xd7: {  	v47 =	vor.u32 v4, v33;
	[tilespmem:v35+s20+$0x0] =	vst.idx.msk $0xffff, v40  }
0xd8: {  	v59 =	vor.u32 v16, v33;
	v45 =	vld [tilespmem:s29+$0xFFFFFF00];
	[tilespmem:v34+s20+$0x0] =	vst.idx.msk $0xffff, v37  }
0xd9: {  	v48 =	vor.u32 v20, v33;
	[tilespmem:v61+s20+$0x0] =	vst.idx.msk $0xffff, v60;
	v34 =	vld [tilespmem:s29+$0xFFFFFF40]  }
0xda: {  	[tilespmem:v58+s20+$0x0] =	vst.idx.msk $0xffff, v39  }
0xdb: {  	[tilespmem:v63+s20+$0x0] =	vst.idx.msk $0xffff, v62  }
0xdc: {  	s29 =	sor.u32 s7, s28;
	[tilespmem:v47+s20+$0x0] =	vst.idx.msk $0xffff, v36  }
0xdd: {  	[tilespmem:v59+s20+$0x0] =	vst.idx.msk $0xffff, v45;
	s29 =	sshrl.u32 s29, $0x3  }
0xde: {  	s29 =	sadd.s32 s1, s29;
	[tilespmem:v48+s20+$0x0] =	vst.idx.msk $0xffff, v34  }
0xdf: {  	[hbm4b:s29+s18] =	stream.strided.scatter [tilespmem:s20], [sflag:$0x3], $0x2000, s19, s18, $0x38;
	[tilespmem:$0x1E400] =	vst v63  }
0xe0: {  	s30 =	simm.s32 $0x0;
	s29 =	simm.s32 @!p0 $0x3  }
0xe1: {  	v49 =	vmov s30;
	_ =	swait.ge @!p0 [sflag:s29], $0x2000  }
0xe2: {  	v33 =	vshrl.u32 v49, $0x3;
	[sflag:s29] =	ssyncset.done @!p0 $0x0  }
0xe3: {  	v33 =	vshll.u32 v33, $0x3;
	[sflag:s29] =	ssyncadd.s32 @!p0 $0xFFFFE000;
	s29 =	simm.s32 $0xA400  }
0xe4: {  	v33 =	vbroadcast v33, $0x0;
	v34 =	vld [tilespmem:s29+$0xC0]  }
0xe5: {  	v35 =	vld [tilespmem:s29+$0x1C0]  }
0xe6: {  	v51 =	vor.u32 v25, v33;
	v50 =	vld [tilespmem:s29+$0x180]  }
0xe7: {  	v52 =	vor.u32 v0, v33;
	v53 =	vld [tilespmem:s29+$0x0]  }
0xe8: {  	v54 =	vor.u32 v21, v33;
	v55 =	vld [tilespmem:s29+$0x140]  }
0xe9: {  	v56 =	vor.u32 v9, v33;
	v57 =	vld [tilespmem:s29+$0x80]  }
0xea: {  	v58 =	vor.u32 v17, v33;
	v59 =	vld [tilespmem:s29+$0x100]  }
0xeb: {  	v60 =	vor.u32 v5, v33;
	v61 =	vld [tilespmem:s29+$0x40];
	[tilespmem:v51+s21+$0x0] =	vst.idx.msk $0xffff, v50  }
0xec: {  	v62 =	vor.u32 v29, v33;
	[tilespmem:v52+s21+$0x0] =	vst.idx.msk $0xffff, v53;
	v36 =	vld [tilespmem:s29+$0x190]  }
0xed: {  	v63 =	vor.u32 v13, v33;
	[tilespmem:v54+s21+$0x0] =	vst.idx.msk $0xffff, v55;
	v48 =	vld [tilespmem:s29+$0x10]  }
0xee: {  	v51 =	vor.u32 v2, v33;
	[tilespmem:v56+s21+$0x0] =	vst.idx.msk $0xffff, v57;
	v41 =	vld [tilespmem:s29+$0x150]  }
0xef: {  	[tilespmem:v58+s21+$0x0] =	vst.idx.msk $0xffff, v59;
	v52 =	vor.u32 v26, v33;
	v42 =	vld [tilespmem:s29+$0x90]  }
0xf0: {  	[tilespmem:v60+s21+$0x0] =	vst.idx.msk $0xffff, v61;
	v53 =	vor.u32 v22, v33;
	v37 =	vld [tilespmem:s29+$0x110]  }
0xf1: {  	v55 =	vor.u32 v10, v33;
	[tilespmem:v62+s21+$0x0] =	vst.idx.msk $0xffff, v35;
	v54 =	vld [tilespmem:s29+$0x50]  }
0xf2: {  	[tilespmem:v63+s21+$0x0] =	vst.idx.msk $0xffff, v34;
	v57 =	vor.u32 v30, v33;
	v56 =	vld [tilespmem:s29+$0x1D0]  }
0xf3: {  	v58 =	vor.u32 v6, v33;
	v59 =	vld [tilespmem:s29+$0xD0];
	[tilespmem:v51+s21+$0x0] =	vst.idx.msk $0xffff, v48  }
0xf4: {  	v62 =	vor.u32 v14, v33;
	[tilespmem:v52+s21+$0x0] =	vst.idx.msk $0xffff, v36;
	v60 =	vld [tilespmem:s29+$0x20]  }
0xf5: {  	v61 =	vor.u32 v3, v33;
	[tilespmem:v53+s21+$0x0] =	vst.idx.msk $0xffff, v41;
	v49 =	vld [tilespmem:s29+$0x1A0]  }
0xf6: {  	v63 =	vor.u32 v23, v33;
	[tilespmem:v55+s21+$0x0] =	vst.idx.msk $0xffff, v42;
	v41 =	vld [tilespmem:s29+$0x160]  }
0xf7: {  	v51 =	vor.u32 v27, v33;
	[tilespmem:v57+s21+$0x0] =	vst.idx.msk $0xffff, v56;
	v50 =	vld [tilespmem:s29+$0xA0]  }
0xf8: {  	[tilespmem:v58+s21+$0x0] =	vst.idx.msk $0xffff, v54;
	v52 =	vor.u32 v11, v33;
	v39 =	vld [tilespmem:s29+$0x1E0]  }
0xf9: {  	v44 =	vor.u32 v18, v33;
	[tilespmem:v62+s21+$0x0] =	vst.idx.msk $0xffff, v59;
	v38 =	vld [tilespmem:s29+$0x60]  }
0xfa: {  	v46 =	vor.u32 v31, v33;
	v45 =	vld [tilespmem:s29+$0xE0];
	[tilespmem:v61+s21+$0x0] =	vst.idx.msk $0xffff, v60  }
0xfb: {  	v47 =	vor.u32 v15, v33;
	[tilespmem:v63+s21+$0x0] =	vst.idx.msk $0xffff, v41;
	v36 =	vld [tilespmem:s29+$0x30]  }
0xfc: {  	v43 =	vor.u32 v7, v33;
	v42 =	vor.u32 v24, v33;
	[tilespmem:v51+s21+$0x0] =	vst.idx.msk $0xffff, v49;
	v41 =	vld [tilespmem:s29+$0x170]  }
0xfd: {  	s31 =	simm.s32 $0xA600;
	v34 =	vor.u32 v19, v33;
	v35 =	vor.u32 v28, v33;
	[tilespmem:v52+s21+$0x0] =	vst.idx.msk $0xffff, v50;
	v40 =	vld [tilespmem:s29+$0x1B0]  }
.LBB2_7:
0xfe: {  	s30 =	sadd.s32 $0x8, s30;
	v48 =	vld [tilespmem:s31+$0xC0];
	[tilespmem:v44+s21+$0x0] =	vst.idx.msk $0xffff, v37  }
0xff: {  	v37 =	vmov s30;
	p1 =	slt.u32 s30, $0x78;
	v44 =	vld [tilespmem:s29+$0x120];
	[tilespmem:v46+s21+$0x0] =	vst.idx.msk $0xffff, v39  }
0x100: {  	v37 =	vshrl.u32 v37, $0x3;
	[tilespmem:v47+s21+$0x0] =	vst.idx.msk $0xffff, v45;
	v39 =	vld [tilespmem:s29+$0x1F0];
	v45 =	vor.u32 v32, v33  }
0x101: {  	v47 =	vor.u32 v16, v33;
	v37 =	vshll.u32 v37, $0x3;
	v46 =	vld [tilespmem:s29+$0xF0];
	[tilespmem:v42+s21+$0x0] =	vst.idx.msk $0xffff, v41  }
0x102: {  	v41 =	vor.u32 v12, v33;
	v42 =	vor.u32 v20, v33;
	v37 =	vbroadcast v37, $0x0;
	[tilespmem:v43+s21+$0x0] =	vst.idx.msk $0xffff, v38;
	v38 =	vld [tilespmem:s29+$0xB0]  }
0x103: {  	v50 =	vor.u32 v8, v33;
	v43 =	vor.u32 v4, v33;
	v49 =	vld [tilespmem:s29+$0x70];
	[tilespmem:v35+s21+$0x0] =	vst.idx.msk $0xffff, v40  }
0x104: {  	v40 =	vor.u32 v0, v37;
	v51 =	vor.u32 v17, v37;
	v52 =	vld [tilespmem:s31+$0x1C0];
	[tilespmem:v34+s21+$0x0] =	vst.idx.msk $0xffff, v44;
	v33 =	vmov v37  }
0x105: {  	v37 =	vor.u32 v5, v33;
	v44 =	vor.u32 v9, v33;
	v53 =	vld [tilespmem:s29+$0x130];
	[tilespmem:v45+s21+$0x0] =	vst.idx.msk $0xffff, v39;
	s29 =	smov.u32 s31  }
0x106: {  	v39 =	vor.u32 v21, v33;
	v54 =	vor.u32 v25, v33;
	v45 =	vld [tilespmem:s31+$0x180];
	[tilespmem:v47+s21+$0x0] =	vst.idx.msk $0xffff, v46  }
0x107: {  	v34 =	vor.u32 v19, v33;
	v47 =	vor.u32 v13, v33;
	v46 =	vld [tilespmem:s31+$0x0];
	[tilespmem:v41+s21+$0x0] =	vst.idx.msk $0xffff, v38  }
0x108: {  	v35 =	vor.u32 v28, v33;
	v38 =	vld [tilespmem:s31+$0x140];
	[tilespmem:v50+s21+$0x0] =	vst.idx.msk $0xffff, v49  }
0x109: {  	v41 =	vld [tilespmem:s31+$0x80];
	[tilespmem:v43+s21+$0x0] =	vst.idx.msk $0xffff, v36  }
0x10a: {  	v36 =	vld [tilespmem:s31+$0x100];
	[tilespmem:v42+s21+$0x0] =	vst.idx.msk $0xffff, v53  }
0x10b: {  	v42 =	vld [tilespmem:s31+$0x40];
	[tilespmem:v54+s21+$0x0] =	vst.idx.msk $0xffff, v45  }
0x10c: {  	v43 =	vor.u32 v29, v33;
	[tilespmem:v40+s21+$0x0] =	vst.idx.msk $0xffff, v46;
	v40 =	vld [tilespmem:s31+$0x190]  }
0x10d: {  	v45 =	vld [tilespmem:s31+$0x10];
	[tilespmem:v39+s21+$0x0] =	vst.idx.msk $0xffff, v38  }
0x10e: {  	v38 =	vor.u32 v2, v33;
	[tilespmem:v44+s21+$0x0] =	vst.idx.msk $0xffff, v41;
	v39 =	vld [tilespmem:s31+$0x150]  }
0x10f: {  	v41 =	vld [tilespmem:s31+$0x90];
	[tilespmem:v51+s21+$0x0] =	vst.idx.msk $0xffff, v36;
	v36 =	vor.u32 v26, v33  }
0x110: {  	[tilespmem:v37+s21+$0x0] =	vst.idx.msk $0xffff, v42;
	v37 =	vld [tilespmem:s31+$0x110];
	v42 =	vor.u32 v22, v33  }
0x111: {  	v46 =	vor.u32 v10, v33;
	v44 =	vld [tilespmem:s31+$0x50];
	[tilespmem:v43+s21+$0x0] =	vst.idx.msk $0xffff, v52  }
0x112: {  	[tilespmem:v47+s21+$0x0] =	vst.idx.msk $0xffff, v48;
	v43 =	vld [tilespmem:s31+$0x1D0];
	v47 =	vor.u32 v30, v33  }
0x113: {  	[tilespmem:v38+s21+$0x0] =	vst.idx.msk $0xffff, v45;
	v38 =	vor.u32 v6, v33;
	v45 =	vld [tilespmem:s31+$0xD0]  }
0x114: {  	v49 =	vor.u32 v3, v33;
	v48 =	vld [tilespmem:s31+$0x20];
	[tilespmem:v36+s21+$0x0] =	vst.idx.msk $0xffff, v40  }
0x115: {  	v40 =	vor.u32 v14, v33;
	[tilespmem:v42+s21+$0x0] =	vst.idx.msk $0xffff, v39;
	v50 =	vld [tilespmem:s31+$0x1A0]  }
0x116: {  	v42 =	vor.u32 v23, v33;
	[tilespmem:v46+s21+$0x0] =	vst.idx.msk $0xffff, v41;
	v41 =	vld [tilespmem:s31+$0x160]  }
0x117: {  	v52 =	vor.u32 v27, v33;
	v51 =	vld [tilespmem:s31+$0xA0];
	[tilespmem:v47+s21+$0x0] =	vst.idx.msk $0xffff, v43  }
0x118: {  	v53 =	vor.u32 v11, v33;
	[tilespmem:v38+s21+$0x0] =	vst.idx.msk $0xffff, v44;
	v44 =	vor.u32 v18, v33;
	v39 =	vld [tilespmem:s31+$0x1E0]  }
.Ltmp4:
0x119: {  	[tilespmem:v49+s21+$0x0] =	vst.idx.msk $0xffff, v48;
	v38 =	vld [tilespmem:s31+$0x60];
	(pc) =	sbr.rel @p1 .LBB2_7-.Ltmp4, $4  }
0x11a: {  	v46 =	vor.u32 v31, v33;
	v36 =	vld [tilespmem:s31+$0x30];
	[tilespmem:v40+s21+$0x0] =	vst.idx.msk $0xffff, v45  }
0x11b: {  	v47 =	vor.u32 v15, v33;
	v45 =	vld [tilespmem:s31+$0xE0];
	[tilespmem:v42+s21+$0x0] =	vst.idx.msk $0xffff, v41  }
0x11c: {  	v42 =	vor.u32 v24, v33;
	v41 =	vld [tilespmem:s31+$0x170];
	[tilespmem:v52+s21+$0x0] =	vst.idx.msk $0xffff, v50  }
0x11d: {  	v43 =	vor.u32 v7, v33;
	s31 =	sadd.s32 $0x200, s31;
	[tilespmem:v53+s21+$0x0] =	vst.idx.msk $0xffff, v51;
	v40 =	vld [tilespmem:s29+$0x1B0]  }
0x11e: {  	_ =	sdelay $0x3  }
0x11f: {  	[tilespmem:v44+s21+$0x0] =	vst.idx.msk $0xffff, v37  }
0x120: {  	[tilespmem:v46+s21+$0x0] =	vst.idx.msk $0xffff, v39;
	v37 =	vld [tilespmem:s29+$0x120]  }
0x121: {  	[tilespmem:v43+s21+$0x0] =	vst.idx.msk $0xffff, v38;
	v60 =	vld [tilespmem:s29+$0xB0];
	v61 =	vor.u32 v12, v33  }
0x122: {  	v58 =	vor.u32 v32, v33;
	v39 =	vld [tilespmem:s29+$0x1F0];
	[tilespmem:v47+s21+$0x0] =	vst.idx.msk $0xffff, v45  }
0x123: {  	v63 =	vor.u32 v8, v33;
	v62 =	vld [tilespmem:s29+$0x70];
	[tilespmem:v42+s21+$0x0] =	vst.idx.msk $0xffff, v41  }
0x124: {  	v47 =	vor.u32 v4, v33;
	[tilespmem:v35+s21+$0x0] =	vst.idx.msk $0xffff, v40  }
0x125: {  	v59 =	vor.u32 v16, v33;
	v45 =	vld [tilespmem:s29+$0xF0];
	[tilespmem:v34+s21+$0x0] =	vst.idx.msk $0xffff, v37  }
0x126: {  	v48 =	vor.u32 v20, v33;
	[tilespmem:v61+s21+$0x0] =	vst.idx.msk $0xffff, v60;
	v34 =	vld [tilespmem:s29+$0x130]  }
0x127: {  	[tilespmem:v58+s21+$0x0] =	vst.idx.msk $0xffff, v39  }
0x128: {  	[tilespmem:v63+s21+$0x0] =	vst.idx.msk $0xffff, v62  }
0x129: {  	s29 =	sor.u32 s8, s28;
	[tilespmem:v47+s21+$0x0] =	vst.idx.msk $0xffff, v36  }
0x12a: {  	[tilespmem:v59+s21+$0x0] =	vst.idx.msk $0xffff, v45;
	s29 =	sshrl.u32 s29, $0x3  }
0x12b: {  	s29 =	sadd.s32 s1, s29;
	[tilespmem:v48+s21+$0x0] =	vst.idx.msk $0xffff, v34  }
0x12c: {  	[hbm4b:s29+s18] =	stream.strided.scatter [tilespmem:s21], [sflag:$0x3], $0x2000, s19, s18, $0x38;
	[tilespmem:$0x1E400] =	vst v63  }
0x12d: {  	s30 =	simm.s32 $0x0;
	s29 =	simm.s32 @!p0 $0x3  }
0x12e: {  	v49 =	vmov s30;
	_ =	swait.ge @!p0 [sflag:s29], $0x2000  }
0x12f: {  	v33 =	vshrl.u32 v49, $0x3;
	[sflag:s29] =	ssyncset.done @!p0 $0x0  }
0x130: {  	v33 =	vshll.u32 v33, $0x3;
	[sflag:s29] =	ssyncadd.s32 @!p0 $0xFFFFE000;
	s29 =	simm.s32 $0xC400  }
0x131: {  	v33 =	vbroadcast v33, $0x0;
	v34 =	vld [tilespmem:s29+$0xC0]  }
0x132: {  	v35 =	vld [tilespmem:s29+$0x1C0]  }
0x133: {  	v51 =	vor.u32 v25, v33;
	v50 =	vld [tilespmem:s29+$0x180]  }
0x134: {  	v52 =	vor.u32 v0, v33;
	v53 =	vld [tilespmem:s29+$0x0]  }
0x135: {  	v54 =	vor.u32 v21, v33;
	v55 =	vld [tilespmem:s29+$0x140]  }
0x136: {  	v56 =	vor.u32 v9, v33;
	v57 =	vld [tilespmem:s29+$0x80]  }
0x137: {  	v58 =	vor.u32 v17, v33;
	v59 =	vld [tilespmem:s29+$0x100]  }
0x138: {  	v60 =	vor.u32 v5, v33;
	v61 =	vld [tilespmem:s29+$0x40];
	[tilespmem:v51+s22+$0x0] =	vst.idx.msk $0xffff, v50  }
0x139: {  	v62 =	vor.u32 v29, v33;
	[tilespmem:v52+s22+$0x0] =	vst.idx.msk $0xffff, v53;
	v36 =	vld [tilespmem:s29+$0x190]  }
0x13a: {  	v63 =	vor.u32 v13, v33;
	[tilespmem:v54+s22+$0x0] =	vst.idx.msk $0xffff, v55;
	v48 =	vld [tilespmem:s29+$0x10]  }
0x13b: {  	v51 =	vor.u32 v2, v33;
	[tilespmem:v56+s22+$0x0] =	vst.idx.msk $0xffff, v57;
	v41 =	vld [tilespmem:s29+$0x150]  }
0x13c: {  	[tilespmem:v58+s22+$0x0] =	vst.idx.msk $0xffff, v59;
	v52 =	vor.u32 v26, v33;
	v42 =	vld [tilespmem:s29+$0x90]  }
0x13d: {  	[tilespmem:v60+s22+$0x0] =	vst.idx.msk $0xffff, v61;
	v53 =	vor.u32 v22, v33;
	v37 =	vld [tilespmem:s29+$0x110]  }
0x13e: {  	v55 =	vor.u32 v10, v33;
	[tilespmem:v62+s22+$0x0] =	vst.idx.msk $0xffff, v35;
	v54 =	vld [tilespmem:s29+$0x50]  }
0x13f: {  	[tilespmem:v63+s22+$0x0] =	vst.idx.msk $0xffff, v34;
	v57 =	vor.u32 v30, v33;
	v56 =	vld [tilespmem:s29+$0x1D0]  }
0x140: {  	v58 =	vor.u32 v6, v33;
	v59 =	vld [tilespmem:s29+$0xD0];
	[tilespmem:v51+s22+$0x0] =	vst.idx.msk $0xffff, v48  }
0x141: {  	v62 =	vor.u32 v14, v33;
	[tilespmem:v52+s22+$0x0] =	vst.idx.msk $0xffff, v36;
	v60 =	vld [tilespmem:s29+$0x20]  }
0x142: {  	v61 =	vor.u32 v3, v33;
	[tilespmem:v53+s22+$0x0] =	vst.idx.msk $0xffff, v41;
	v49 =	vld [tilespmem:s29+$0x1A0]  }
0x143: {  	v63 =	vor.u32 v23, v33;
	[tilespmem:v55+s22+$0x0] =	vst.idx.msk $0xffff, v42;
	v41 =	vld [tilespmem:s29+$0x160]  }
0x144: {  	v51 =	vor.u32 v27, v33;
	[tilespmem:v57+s22+$0x0] =	vst.idx.msk $0xffff, v56;
	v50 =	vld [tilespmem:s29+$0xA0]  }
0x145: {  	[tilespmem:v58+s22+$0x0] =	vst.idx.msk $0xffff, v54;
	v52 =	vor.u32 v11, v33;
	v39 =	vld [tilespmem:s29+$0x1E0]  }
0x146: {  	v44 =	vor.u32 v18, v33;
	[tilespmem:v62+s22+$0x0] =	vst.idx.msk $0xffff, v59;
	v38 =	vld [tilespmem:s29+$0x60]  }
0x147: {  	v46 =	vor.u32 v31, v33;
	v45 =	vld [tilespmem:s29+$0xE0];
	[tilespmem:v61+s22+$0x0] =	vst.idx.msk $0xffff, v60  }
0x148: {  	v47 =	vor.u32 v15, v33;
	[tilespmem:v63+s22+$0x0] =	vst.idx.msk $0xffff, v41;
	v36 =	vld [tilespmem:s29+$0x30]  }
0x149: {  	v43 =	vor.u32 v7, v33;
	v42 =	vor.u32 v24, v33;
	[tilespmem:v51+s22+$0x0] =	vst.idx.msk $0xffff, v49;
	v41 =	vld [tilespmem:s29+$0x170]  }
0x14a: {  	s31 =	simm.s32 $0xC600;
	v34 =	vor.u32 v19, v33;
	v35 =	vor.u32 v28, v33;
	[tilespmem:v52+s22+$0x0] =	vst.idx.msk $0xffff, v50;
	v40 =	vld [tilespmem:s29+$0x1B0]  }
.LBB2_9:
0x14b: {  	s30 =	sadd.s32 $0x8, s30;
	v48 =	vld [tilespmem:s31+$0xC0];
	[tilespmem:v44+s22+$0x0] =	vst.idx.msk $0xffff, v37  }
0x14c: {  	v37 =	vmov s30;
	p0 =	slt.u32 s30, $0x78;
	v44 =	vld [tilespmem:s29+$0x120];
	[tilespmem:v46+s22+$0x0] =	vst.idx.msk $0xffff, v39  }
0x14d: {  	v37 =	vshrl.u32 v37, $0x3;
	[tilespmem:v47+s22+$0x0] =	vst.idx.msk $0xffff, v45;
	v39 =	vld [tilespmem:s29+$0x1F0];
	v45 =	vor.u32 v32, v33  }
0x14e: {  	v47 =	vor.u32 v16, v33;
	v37 =	vshll.u32 v37, $0x3;
	v46 =	vld [tilespmem:s29+$0xF0];
	[tilespmem:v42+s22+$0x0] =	vst.idx.msk $0xffff, v41  }
0x14f: {  	v41 =	vor.u32 v12, v33;
	v42 =	vor.u32 v20, v33;
	v37 =	vbroadcast v37, $0x0;
	[tilespmem:v43+s22+$0x0] =	vst.idx.msk $0xffff, v38;
	v38 =	vld [tilespmem:s29+$0xB0]  }
0x150: {  	v50 =	vor.u32 v8, v33;
	v43 =	vor.u32 v4, v33;
	v49 =	vld [tilespmem:s29+$0x70];
	[tilespmem:v35+s22+$0x0] =	vst.idx.msk $0xffff, v40  }
0x151: {  	v40 =	vor.u32 v0, v37;
	v51 =	vor.u32 v17, v37;
	v52 =	vld [tilespmem:s31+$0x1C0];
	[tilespmem:v34+s22+$0x0] =	vst.idx.msk $0xffff, v44;
	v33 =	vmov v37  }
0x152: {  	v37 =	vor.u32 v5, v33;
	v44 =	vor.u32 v9, v33;
	v53 =	vld [tilespmem:s29+$0x130];
	[tilespmem:v45+s22+$0x0] =	vst.idx.msk $0xffff, v39;
	s29 =	smov.u32 s31  }
0x153: {  	v39 =	vor.u32 v21, v33;
	v54 =	vor.u32 v25, v33;
	v45 =	vld [tilespmem:s31+$0x180];
	[tilespmem:v47+s22+$0x0] =	vst.idx.msk $0xffff, v46  }
0x154: {  	v34 =	vor.u32 v19, v33;
	v47 =	vor.u32 v13, v33;
	v46 =	vld [tilespmem:s31+$0x0];
	[tilespmem:v41+s22+$0x0] =	vst.idx.msk $0xffff, v38  }
0x155: {  	v35 =	vor.u32 v28, v33;
	v38 =	vld [tilespmem:s31+$0x140];
	[tilespmem:v50+s22+$0x0] =	vst.idx.msk $0xffff, v49  }
0x156: {  	v41 =	vld [tilespmem:s31+$0x80];
	[tilespmem:v43+s22+$0x0] =	vst.idx.msk $0xffff, v36  }
0x157: {  	v36 =	vld [tilespmem:s31+$0x100];
	[tilespmem:v42+s22+$0x0] =	vst.idx.msk $0xffff, v53  }
0x158: {  	v42 =	vld [tilespmem:s31+$0x40];
	[tilespmem:v54+s22+$0x0] =	vst.idx.msk $0xffff, v45  }
0x159: {  	v43 =	vor.u32 v29, v33;
	[tilespmem:v40+s22+$0x0] =	vst.idx.msk $0xffff, v46;
	v40 =	vld [tilespmem:s31+$0x190]  }
0x15a: {  	v45 =	vld [tilespmem:s31+$0x10];
	[tilespmem:v39+s22+$0x0] =	vst.idx.msk $0xffff, v38  }
0x15b: {  	v38 =	vor.u32 v2, v33;
	[tilespmem:v44+s22+$0x0] =	vst.idx.msk $0xffff, v41;
	v39 =	vld [tilespmem:s31+$0x150]  }
0x15c: {  	v41 =	vld [tilespmem:s31+$0x90];
	[tilespmem:v51+s22+$0x0] =	vst.idx.msk $0xffff, v36;
	v36 =	vor.u32 v26, v33  }
0x15d: {  	[tilespmem:v37+s22+$0x0] =	vst.idx.msk $0xffff, v42;
	v37 =	vld [tilespmem:s31+$0x110];
	v42 =	vor.u32 v22, v33  }
0x15e: {  	v46 =	vor.u32 v10, v33;
	v44 =	vld [tilespmem:s31+$0x50];
	[tilespmem:v43+s22+$0x0] =	vst.idx.msk $0xffff, v52  }
0x15f: {  	[tilespmem:v47+s22+$0x0] =	vst.idx.msk $0xffff, v48;
	v43 =	vld [tilespmem:s31+$0x1D0];
	v47 =	vor.u32 v30, v33  }
0x160: {  	[tilespmem:v38+s22+$0x0] =	vst.idx.msk $0xffff, v45;
	v38 =	vor.u32 v6, v33;
	v45 =	vld [tilespmem:s31+$0xD0]  }
0x161: {  	v49 =	vor.u32 v3, v33;
	v48 =	vld [tilespmem:s31+$0x20];
	[tilespmem:v36+s22+$0x0] =	vst.idx.msk $0xffff, v40  }
0x162: {  	v40 =	vor.u32 v14, v33;
	[tilespmem:v42+s22+$0x0] =	vst.idx.msk $0xffff, v39;
	v50 =	vld [tilespmem:s31+$0x1A0]  }
0x163: {  	v42 =	vor.u32 v23, v33;
	[tilespmem:v46+s22+$0x0] =	vst.idx.msk $0xffff, v41;
	v41 =	vld [tilespmem:s31+$0x160]  }
0x164: {  	v52 =	vor.u32 v27, v33;
	v51 =	vld [tilespmem:s31+$0xA0];
	[tilespmem:v47+s22+$0x0] =	vst.idx.msk $0xffff, v43  }
0x165: {  	v53 =	vor.u32 v11, v33;
	[tilespmem:v38+s22+$0x0] =	vst.idx.msk $0xffff, v44;
	v44 =	vor.u32 v18, v33;
	v39 =	vld [tilespmem:s31+$0x1E0]  }
.Ltmp5:
0x166: {  	[tilespmem:v49+s22+$0x0] =	vst.idx.msk $0xffff, v48;
	v38 =	vld [tilespmem:s31+$0x60];
	(pc) =	sbr.rel @p0 .LBB2_9-.Ltmp5, $4  }
0x167: {  	v46 =	vor.u32 v31, v33;
	v36 =	vld [tilespmem:s31+$0x30];
	[tilespmem:v40+s22+$0x0] =	vst.idx.msk $0xffff, v45  }
0x168: {  	v47 =	vor.u32 v15, v33;
	v45 =	vld [tilespmem:s31+$0xE0];
	[tilespmem:v42+s22+$0x0] =	vst.idx.msk $0xffff, v41  }
0x169: {  	v42 =	vor.u32 v24, v33;
	v41 =	vld [tilespmem:s31+$0x170];
	[tilespmem:v52+s22+$0x0] =	vst.idx.msk $0xffff, v50  }
0x16a: {  	v43 =	vor.u32 v7, v33;
	s31 =	sadd.s32 $0x200, s31;
	[tilespmem:v53+s22+$0x0] =	vst.idx.msk $0xffff, v51;
	v40 =	vld [tilespmem:s29+$0x1B0]  }
0x16b: {  	_ =	sdelay $0x3  }
0x16c: {  	[tilespmem:v44+s22+$0x0] =	vst.idx.msk $0xffff, v37  }
0x16d: {  	[tilespmem:v46+s22+$0x0] =	vst.idx.msk $0xffff, v39;
	v37 =	vld [tilespmem:s29+$0x120]  }
0x16e: {  	[tilespmem:v43+s22+$0x0] =	vst.idx.msk $0xffff, v38;
	v61 =	vld [tilespmem:s29+$0xB0];
	v62 =	vor.u32 v12, v33  }
0x16f: {  	v48 =	vor.u32 v4, v33;
	[tilespmem:v47+s22+$0x0] =	vst.idx.msk $0xffff, v45  }
0x170: {  	v59 =	vor.u32 v32, v33;
	v39 =	vld [tilespmem:s29+$0x1F0];
	[tilespmem:v42+s22+$0x0] =	vst.idx.msk $0xffff, v41  }
0x171: {  	v63 =	vld [tilespmem:s29+$0x70];
	v47 =	vor.u32 v8, v33;
	[tilespmem:v35+s22+$0x0] =	vst.idx.msk $0xffff, v40  }
0x172: {  	v60 =	vor.u32 v16, v33;
	v45 =	vld [tilespmem:s29+$0xF0];
	[tilespmem:v34+s22+$0x0] =	vst.idx.msk $0xffff, v37  }
0x173: {  	v49 =	vor.u32 v20, v33;
	[tilespmem:v62+s22+$0x0] =	vst.idx.msk $0xffff, v61;
	v34 =	vld [tilespmem:s29+$0x130]  }
0x174: {  	[tilespmem:v48+s22+$0x0] =	vst.idx.msk $0xffff, v36  }
0x175: {  	[tilespmem:v59+s22+$0x0] =	vst.idx.msk $0xffff, v39  }
0x176: {  	[tilespmem:v47+s22+$0x0] =	vst.idx.msk $0xffff, v63;
	s29 =	sor.u32 s9, s28  }
0x177: {  	[tilespmem:v60+s22+$0x0] =	vst.idx.msk $0xffff, v45;
	s29 =	sshrl.u32 s29, $0x3  }
0x178: {  	p0 =	seq.s32 s25, $0x18;
	s29 =	sadd.s32 s1, s29;
	[tilespmem:v49+s22+$0x0] =	vst.idx.msk $0xffff, v34  }
0x179: {  	[hbm4b:s29+s18] =	stream.strided.scatter [tilespmem:s22], [sflag:$0x3], $0x2000, s19, s18, $0x38;
	[tilespmem:$0x1E400] =	vst v63  }
0x17a: {  	s29 =	sshrl.u32 @!p0 s26, $0x2  }
0x17b: {  	s30 =	simm.s32 @!p0 $0x200;
	s31 =	simm.s32 @!p0 $0x6400;
	s29 =	sadd.s32 @!p0 $0x400, s29  }
0x17c: {  	[tilespmem:s31], [sflag:$0x2] =	stream.indirect.gather @!p0 [hbm4b:s4+s30], $0x40, s29, s30, $0xb8;
	[tilespmem:$0x1E400] =	vst v63  }
0x17d: {  	s29 =	simm.s32 $0x0  }
0x17e: {  	s30 =	simm.s32 $0x2;
	s31 =	simm.s32 $0x7;
	v50 =	vmov s29  }
0x17f: {  	s29 =	simm.s32 $0x1;
	v52 =	vmov s30;
	s30 =	simm.s32 $0x4;
	v55 =	vmov s31;
	v33 =	vshrl.u32 v50, $0x3  }
0x180: {  	_ =	swait.ge [sflag:s16], $0x8000;
	v51 =	vmov s29;
	s29 =	simm.s32 $0x3;
	v54 =	vmov s30;
	v38 =	vshrl.u32 v55, $0x3  }
0x181: {  	[sflag:s16] =	ssyncset.done $0x0;
	v35 =	vshrl.u32 v52, $0x3;
	v53 =	vmov s29;
	v33 =	vshll.u32 v33, v1  }
0x182: {  	s29 =	simm.s32 $0x5;
	[sflag:s16] =	ssyncadd.s32 $0xFFFF8000;
	v34 =	vshrl.u32 v51, $0x3;
	v38 =	vshll.u32 v38, v1;
	v37 =	vshrl.u32 v54, $0x3  }
0x183: {  	v56 =	vshll.u32 v35, v1;
	v39 =	vmov s29;
	_ =	swait.ge [sflag:s23], $0x2000;
	v36 =	vshrl.u32 v53, $0x3  }
0x184: {  	s29 =	simm.s32 $0x6;
	v38 =	vbroadcast v38, $0x0;
	v33 =	vbroadcast v33, $0x0;
	v34 =	vshll.u32 v34, v1;
	[sflag:s23] =	ssyncset.done $0x0  }
0x185: {  	v52 =	vbroadcast v56, $0x0;
	v40 =	vmov s29;
	s29 =	simm.s32 $0xE5F0;
	v45 =	vbroadcast v34, $0x0;
	[sflag:s23] =	ssyncadd.s32 $0xFFFFE000  }
0x186: {  	v54 =	vshll.u32 v37, v1;
	v61 =	vshll.u32 v36, v1;
	v58 =	vor.u32 v29, v38;
	v57 =	vld [tilespmem:s29+$0xFFFFFFD0]  }
0x187: {  	v34 =	vbroadcast v54, $0x0;
	v55 =	vshrl.u32 v39, $0x3;
	v62 =	vld [tilespmem:s29+$0xFFFFFE50];
	v63 =	vor.u32 v5, v45  }
0x188: {  	v60 =	vor.u32 v0, v33;
	v35 =	vbroadcast v61, $0x0;
	v40 =	vshrl.u32 v40, $0x3;
	v59 =	vld [tilespmem:s29+$0xFFFFFE10]  }
0x189: {  	v49 =	vor.u32 v9, v52;
	v36 =	vshll.u32 v55, v1;
	v48 =	vld [tilespmem:s29+$0xFFFFFE90];
	v56 =	vshll.u32 v40, v1  }
0x18a: {  	v51 =	vld [tilespmem:s29+$0xFFFFFF10];
	v53 =	vor.u32 v17, v34;
	v37 =	vbroadcast v36, $0x0;
	v36 =	vbroadcast v56, $0x0  }
0x18b: {  	v39 =	vld [tilespmem:s29+$0xFFFFFED0];
	v50 =	vor.u32 v13, v35;
	[tilespmem:v58+s17+$0x0] =	vst.idx.msk $0xffff, v57  }
0x18c: {  	v61 =	vld [tilespmem:s29+$0xFFFFFF90];
	[tilespmem:v63+s17+$0x0] =	vst.idx.msk $0xffff, v62;
	v62 =	vor.u32 v25, v36  }
0x18d: {  	[tilespmem:v60+s17+$0x0] =	vst.idx.msk $0xffff, v59;
	v58 =	vor.u32 v30, v38;
	v57 =	vld [tilespmem:s29+$0xFFFFFFE0]  }
0x18e: {  	v59 =	vld [tilespmem:s29+$0xFFFFFF50];
	v60 =	vor.u32 v21, v37;
	[tilespmem:v49+s17+$0x0] =	vst.idx.msk $0xffff, v48  }
0x18f: {  	v63 =	vor.u32 v6, v45;
	[tilespmem:v53+s17+$0x0] =	vst.idx.msk $0xffff, v51;
	v47 =	vld [tilespmem:s29+$0xFFFFFE60]  }
0x190: {  	v55 =	vor.u32 v10, v52;
	[tilespmem:v50+s17+$0x0] =	vst.idx.msk $0xffff, v39;
	v54 =	vld [tilespmem:s29+$0xFFFFFEA0]  }
0x191: {  	v56 =	vor.u32 v14, v35;
	v50 =	vld [tilespmem:s29+$0xFFFFFEE0];
	[tilespmem:v62+s17+$0x0] =	vst.idx.msk $0xffff, v61  }
0x192: {  	v61 =	vld [tilespmem:s29+$0xFFFFFE20];
	v62 =	vor.u32 v2, v33;
	[tilespmem:v58+s17+$0x0] =	vst.idx.msk $0xffff, v57  }
0x193: {  	[tilespmem:v60+s17+$0x0] =	vst.idx.msk $0xffff, v59;
	v57 =	vor.u32 v31, v38;
	v40 =	vld [tilespmem:s29+$0xFFFFFFF0]  }
0x194: {  	v59 =	vor.u32 v18, v34;
	v58 =	vld [tilespmem:s29+$0xFFFFFF20];
	[tilespmem:v63+s17+$0x0] =	vst.idx.msk $0xffff, v47  }
0x195: {  	v46 =	vor.u32 v22, v37;
	v44 =	vld [tilespmem:s29+$0xFFFFFF60];
	[tilespmem:v55+s17+$0x0] =	vst.idx.msk $0xffff, v54  }
0x196: {  	v60 =	vor.u32 v26, v36;
	v63 =	vld [tilespmem:s29+$0xFFFFFFA0];
	[tilespmem:v56+s17+$0x0] =	vst.idx.msk $0xffff, v50  }
0x197: {  	v51 =	vor.u32 v7, v45;
	v50 =	vld [tilespmem:s29+$0xFFFFFE70];
	[tilespmem:v62+s17+$0x0] =	vst.idx.msk $0xffff, v61  }
0x198: {  	v55 =	vld [tilespmem:s29+$0xFFFFFEB0];
	v56 =	vor.u32 v11, v52;
	[tilespmem:v57+s17+$0x0] =	vst.idx.msk $0xffff, v40  }
0x199: {  	v38 =	vor.u32 v32, v38;
	[tilespmem:v59+s17+$0x0] =	vst.idx.msk $0xffff, v58;
	v54 =	vld [tilespmem:s29+$0x0]  }
0x19a: {  	[tilespmem:v46+s17+$0x0] =	vst.idx.msk $0xffff, v44;
	v58 =	vor.u32 v15, v35;
	v57 =	vld [tilespmem:s29+$0xFFFFFEF0]  }
0x19b: {  	s30 =	simm.s32 $0x8;
	[tilespmem:v60+s17+$0x0] =	vst.idx.msk $0xffff, v63;
	v60 =	vor.u32 v19, v34;
	v59 =	vld [tilespmem:s29+$0xFFFFFF30]  }
0x19c: {  	v41 =	vor.u32 v23, v37;
	v63 =	vmov s30;
	s30 =	simm.s32 $0x9;
	[tilespmem:v51+s17+$0x0] =	vst.idx.msk $0xffff, v50;
	v40 =	vld [tilespmem:s29+$0xFFFFFF70]  }
0x19d: {  	s31 =	simm.s32 $0xB;
	v43 =	vor.u32 v27, v36;
	v48 =	vor.u32 v3, v33;
	v53 =	vmov s30;
	s30 =	simm.s32 $0xA;
	v42 =	vld [tilespmem:s29+$0xFFFFFFB0];
	[tilespmem:v56+s17+$0x0] =	vst.idx.msk $0xffff, v55  }
0x19e: {  	v52 =	vor.u32 v12, v52;
	v44 =	vmov s31;
	v46 =	vld [tilespmem:s29+$0xFFFFFE30];
	[tilespmem:v38+s17+$0x0] =	vst.idx.msk $0xffff, v54;
	v54 =	vmov s30;
	s30 =	simm.s32 $0xC  }
0x19f: {  	s31 =	simm.s32 $0xD;
	v39 =	vshrl.u32 v63, $0x3;
	v51 =	vor.u32 v8, v45;
	v49 =	vld [tilespmem:s29+$0xFFFFFE80];
	[tilespmem:v58+s17+$0x0] =	vst.idx.msk $0xffff, v57;
	v47 =	vmov s30;
	s30 =	simm.s32 $0xE  }
0x1a0: {  	v45 =	vshll.u32 v39, v1;
	v50 =	vld [tilespmem:s29+$0xFFFFFEC0];
	[tilespmem:v60+s17+$0x0] =	vst.idx.msk $0xffff, v59;
	v38 =	vmov s31;
	s31 =	simm.s32 $0xF;
	v39 =	vmov s30;
	s30 =	simm.s32 $0x10  }
.LBB2_11:
0x1a1: {  	p1 =	slt.u32 s30, $0x78;
	v53 =	vshrl.u32 v53, $0x3;
	v55 =	vmov s31;
	v56 =	vld [tilespmem:s29+$0xFFFFFF00];
	v35 =	vor.u32 v16, v35;
	[tilespmem:v41+s17+$0x0] =	vst.idx.msk $0xffff, v40  }
0x1a2: {  	v40 =	vshrl.u32 v54, $0x3;
	v34 =	vor.u32 v20, v34;
	v41 =	vshrl.u32 v55, $0x3;
	v54 =	vld [tilespmem:s29+$0xFFFFFF40];
	[tilespmem:v43+s17+$0x0] =	vst.idx.msk $0xffff, v42  }
0x1a3: {  	v37 =	vor.u32 v24, v37;
	v42 =	vshrl.u32 v44, $0x3;
	v41 =	vshll.u32 v41, v1;
	[tilespmem:v48+s17+$0x0] =	vst.idx.msk $0xffff, v46;
	v43 =	vld [tilespmem:s29+$0xFFFFFF80]  }
0x1a4: {  	v36 =	vor.u32 v28, v36;
	v44 =	vshrl.u32 v47, $0x3;
	v41 =	vbroadcast v41, $0x0;
	[tilespmem:v51+s17+$0x0] =	vst.idx.msk $0xffff, v49;
	v46 =	vld [tilespmem:s29+$0xFFFFFFC0]  }
0x1a5: {  	v47 =	vshll.u32 v53, v1;
	v49 =	vor.u32 v4, v33;
	v33 =	vbroadcast v45, $0x0;
	v48 =	vld [tilespmem:s29+$0xFFFFFE40];
	[tilespmem:v52+s17+$0x0] =	vst.idx.msk $0xffff, v50;
	s29 =	sadd.s32 $0x200, s29  }
0x1a6: {  	v40 =	vshll.u32 v40, v1;
	v45 =	vbroadcast v47, $0x0;
	v47 =	vld [tilespmem:s29+$0xFFFFFFD0];
	v50 =	vor.u32 v29, v41;
	[tilespmem:v35+s17+$0x0] =	vst.idx.msk $0xffff, v56  }
0x1a7: {  	v55 =	vbroadcast v40, $0x0;
	v52 =	vor.u32 v0, v33;
	v35 =	vshll.u32 v42, v1;
	v51 =	vld [tilespmem:s29+$0xFFFFFE10];
	[tilespmem:v34+s17+$0x0] =	vst.idx.msk $0xffff, v54  }
0x1a8: {  	v42 =	vor.u32 v5, v45;
	v35 =	vbroadcast v35, $0x0;
	v34 =	vshll.u32 v44, v1;
	v40 =	vld [tilespmem:s29+$0xFFFFFE50];
	[tilespmem:v37+s17+$0x0] =	vst.idx.msk $0xffff, v43  }
0x1a9: {  	v44 =	vor.u32 v9, v55;
	v34 =	vbroadcast v34, $0x0;
	v37 =	vshrl.u32 v38, $0x3;
	v43 =	vld [tilespmem:s29+$0xFFFFFE90];
	[tilespmem:v36+s17+$0x0] =	vst.idx.msk $0xffff, v46  }
0x1aa: {  	v39 =	vshrl.u32 v39, $0x3;
	v46 =	vor.u32 v13, v35;
	v36 =	vshll.u32 v37, v1;
	v38 =	vld [tilespmem:s29+$0xFFFFFED0];
	[tilespmem:v49+s17+$0x0] =	vst.idx.msk $0xffff, v48  }
0x1ab: {  	v49 =	vor.u32 v17, v34;
	v37 =	vbroadcast v36, $0x0;
	v36 =	vshll.u32 v39, v1;
	v48 =	vld [tilespmem:s29+$0xFFFFFF10];
	[tilespmem:v50+s17+$0x0] =	vst.idx.msk $0xffff, v47  }
0x1ac: {  	v36 =	vbroadcast v36, $0x0;
	v47 =	vor.u32 v30, v41;
	[tilespmem:v52+s17+$0x0] =	vst.idx.msk $0xffff, v51;
	v39 =	vld [tilespmem:s29+$0xFFFFFFE0]  }
0x1ad: {  	[tilespmem:v42+s17+$0x0] =	vst.idx.msk $0xffff, v40;
	v40 =	vld [tilespmem:s29+$0xFFFFFF50];
	v42 =	vor.u32 v21, v37  }
0x1ae: {  	[tilespmem:v44+s17+$0x0] =	vst.idx.msk $0xffff, v43;
	v43 =	vld [tilespmem:s29+$0xFFFFFF90];
	v44 =	vor.u32 v25, v36  }
0x1af: {  	v51 =	vor.u32 v6, v45;
	v50 =	vld [tilespmem:s29+$0xFFFFFE60];
	[tilespmem:v46+s17+$0x0] =	vst.idx.msk $0xffff, v38  }
0x1b0: {  	v46 =	vor.u32 v10, v55;
	v38 =	vld [tilespmem:s29+$0xFFFFFEA0];
	[tilespmem:v49+s17+$0x0] =	vst.idx.msk $0xffff, v48  }
0x1b1: {  	v49 =	vor.u32 v14, v35;
	v48 =	vld [tilespmem:s29+$0xFFFFFEE0];
	[tilespmem:v47+s17+$0x0] =	vst.idx.msk $0xffff, v39  }
0x1b2: {  	[tilespmem:v42+s17+$0x0] =	vst.idx.msk $0xffff, v40;
	v39 =	vld [tilespmem:s29+$0xFFFFFFF0];
	v40 =	vor.u32 v31, v41  }
0x1b3: {  	v47 =	vor.u32 v18, v34;
	v42 =	vld [tilespmem:s29+$0xFFFFFF20];
	[tilespmem:v44+s17+$0x0] =	vst.idx.msk $0xffff, v43  }
0x1b4: {  	v44 =	vor.u32 v22, v37;
	[tilespmem:v51+s17+$0x0] =	vst.idx.msk $0xffff, v50;
	v43 =	vld [tilespmem:s29+$0xFFFFFF60]  }
0x1b5: {  	[tilespmem:v46+s17+$0x0] =	vst.idx.msk $0xffff, v38;
	v38 =	vld [tilespmem:s29+$0xFFFFFFA0];
	v46 =	vor.u32 v26, v36  }
0x1b6: {  	v51 =	vor.u32 v2, v33;
	v50 =	vld [tilespmem:s29+$0xFFFFFE20];
	[tilespmem:v49+s17+$0x0] =	vst.idx.msk $0xffff, v48  }
0x1b7: {  	v49 =	vor.u32 v7, v45;
	v48 =	vld [tilespmem:s29+$0xFFFFFE70];
	[tilespmem:v40+s17+$0x0] =	vst.idx.msk $0xffff, v39  }
0x1b8: {  	[tilespmem:v47+s17+$0x0] =	vst.idx.msk $0xffff, v42;
	v39 =	vld [tilespmem:s29+$0x0];
	v47 =	vor.u32 v32, v41  }
0x1b9: {  	v56 =	vor.u32 v11, v55;
	v52 =	vld [tilespmem:s29+$0xFFFFFEB0];
	[tilespmem:v44+s17+$0x0] =	vst.idx.msk $0xffff, v43  }
0x1ba: {  	v58 =	vor.u32 v15, v35;
	v57 =	vld [tilespmem:s29+$0xFFFFFEF0];
	[tilespmem:v46+s17+$0x0] =	vst.idx.msk $0xffff, v38  }
0x1bb: {  	v60 =	vor.u32 v19, v34;
	[tilespmem:v51+s17+$0x0] =	vst.idx.msk $0xffff, v50;
	v59 =	vld [tilespmem:s29+$0xFFFFFF30]  }
.Ltmp6:
0x1bc: {  	s31 =	sadd.s32 $0x1, s30;
	v41 =	vor.u32 v23, v37;
	v38 =	vmov s30;
	[tilespmem:v49+s17+$0x0] =	vst.idx.msk $0xffff, v48;
	v40 =	vld [tilespmem:s29+$0xFFFFFF70];
	(pc) =	sbr.rel @p1 .LBB2_11-.Ltmp6, $4  }
0x1bd: {  	s0 =	sadd.s32 $0x3, s30;
	v53 =	vmov s31;
	s31 =	sadd.s32 $0x2, s30;
	v43 =	vor.u32 v27, v36;
	v50 =	vshrl.u32 v38, $0x3;
	v42 =	vld [tilespmem:s29+$0xFFFFFFB0];
	[tilespmem:v47+s17+$0x0] =	vst.idx.msk $0xffff, v39  }
0x1be: {  	v54 =	vmov s31;
	s31 =	sadd.s32 $0x5, s30;
	v44 =	vmov s0;
	s0 =	sadd.s32 $0x4, s30;
	v48 =	vor.u32 v3, v33;
	v46 =	vld [tilespmem:s29+$0xFFFFFE30];
	[tilespmem:v56+s17+$0x0] =	vst.idx.msk $0xffff, v52  }
0x1bf: {  	v38 =	vmov s31;
	v51 =	vor.u32 v8, v45;
	v47 =	vmov s0;
	s0 =	sadd.s32 $0x6, s30;
	v49 =	vld [tilespmem:s29+$0xFFFFFE80];
	[tilespmem:v58+s17+$0x0] =	vst.idx.msk $0xffff, v57  }
0x1c0: {  	s31 =	sadd.s32 $0x7, s30;
	v45 =	vshll.u32 v50, v1;
	s30 =	sadd.s32 $0x8, s30;
	v39 =	vmov s0;
	v52 =	vor.u32 v12, v55;
	v50 =	vld [tilespmem:s29+$0xFFFFFEC0];
	[tilespmem:v60+s17+$0x0] =	vst.idx.msk $0xffff, v59  }
0x1c1: {  	_ =	sdelay $0x1  }
0x1c2: {  	v53 =	vshrl.u32 v53, $0x3  }
0x1c3: {  	v55 =	vmov s31;
	v56 =	vld [tilespmem:s29+$0xFFFFFF00];
	v35 =	vor.u32 v16, v35;
	v61 =	vshrl.u32 v54, $0x3  }
0x1c4: {  	[tilespmem:v41+s17+$0x0] =	vst.idx.msk $0xffff, v40;
	v63 =	vld [tilespmem:s29+$0xFFFFFF40];
	v34 =	vor.u32 v20, v34;
	v37 =	vor.u32 v24, v37;
	v57 =	vshrl.u32 v47, $0x3  }
0x1c5: {  	v36 =	vor.u32 v28, v36;
	v45 =	vbroadcast v45, $0x0;
	v38 =	vshrl.u32 v38, $0x3;
	[tilespmem:v43+s17+$0x0] =	vst.idx.msk $0xffff, v42;
	v43 =	vld [tilespmem:s29+$0xFFFFFF80]  }
0x1c6: {  	v39 =	vshrl.u32 v39, $0x3;
	v62 =	vshrl.u32 v55, $0x3;
	v40 =	vshll.u32 v61, v1;
	[tilespmem:v48+s17+$0x0] =	vst.idx.msk $0xffff, v46;
	v58 =	vld [tilespmem:s29+$0xFFFFFFC0]  }
0x1c7: {  	v55 =	vshrl.u32 v44, $0x3;
	v41 =	vshll.u32 v62, v1;
	v40 =	vbroadcast v40, $0x0;
	[tilespmem:v51+s17+$0x0] =	vst.idx.msk $0xffff, v49;
	v48 =	vld [tilespmem:s29+$0xFFFFFE40];
	s29 =	sadd.s32 $0x200, s29  }
0x1c8: {  	v59 =	vshll.u32 v53, v1;
	v61 =	vor.u32 v0, v45;
	v41 =	vbroadcast v41, $0x0;
	[tilespmem:v52+s17+$0x0] =	vst.idx.msk $0xffff, v50;
	v60 =	vld [tilespmem:s29+$0xFFFFFE10]  }
0x1c9: {  	v47 =	vbroadcast v59, $0x0;
	v42 =	vshll.u32 v55, v1;
	v54 =	vld [tilespmem:s29+$0xFFFFFE90];
	v55 =	vor.u32 v9, v40;
	[tilespmem:v35+s17+$0x0] =	vst.idx.msk $0xffff, v56  }
0x1ca: {  	v44 =	vshll.u32 v57, v1;
	v42 =	vbroadcast v42, $0x0;
	v49 =	vld [tilespmem:s29+$0xFFFFFFD0];
	v50 =	vor.u32 v29, v41;
	[tilespmem:v34+s17+$0x0] =	vst.idx.msk $0xffff, v63  }
0x1cb: {  	v39 =	vshll.u32 v39, v1;
	v44 =	vbroadcast v44, $0x0;
	v62 =	vld [tilespmem:s29+$0xFFFFFE50];
	v63 =	vor.u32 v5, v47;
	[tilespmem:v37+s17+$0x0] =	vst.idx.msk $0xffff, v43  }
0x1cc: {  	v38 =	vshll.u32 v38, v1;
	v56 =	vld [tilespmem:s29+$0xFFFFFED0];
	v57 =	vor.u32 v13, v42;
	v35 =	vbroadcast v39, $0x0;
	[tilespmem:v36+s17+$0x0] =	vst.idx.msk $0xffff, v58  }
0x1cd: {  	v38 =	vbroadcast v38, $0x0;
	v59 =	vor.u32 v17, v44;
	v58 =	vld [tilespmem:s29+$0xFFFFFF10];
	[tilespmem:v61+s17+$0x0] =	vst.idx.msk $0xffff, v60  }
0x1ce: {  	v37 =	vld [tilespmem:s29+$0xFFFFFF90];
	v43 =	vor.u32 v25, v35;
	[tilespmem:v55+s17+$0x0] =	vst.idx.msk $0xffff, v54  }
0x1cf: {  	v60 =	vld [tilespmem:s29+$0xFFFFFF50];
	v61 =	vor.u32 v21, v38;
	[tilespmem:v50+s17+$0x0] =	vst.idx.msk $0xffff, v49  }
0x1d0: {  	v49 =	vor.u32 v30, v41;
	[tilespmem:v63+s17+$0x0] =	vst.idx.msk $0xffff, v62;
	v39 =	vld [tilespmem:s29+$0xFFFFFFE0]  }
0x1d1: {  	v63 =	vor.u32 v6, v47;
	[tilespmem:v57+s17+$0x0] =	vst.idx.msk $0xffff, v56;
	v62 =	vld [tilespmem:s29+$0xFFFFFE60]  }
0x1d2: {  	v33 =	vor.u32 v4, v33;
	[tilespmem:v59+s17+$0x0] =	vst.idx.msk $0xffff, v58  }
0x1d3: {  	v56 =	vld [tilespmem:s29+$0xFFFFFEA0];
	v57 =	vor.u32 v10, v40;
	[tilespmem:v43+s17+$0x0] =	vst.idx.msk $0xffff, v37  }
0x1d4: {  	v58 =	vld [tilespmem:s29+$0xFFFFFEE0];
	v59 =	vor.u32 v14, v42;
	[tilespmem:v61+s17+$0x0] =	vst.idx.msk $0xffff, v60  }
0x1d5: {  	v60 =	vld [tilespmem:s29+$0xFFFFFF20];
	v61 =	vor.u32 v18, v44;
	[tilespmem:v49+s17+$0x0] =	vst.idx.msk $0xffff, v39  }
0x1d6: {  	v37 =	vld [tilespmem:s29+$0xFFFFFF60];
	[tilespmem:v63+s17+$0x0] =	vst.idx.msk $0xffff, v62;
	v62 =	vor.u32 v22, v38  }
0x1d7: {  	[tilespmem:v33+s17+$0x0] =	vst.idx.msk $0xffff, v48;
	v39 =	vor.u32 v31, v41;
	v34 =	vld [tilespmem:s29+$0xFFFFFFF0]  }
0x1d8: {  	[tilespmem:v57+s17+$0x0] =	vst.idx.msk $0xffff, v56;
	v56 =	vld [tilespmem:s29+$0xFFFFFE20];
	v57 =	vor.u32 v2, v45  }
0x1d9: {  	v36 =	vld [tilespmem:s29+$0xFFFFFFA0];
	v63 =	vor.u32 v26, v35;
	[tilespmem:v59+s17+$0x0] =	vst.idx.msk $0xffff, v58  }
0x1da: {  	v58 =	vld [tilespmem:s29+$0xFFFFFE70];
	v59 =	vor.u32 v7, v47;
	[tilespmem:v61+s17+$0x0] =	vst.idx.msk $0xffff, v60  }
0x1db: {  	v60 =	vor.u32 v32, v41;
	v41 =	vld [tilespmem:s29+$0xFFFFFEB0];
	v61 =	vor.u32 v11, v40;
	[tilespmem:v62+s17+$0x0] =	vst.idx.msk $0xffff, v37  }
0x1dc: {  	v37 =	vld [tilespmem:s29+$0xFFFFFEF0];
	v62 =	vor.u32 v15, v42;
	[tilespmem:v39+s17+$0x0] =	vst.idx.msk $0xffff, v34  }
0x1dd: {  	[tilespmem:v57+s17+$0x0] =	vst.idx.msk $0xffff, v56;
	v34 =	vld [tilespmem:s29+$0x0]  }
0x1de: {  	v54 =	vor.u32 v19, v44;
	[tilespmem:v63+s17+$0x0] =	vst.idx.msk $0xffff, v36;
	v63 =	vld [tilespmem:s29+$0xFFFFFF30]  }
0x1df: {  	v56 =	vor.u32 v23, v38;
	[tilespmem:v59+s17+$0x0] =	vst.idx.msk $0xffff, v58;
	v55 =	vld [tilespmem:s29+$0xFFFFFF70]  }
0x1e0: {  	v57 =	vld [tilespmem:s29+$0xFFFFFFB0];
	v58 =	vor.u32 v27, v35;
	[tilespmem:v61+s17+$0x0] =	vst.idx.msk $0xffff, v41  }
0x1e1: {  	v47 =	vor.u32 v8, v47;
	v61 =	vld [tilespmem:s29+$0xFFFFFE80];
	[tilespmem:v62+s17+$0x0] =	vst.idx.msk $0xffff, v37  }
0x1e2: {  	v59 =	vld [tilespmem:s29+$0xFFFFFE30];
	[tilespmem:v60+s17+$0x0] =	vst.idx.msk $0xffff, v34;
	v60 =	vor.u32 v3, v45  }
0x1e3: {  	v40 =	vor.u32 v12, v40;
	v62 =	vld [tilespmem:s29+$0xFFFFFEC0];
	[tilespmem:v54+s17+$0x0] =	vst.idx.msk $0xffff, v63  }
0x1e4: {  	v42 =	vor.u32 v16, v42;
	v63 =	vld [tilespmem:s29+$0xFFFFFF00];
	[tilespmem:v56+s17+$0x0] =	vst.idx.msk $0xffff, v55  }
0x1e5: {  	v49 =	vor.u32 v20, v44;
	v48 =	vld [tilespmem:s29+$0xFFFFFF40];
	[tilespmem:v58+s17+$0x0] =	vst.idx.msk $0xffff, v57  }
0x1e6: {  	v38 =	vor.u32 v24, v38;
	v51 =	vld [tilespmem:s29+$0xFFFFFF80];
	[tilespmem:v47+s17+$0x0] =	vst.idx.msk $0xffff, v61  }
0x1e7: {  	v35 =	vor.u32 v28, v35;
	v52 =	vld [tilespmem:s29+$0xFFFFFFC0];
	[tilespmem:v60+s17+$0x0] =	vst.idx.msk $0xffff, v59  }
0x1e8: {  	v54 =	vor.u32 v4, v45;
	[tilespmem:v40+s17+$0x0] =	vst.idx.msk $0xffff, v62;
	v53 =	vld [tilespmem:s29+$0xFFFFFE40]  }
0x1e9: {  	[tilespmem:v42+s17+$0x0] =	vst.idx.msk $0xffff, v63  }
0x1ea: {  	s28 =	sor.u32 $0x100000, s28;
	[tilespmem:v49+s17+$0x0] =	vst.idx.msk $0xffff, v48  }
0x1eb: {  	s0 =	sor.u32 s6, s28;
	[tilespmem:v38+s17+$0x0] =	vst.idx.msk $0xffff, v51  }
0x1ec: {  	s0 =	sshrl.u32 s0, $0x3;
	[tilespmem:v35+s17+$0x0] =	vst.idx.msk $0xffff, v52  }
0x1ed: {  	s30 =	simm.s32 $0x0;
	s0 =	sadd.s32 s1, s0;
	[tilespmem:v54+s17+$0x0] =	vst.idx.msk $0xffff, v53  }
0x1ee: {  	[hbm4b:s0+s18] =	stream.strided.scatter [tilespmem:s17], [sflag:$0x3], $0x2000, s19, s18, $0x38;
	[tilespmem:$0x1E400] =	vst v63  }
0x1ef: {  	v55 =	vmov s30;
	_ =	swait.ge [sflag:s23], $0x2000  }
0x1f0: {  	v33 =	vshrl.u32 v55, $0x3;
	[sflag:s23] =	ssyncset.done $0x0  }
0x1f1: {  	v33 =	vshll.u32 v33, $0x3;
	s29 =	simm.s32 $0x10400;
	[sflag:s23] =	ssyncadd.s32 $0xFFFFE000  }
0x1f2: {  	v33 =	vbroadcast v33, $0x0;
	v34 =	vld [tilespmem:s29+$0xC0]  }
0x1f3: {  	v35 =	vld [tilespmem:s29+$0x1C0]  }
0x1f4: {  	v57 =	vor.u32 v25, v33;
	v56 =	vld [tilespmem:s29+$0x180]  }
0x1f5: {  	v58 =	vor.u32 v0, v33;
	v59 =	vld [tilespmem:s29+$0x0]  }
0x1f6: {  	v60 =	vor.u32 v21, v33;
	v61 =	vld [tilespmem:s29+$0x140]  }
0x1f7: {  	v62 =	vor.u32 v9, v33;
	v63 =	vld [tilespmem:s29+$0x80]  }
0x1f8: {  	v52 =	vor.u32 v17, v33;
	v53 =	vld [tilespmem:s29+$0x100]  }
0x1f9: {  	v54 =	vor.u32 v5, v33;
	v55 =	vld [tilespmem:s29+$0x40];
	[tilespmem:v57+s20+$0x0] =	vst.idx.msk $0xffff, v56  }
0x1fa: {  	[tilespmem:v58+s20+$0x0] =	vst.idx.msk $0xffff, v59;
	v56 =	vor.u32 v29, v33;
	v36 =	vld [tilespmem:s29+$0x190]  }
0x1fb: {  	v57 =	vor.u32 v13, v33;
	[tilespmem:v60+s20+$0x0] =	vst.idx.msk $0xffff, v61;
	v58 =	vld [tilespmem:s29+$0x10]  }
0x1fc: {  	v59 =	vor.u32 v2, v33;
	[tilespmem:v62+s20+$0x0] =	vst.idx.msk $0xffff, v63;
	v41 =	vld [tilespmem:s29+$0x150]  }
0x1fd: {  	[tilespmem:v52+s20+$0x0] =	vst.idx.msk $0xffff, v53;
	v60 =	vor.u32 v26, v33;
	v42 =	vld [tilespmem:s29+$0x90]  }
0x1fe: {  	[tilespmem:v54+s20+$0x0] =	vst.idx.msk $0xffff, v55;
	v61 =	vor.u32 v22, v33;
	v37 =	vld [tilespmem:s29+$0x110]  }
0x1ff: {  	v62 =	vor.u32 v10, v33;
	v45 =	vld [tilespmem:s29+$0x50];
	[tilespmem:v56+s20+$0x0] =	vst.idx.msk $0xffff, v35  }
0x200: {  	v55 =	vor.u32 v6, v33;
	[tilespmem:v57+s20+$0x0] =	vst.idx.msk $0xffff, v34;
	v63 =	vld [tilespmem:s29+$0x1D0]  }
0x201: {  	v54 =	vor.u32 v30, v33;
	[tilespmem:v59+s20+$0x0] =	vst.idx.msk $0xffff, v58;
	v40 =	vld [tilespmem:s29+$0xD0]  }
0x202: {  	[tilespmem:v60+s20+$0x0] =	vst.idx.msk $0xffff, v36;
	v58 =	vor.u32 v14, v33;
	v56 =	vld [tilespmem:s29+$0x20]  }
0x203: {  	v57 =	vor.u32 v3, v33;
	[tilespmem:v61+s20+$0x0] =	vst.idx.msk $0xffff, v41;
	v59 =	vld [tilespmem:s29+$0x1A0]  }
0x204: {  	[tilespmem:v62+s20+$0x0] =	vst.idx.msk $0xffff, v42;
	v60 =	vor.u32 v23, v33;
	v41 =	vld [tilespmem:s29+$0x160]  }
0x205: {  	v62 =	vor.u32 v27, v33;
	[tilespmem:v55+s20+$0x0] =	vst.idx.msk $0xffff, v45;
	v61 =	vld [tilespmem:s29+$0xA0]  }
0x206: {  	v38 =	vld [tilespmem:s29+$0x60];
	[tilespmem:v54+s20+$0x0] =	vst.idx.msk $0xffff, v63;
	v63 =	vor.u32 v11, v33  }
0x207: {  	v44 =	vor.u32 v18, v33;
	[tilespmem:v58+s20+$0x0] =	vst.idx.msk $0xffff, v40;
	v39 =	vld [tilespmem:s29+$0x1E0]  }
0x208: {  	v46 =	vor.u32 v31, v33;
	[tilespmem:v57+s20+$0x0] =	vst.idx.msk $0xffff, v56;
	v45 =	vld [tilespmem:s29+$0xE0]  }
0x209: {  	v47 =	vor.u32 v15, v33;
	[tilespmem:v60+s20+$0x0] =	vst.idx.msk $0xffff, v41;
	v36 =	vld [tilespmem:s29+$0x30]  }
0x20a: {  	v43 =	vor.u32 v7, v33;
	v42 =	vor.u32 v24, v33;
	[tilespmem:v62+s20+$0x0] =	vst.idx.msk $0xffff, v59;
	v41 =	vld [tilespmem:s29+$0x170]  }
0x20b: {  	s31 =	simm.s32 $0x10600;
	v34 =	vor.u32 v19, v33;
	v35 =	vor.u32 v28, v33;
	v40 =	vld [tilespmem:s29+$0x1B0];
	[tilespmem:v63+s20+$0x0] =	vst.idx.msk $0xffff, v61  }
.LBB2_13:
0x20c: {  	s30 =	sadd.s32 $0x8, s30;
	v48 =	vld [tilespmem:s31+$0xC0];
	[tilespmem:v44+s20+$0x0] =	vst.idx.msk $0xffff, v37  }
0x20d: {  	v37 =	vmov s30;
	p1 =	slt.u32 s30, $0x78;
	v44 =	vld [tilespmem:s29+$0x120];
	[tilespmem:v46+s20+$0x0] =	vst.idx.msk $0xffff, v39  }
0x20e: {  	v37 =	vshrl.u32 v37, $0x3;
	[tilespmem:v47+s20+$0x0] =	vst.idx.msk $0xffff, v45;
	v39 =	vld [tilespmem:s29+$0x1F0];
	v45 =	vor.u32 v32, v33  }
0x20f: {  	v47 =	vor.u32 v16, v33;
	v37 =	vshll.u32 v37, $0x3;
	v46 =	vld [tilespmem:s29+$0xF0];
	[tilespmem:v42+s20+$0x0] =	vst.idx.msk $0xffff, v41  }
0x210: {  	v41 =	vor.u32 v12, v33;
	v42 =	vor.u32 v20, v33;
	v37 =	vbroadcast v37, $0x0;
	[tilespmem:v43+s20+$0x0] =	vst.idx.msk $0xffff, v38;
	v38 =	vld [tilespmem:s29+$0xB0]  }
0x211: {  	v50 =	vor.u32 v8, v33;
	v43 =	vor.u32 v4, v33;
	v49 =	vld [tilespmem:s29+$0x70];
	[tilespmem:v35+s20+$0x0] =	vst.idx.msk $0xffff, v40  }
0x212: {  	v40 =	vor.u32 v0, v37;
	v51 =	vor.u32 v17, v37;
	v52 =	vld [tilespmem:s31+$0x1C0];
	[tilespmem:v34+s20+$0x0] =	vst.idx.msk $0xffff, v44;
	v33 =	vmov v37  }
0x213: {  	v37 =	vor.u32 v5, v33;
	v44 =	vor.u32 v9, v33;
	v53 =	vld [tilespmem:s29+$0x130];
	[tilespmem:v45+s20+$0x0] =	vst.idx.msk $0xffff, v39;
	s29 =	smov.u32 s31  }
0x214: {  	v39 =	vor.u32 v21, v33;
	v54 =	vor.u32 v25, v33;
	v45 =	vld [tilespmem:s31+$0x180];
	[tilespmem:v47+s20+$0x0] =	vst.idx.msk $0xffff, v46  }
0x215: {  	v34 =	vor.u32 v19, v33;
	v47 =	vor.u32 v13, v33;
	v46 =	vld [tilespmem:s31+$0x0];
	[tilespmem:v41+s20+$0x0] =	vst.idx.msk $0xffff, v38  }
0x216: {  	v35 =	vor.u32 v28, v33;
	v38 =	vld [tilespmem:s31+$0x140];
	[tilespmem:v50+s20+$0x0] =	vst.idx.msk $0xffff, v49  }
0x217: {  	v41 =	vld [tilespmem:s31+$0x80];
	[tilespmem:v43+s20+$0x0] =	vst.idx.msk $0xffff, v36  }
0x218: {  	v36 =	vld [tilespmem:s31+$0x100];
	[tilespmem:v42+s20+$0x0] =	vst.idx.msk $0xffff, v53  }
0x219: {  	v42 =	vld [tilespmem:s31+$0x40];
	[tilespmem:v54+s20+$0x0] =	vst.idx.msk $0xffff, v45  }
0x21a: {  	v43 =	vor.u32 v29, v33;
	[tilespmem:v40+s20+$0x0] =	vst.idx.msk $0xffff, v46;
	v40 =	vld [tilespmem:s31+$0x190]  }
0x21b: {  	v45 =	vld [tilespmem:s31+$0x10];
	[tilespmem:v39+s20+$0x0] =	vst.idx.msk $0xffff, v38  }
0x21c: {  	v38 =	vor.u32 v2, v33;
	[tilespmem:v44+s20+$0x0] =	vst.idx.msk $0xffff, v41;
	v39 =	vld [tilespmem:s31+$0x150]  }
0x21d: {  	v41 =	vld [tilespmem:s31+$0x90];
	[tilespmem:v51+s20+$0x0] =	vst.idx.msk $0xffff, v36;
	v36 =	vor.u32 v26, v33  }
0x21e: {  	[tilespmem:v37+s20+$0x0] =	vst.idx.msk $0xffff, v42;
	v37 =	vld [tilespmem:s31+$0x110];
	v42 =	vor.u32 v22, v33  }
0x21f: {  	v46 =	vor.u32 v10, v33;
	v44 =	vld [tilespmem:s31+$0x50];
	[tilespmem:v43+s20+$0x0] =	vst.idx.msk $0xffff, v52  }
0x220: {  	[tilespmem:v47+s20+$0x0] =	vst.idx.msk $0xffff, v48;
	v43 =	vld [tilespmem:s31+$0x1D0];
	v47 =	vor.u32 v30, v33  }
0x221: {  	[tilespmem:v38+s20+$0x0] =	vst.idx.msk $0xffff, v45;
	v38 =	vor.u32 v6, v33;
	v45 =	vld [tilespmem:s31+$0xD0]  }
0x222: {  	v49 =	vor.u32 v3, v33;
	v48 =	vld [tilespmem:s31+$0x20];
	[tilespmem:v36+s20+$0x0] =	vst.idx.msk $0xffff, v40  }
0x223: {  	v40 =	vor.u32 v14, v33;
	[tilespmem:v42+s20+$0x0] =	vst.idx.msk $0xffff, v39;
	v50 =	vld [tilespmem:s31+$0x1A0]  }
0x224: {  	v42 =	vor.u32 v23, v33;
	[tilespmem:v46+s20+$0x0] =	vst.idx.msk $0xffff, v41;
	v41 =	vld [tilespmem:s31+$0x160]  }
0x225: {  	v52 =	vor.u32 v27, v33;
	v51 =	vld [tilespmem:s31+$0xA0];
	[tilespmem:v47+s20+$0x0] =	vst.idx.msk $0xffff, v43  }
0x226: {  	v53 =	vor.u32 v11, v33;
	[tilespmem:v38+s20+$0x0] =	vst.idx.msk $0xffff, v44;
	v44 =	vor.u32 v18, v33;
	v39 =	vld [tilespmem:s31+$0x1E0]  }
.Ltmp7:
0x227: {  	[tilespmem:v49+s20+$0x0] =	vst.idx.msk $0xffff, v48;
	v38 =	vld [tilespmem:s31+$0x60];
	(pc) =	sbr.rel @p1 .LBB2_13-.Ltmp7, $4  }
0x228: {  	v46 =	vor.u32 v31, v33;
	v36 =	vld [tilespmem:s31+$0x30];
	[tilespmem:v40+s20+$0x0] =	vst.idx.msk $0xffff, v45  }
0x229: {  	v47 =	vor.u32 v15, v33;
	v45 =	vld [tilespmem:s31+$0xE0];
	[tilespmem:v42+s20+$0x0] =	vst.idx.msk $0xffff, v41  }
0x22a: {  	v42 =	vor.u32 v24, v33;
	v41 =	vld [tilespmem:s31+$0x170];
	[tilespmem:v52+s20+$0x0] =	vst.idx.msk $0xffff, v50  }
0x22b: {  	v43 =	vor.u32 v7, v33;
	s31 =	sadd.s32 $0x200, s31;
	[tilespmem:v53+s20+$0x0] =	vst.idx.msk $0xffff, v51;
	v40 =	vld [tilespmem:s29+$0x1B0]  }
0x22c: {  	_ =	sdelay $0x3  }
0x22d: {  	[tilespmem:v44+s20+$0x0] =	vst.idx.msk $0xffff, v37  }
0x22e: {  	[tilespmem:v46+s20+$0x0] =	vst.idx.msk $0xffff, v39;
	v37 =	vld [tilespmem:s29+$0x120]  }
0x22f: {  	[tilespmem:v43+s20+$0x0] =	vst.idx.msk $0xffff, v38;
	v60 =	vld [tilespmem:s29+$0xB0];
	v61 =	vor.u32 v12, v33  }
0x230: {  	v58 =	vor.u32 v32, v33;
	v39 =	vld [tilespmem:s29+$0x1F0];
	[tilespmem:v47+s20+$0x0] =	vst.idx.msk $0xffff, v45  }
0x231: {  	v63 =	vor.u32 v8, v33;
	v62 =	vld [tilespmem:s29+$0x70];
	[tilespmem:v42+s20+$0x0] =	vst.idx.msk $0xffff, v41  }
0x232: {  	v47 =	vor.u32 v4, v33;
	[tilespmem:v35+s20+$0x0] =	vst.idx.msk $0xffff, v40  }
0x233: {  	v59 =	vor.u32 v16, v33;
	v45 =	vld [tilespmem:s29+$0xF0];
	[tilespmem:v34+s20+$0x0] =	vst.idx.msk $0xffff, v37  }
0x234: {  	v48 =	vor.u32 v20, v33;
	[tilespmem:v61+s20+$0x0] =	vst.idx.msk $0xffff, v60;
	v34 =	vld [tilespmem:s29+$0x130]  }
0x235: {  	[tilespmem:v58+s20+$0x0] =	vst.idx.msk $0xffff, v39  }
0x236: {  	[tilespmem:v63+s20+$0x0] =	vst.idx.msk $0xffff, v62  }
0x237: {  	s0 =	sor.u32 s7, s28;
	[tilespmem:v47+s20+$0x0] =	vst.idx.msk $0xffff, v36  }
0x238: {  	s0 =	sshrl.u32 s0, $0x3;
	[tilespmem:v59+s20+$0x0] =	vst.idx.msk $0xffff, v45  }
0x239: {  	s30 =	simm.s32 $0x0;
	s0 =	sadd.s32 s1, s0;
	[tilespmem:v48+s20+$0x0] =	vst.idx.msk $0xffff, v34  }
0x23a: {  	[hbm4b:s0+s18] =	stream.strided.scatter [tilespmem:s20], [sflag:$0x3], $0x2000, s19, s18, $0x38;
	[tilespmem:$0x1E400] =	vst v63  }
0x23b: {  	v49 =	vmov s30;
	_ =	swait.ge [sflag:s23], $0x2000  }
0x23c: {  	v33 =	vshrl.u32 v49, $0x3;
	[sflag:s23] =	ssyncset.done $0x0  }
0x23d: {  	v33 =	vshll.u32 v33, $0x3;
	s29 =	simm.s32 $0x12400;
	[sflag:s23] =	ssyncadd.s32 $0xFFFFE000  }
0x23e: {  	v33 =	vbroadcast v33, $0x0;
	v34 =	vld [tilespmem:s29+$0xC0]  }
0x23f: {  	v35 =	vld [tilespmem:s29+$0x1C0]  }
0x240: {  	v51 =	vor.u32 v25, v33;
	v50 =	vld [tilespmem:s29+$0x180]  }
0x241: {  	v52 =	vor.u32 v0, v33;
	v53 =	vld [tilespmem:s29+$0x0]  }
0x242: {  	v54 =	vor.u32 v21, v33;
	v55 =	vld [tilespmem:s29+$0x140]  }
0x243: {  	v56 =	vor.u32 v9, v33;
	v57 =	vld [tilespmem:s29+$0x80]  }
0x244: {  	v58 =	vor.u32 v17, v33;
	v59 =	vld [tilespmem:s29+$0x100]  }
0x245: {  	v60 =	vor.u32 v5, v33;
	v61 =	vld [tilespmem:s29+$0x40];
	[tilespmem:v51+s21+$0x0] =	vst.idx.msk $0xffff, v50  }
0x246: {  	v62 =	vor.u32 v29, v33;
	[tilespmem:v52+s21+$0x0] =	vst.idx.msk $0xffff, v53;
	v36 =	vld [tilespmem:s29+$0x190]  }
0x247: {  	v63 =	vor.u32 v13, v33;
	[tilespmem:v54+s21+$0x0] =	vst.idx.msk $0xffff, v55;
	v48 =	vld [tilespmem:s29+$0x10]  }
0x248: {  	v51 =	vor.u32 v2, v33;
	[tilespmem:v56+s21+$0x0] =	vst.idx.msk $0xffff, v57;
	v41 =	vld [tilespmem:s29+$0x150]  }
0x249: {  	[tilespmem:v58+s21+$0x0] =	vst.idx.msk $0xffff, v59;
	v52 =	vor.u32 v26, v33;
	v42 =	vld [tilespmem:s29+$0x90]  }
0x24a: {  	[tilespmem:v60+s21+$0x0] =	vst.idx.msk $0xffff, v61;
	v53 =	vor.u32 v22, v33;
	v37 =	vld [tilespmem:s29+$0x110]  }
0x24b: {  	v55 =	vor.u32 v10, v33;
	[tilespmem:v62+s21+$0x0] =	vst.idx.msk $0xffff, v35;
	v54 =	vld [tilespmem:s29+$0x50]  }
0x24c: {  	[tilespmem:v63+s21+$0x0] =	vst.idx.msk $0xffff, v34;
	v57 =	vor.u32 v30, v33;
	v56 =	vld [tilespmem:s29+$0x1D0]  }
0x24d: {  	v58 =	vor.u32 v6, v33;
	v59 =	vld [tilespmem:s29+$0xD0];
	[tilespmem:v51+s21+$0x0] =	vst.idx.msk $0xffff, v48  }
0x24e: {  	v62 =	vor.u32 v14, v33;
	[tilespmem:v52+s21+$0x0] =	vst.idx.msk $0xffff, v36;
	v60 =	vld [tilespmem:s29+$0x20]  }
0x24f: {  	v61 =	vor.u32 v3, v33;
	[tilespmem:v53+s21+$0x0] =	vst.idx.msk $0xffff, v41;
	v49 =	vld [tilespmem:s29+$0x1A0]  }
0x250: {  	v63 =	vor.u32 v23, v33;
	[tilespmem:v55+s21+$0x0] =	vst.idx.msk $0xffff, v42;
	v41 =	vld [tilespmem:s29+$0x160]  }
0x251: {  	v51 =	vor.u32 v27, v33;
	[tilespmem:v57+s21+$0x0] =	vst.idx.msk $0xffff, v56;
	v50 =	vld [tilespmem:s29+$0xA0]  }
0x252: {  	[tilespmem:v58+s21+$0x0] =	vst.idx.msk $0xffff, v54;
	v52 =	vor.u32 v11, v33;
	v39 =	vld [tilespmem:s29+$0x1E0]  }
0x253: {  	v44 =	vor.u32 v18, v33;
	[tilespmem:v62+s21+$0x0] =	vst.idx.msk $0xffff, v59;
	v38 =	vld [tilespmem:s29+$0x60]  }
0x254: {  	v46 =	vor.u32 v31, v33;
	v45 =	vld [tilespmem:s29+$0xE0];
	[tilespmem:v61+s21+$0x0] =	vst.idx.msk $0xffff, v60  }
0x255: {  	v47 =	vor.u32 v15, v33;
	[tilespmem:v63+s21+$0x0] =	vst.idx.msk $0xffff, v41;
	v36 =	vld [tilespmem:s29+$0x30]  }
0x256: {  	v43 =	vor.u32 v7, v33;
	v42 =	vor.u32 v24, v33;
	[tilespmem:v51+s21+$0x0] =	vst.idx.msk $0xffff, v49;
	v41 =	vld [tilespmem:s29+$0x170]  }
0x257: {  	s31 =	simm.s32 $0x12600;
	v34 =	vor.u32 v19, v33;
	v35 =	vor.u32 v28, v33;
	[tilespmem:v52+s21+$0x0] =	vst.idx.msk $0xffff, v50;
	v40 =	vld [tilespmem:s29+$0x1B0]  }
.LBB2_15:
0x258: {  	s30 =	sadd.s32 $0x8, s30;
	v48 =	vld [tilespmem:s31+$0xC0];
	[tilespmem:v44+s21+$0x0] =	vst.idx.msk $0xffff, v37  }
0x259: {  	v37 =	vmov s30;
	p1 =	slt.u32 s30, $0x78;
	v44 =	vld [tilespmem:s29+$0x120];
	[tilespmem:v46+s21+$0x0] =	vst.idx.msk $0xffff, v39  }
0x25a: {  	v37 =	vshrl.u32 v37, $0x3;
	[tilespmem:v47+s21+$0x0] =	vst.idx.msk $0xffff, v45;
	v39 =	vld [tilespmem:s29+$0x1F0];
	v45 =	vor.u32 v32, v33  }
0x25b: {  	v47 =	vor.u32 v16, v33;
	v37 =	vshll.u32 v37, $0x3;
	v46 =	vld [tilespmem:s29+$0xF0];
	[tilespmem:v42+s21+$0x0] =	vst.idx.msk $0xffff, v41  }
0x25c: {  	v41 =	vor.u32 v12, v33;
	v42 =	vor.u32 v20, v33;
	v37 =	vbroadcast v37, $0x0;
	[tilespmem:v43+s21+$0x0] =	vst.idx.msk $0xffff, v38;
	v38 =	vld [tilespmem:s29+$0xB0]  }
0x25d: {  	v50 =	vor.u32 v8, v33;
	v43 =	vor.u32 v4, v33;
	v49 =	vld [tilespmem:s29+$0x70];
	[tilespmem:v35+s21+$0x0] =	vst.idx.msk $0xffff, v40  }
0x25e: {  	v40 =	vor.u32 v0, v37;
	v51 =	vor.u32 v17, v37;
	v52 =	vld [tilespmem:s31+$0x1C0];
	[tilespmem:v34+s21+$0x0] =	vst.idx.msk $0xffff, v44;
	v33 =	vmov v37  }
0x25f: {  	v37 =	vor.u32 v5, v33;
	v44 =	vor.u32 v9, v33;
	v53 =	vld [tilespmem:s29+$0x130];
	[tilespmem:v45+s21+$0x0] =	vst.idx.msk $0xffff, v39;
	s29 =	smov.u32 s31  }
0x260: {  	v39 =	vor.u32 v21, v33;
	v54 =	vor.u32 v25, v33;
	v45 =	vld [tilespmem:s31+$0x180];
	[tilespmem:v47+s21+$0x0] =	vst.idx.msk $0xffff, v46  }
0x261: {  	v34 =	vor.u32 v19, v33;
	v47 =	vor.u32 v13, v33;
	v46 =	vld [tilespmem:s31+$0x0];
	[tilespmem:v41+s21+$0x0] =	vst.idx.msk $0xffff, v38  }
0x262: {  	v35 =	vor.u32 v28, v33;
	v38 =	vld [tilespmem:s31+$0x140];
	[tilespmem:v50+s21+$0x0] =	vst.idx.msk $0xffff, v49  }
0x263: {  	v41 =	vld [tilespmem:s31+$0x80];
	[tilespmem:v43+s21+$0x0] =	vst.idx.msk $0xffff, v36  }
0x264: {  	v36 =	vld [tilespmem:s31+$0x100];
	[tilespmem:v42+s21+$0x0] =	vst.idx.msk $0xffff, v53  }
0x265: {  	v42 =	vld [tilespmem:s31+$0x40];
	[tilespmem:v54+s21+$0x0] =	vst.idx.msk $0xffff, v45  }
0x266: {  	v43 =	vor.u32 v29, v33;
	[tilespmem:v40+s21+$0x0] =	vst.idx.msk $0xffff, v46;
	v40 =	vld [tilespmem:s31+$0x190]  }
0x267: {  	v45 =	vld [tilespmem:s31+$0x10];
	[tilespmem:v39+s21+$0x0] =	vst.idx.msk $0xffff, v38  }
0x268: {  	v38 =	vor.u32 v2, v33;
	[tilespmem:v44+s21+$0x0] =	vst.idx.msk $0xffff, v41;
	v39 =	vld [tilespmem:s31+$0x150]  }
0x269: {  	v41 =	vld [tilespmem:s31+$0x90];
	[tilespmem:v51+s21+$0x0] =	vst.idx.msk $0xffff, v36;
	v36 =	vor.u32 v26, v33  }
0x26a: {  	[tilespmem:v37+s21+$0x0] =	vst.idx.msk $0xffff, v42;
	v37 =	vld [tilespmem:s31+$0x110];
	v42 =	vor.u32 v22, v33  }
0x26b: {  	v46 =	vor.u32 v10, v33;
	v44 =	vld [tilespmem:s31+$0x50];
	[tilespmem:v43+s21+$0x0] =	vst.idx.msk $0xffff, v52  }
0x26c: {  	[tilespmem:v47+s21+$0x0] =	vst.idx.msk $0xffff, v48;
	v43 =	vld [tilespmem:s31+$0x1D0];
	v47 =	vor.u32 v30, v33  }
0x26d: {  	[tilespmem:v38+s21+$0x0] =	vst.idx.msk $0xffff, v45;
	v38 =	vor.u32 v6, v33;
	v45 =	vld [tilespmem:s31+$0xD0]  }
0x26e: {  	v49 =	vor.u32 v3, v33;
	v48 =	vld [tilespmem:s31+$0x20];
	[tilespmem:v36+s21+$0x0] =	vst.idx.msk $0xffff, v40  }
0x26f: {  	v40 =	vor.u32 v14, v33;
	[tilespmem:v42+s21+$0x0] =	vst.idx.msk $0xffff, v39;
	v50 =	vld [tilespmem:s31+$0x1A0]  }
0x270: {  	v42 =	vor.u32 v23, v33;
	[tilespmem:v46+s21+$0x0] =	vst.idx.msk $0xffff, v41;
	v41 =	vld [tilespmem:s31+$0x160]  }
0x271: {  	v52 =	vor.u32 v27, v33;
	v51 =	vld [tilespmem:s31+$0xA0];
	[tilespmem:v47+s21+$0x0] =	vst.idx.msk $0xffff, v43  }
0x272: {  	v53 =	vor.u32 v11, v33;
	[tilespmem:v38+s21+$0x0] =	vst.idx.msk $0xffff, v44;
	v44 =	vor.u32 v18, v33;
	v39 =	vld [tilespmem:s31+$0x1E0]  }
.Ltmp8:
0x273: {  	[tilespmem:v49+s21+$0x0] =	vst.idx.msk $0xffff, v48;
	v38 =	vld [tilespmem:s31+$0x60];
	(pc) =	sbr.rel @p1 .LBB2_15-.Ltmp8, $4  }
0x274: {  	v46 =	vor.u32 v31, v33;
	v36 =	vld [tilespmem:s31+$0x30];
	[tilespmem:v40+s21+$0x0] =	vst.idx.msk $0xffff, v45  }
0x275: {  	v47 =	vor.u32 v15, v33;
	v45 =	vld [tilespmem:s31+$0xE0];
	[tilespmem:v42+s21+$0x0] =	vst.idx.msk $0xffff, v41  }
0x276: {  	v42 =	vor.u32 v24, v33;
	v41 =	vld [tilespmem:s31+$0x170];
	[tilespmem:v52+s21+$0x0] =	vst.idx.msk $0xffff, v50  }
0x277: {  	v43 =	vor.u32 v7, v33;
	s31 =	sadd.s32 $0x200, s31;
	[tilespmem:v53+s21+$0x0] =	vst.idx.msk $0xffff, v51;
	v40 =	vld [tilespmem:s29+$0x1B0]  }
0x278: {  	_ =	sdelay $0x3  }
0x279: {  	[tilespmem:v44+s21+$0x0] =	vst.idx.msk $0xffff, v37  }
0x27a: {  	[tilespmem:v46+s21+$0x0] =	vst.idx.msk $0xffff, v39;
	v37 =	vld [tilespmem:s29+$0x120]  }
0x27b: {  	[tilespmem:v43+s21+$0x0] =	vst.idx.msk $0xffff, v38;
	v60 =	vld [tilespmem:s29+$0xB0];
	v61 =	vor.u32 v12, v33  }
0x27c: {  	v58 =	vor.u32 v32, v33;
	v39 =	vld [tilespmem:s29+$0x1F0];
	[tilespmem:v47+s21+$0x0] =	vst.idx.msk $0xffff, v45  }
0x27d: {  	v63 =	vor.u32 v8, v33;
	v62 =	vld [tilespmem:s29+$0x70];
	[tilespmem:v42+s21+$0x0] =	vst.idx.msk $0xffff, v41  }
0x27e: {  	v47 =	vor.u32 v4, v33;
	[tilespmem:v35+s21+$0x0] =	vst.idx.msk $0xffff, v40  }
0x27f: {  	v59 =	vor.u32 v16, v33;
	v45 =	vld [tilespmem:s29+$0xF0];
	[tilespmem:v34+s21+$0x0] =	vst.idx.msk $0xffff, v37  }
0x280: {  	v48 =	vor.u32 v20, v33;
	[tilespmem:v61+s21+$0x0] =	vst.idx.msk $0xffff, v60;
	v34 =	vld [tilespmem:s29+$0x130]  }
0x281: {  	[tilespmem:v58+s21+$0x0] =	vst.idx.msk $0xffff, v39  }
0x282: {  	[tilespmem:v63+s21+$0x0] =	vst.idx.msk $0xffff, v62  }
0x283: {  	s0 =	sor.u32 s8, s28;
	[tilespmem:v47+s21+$0x0] =	vst.idx.msk $0xffff, v36  }
0x284: {  	s0 =	sshrl.u32 s0, $0x3;
	[tilespmem:v59+s21+$0x0] =	vst.idx.msk $0xffff, v45  }
0x285: {  	s30 =	simm.s32 $0x0;
	s0 =	sadd.s32 s1, s0;
	[tilespmem:v48+s21+$0x0] =	vst.idx.msk $0xffff, v34  }
0x286: {  	[hbm4b:s0+s18] =	stream.strided.scatter [tilespmem:s21], [sflag:$0x3], $0x2000, s19, s18, $0x38;
	[tilespmem:$0x1E400] =	vst v63  }
0x287: {  	v49 =	vmov s30;
	_ =	swait.ge [sflag:s23], $0x2000  }
0x288: {  	v33 =	vshrl.u32 v49, $0x3;
	[sflag:s23] =	ssyncset.done $0x0  }
0x289: {  	v33 =	vshll.u32 v33, $0x3;
	s29 =	simm.s32 $0x14400;
	[sflag:s23] =	ssyncadd.s32 $0xFFFFE000  }
0x28a: {  	v33 =	vbroadcast v33, $0x0;
	v34 =	vld [tilespmem:s29+$0xC0]  }
0x28b: {  	v35 =	vld [tilespmem:s29+$0x1C0]  }
0x28c: {  	v51 =	vor.u32 v25, v33;
	v50 =	vld [tilespmem:s29+$0x180]  }
0x28d: {  	v52 =	vor.u32 v0, v33;
	v53 =	vld [tilespmem:s29+$0x0]  }
0x28e: {  	v54 =	vor.u32 v21, v33;
	v55 =	vld [tilespmem:s29+$0x140]  }
0x28f: {  	v56 =	vor.u32 v9, v33;
	v57 =	vld [tilespmem:s29+$0x80]  }
0x290: {  	v58 =	vor.u32 v17, v33;
	v59 =	vld [tilespmem:s29+$0x100]  }
0x291: {  	v60 =	vor.u32 v5, v33;
	v61 =	vld [tilespmem:s29+$0x40];
	[tilespmem:v51+s22+$0x0] =	vst.idx.msk $0xffff, v50  }
0x292: {  	v62 =	vor.u32 v29, v33;
	[tilespmem:v52+s22+$0x0] =	vst.idx.msk $0xffff, v53;
	v36 =	vld [tilespmem:s29+$0x190]  }
0x293: {  	v63 =	vor.u32 v13, v33;
	[tilespmem:v54+s22+$0x0] =	vst.idx.msk $0xffff, v55;
	v48 =	vld [tilespmem:s29+$0x10]  }
0x294: {  	v51 =	vor.u32 v2, v33;
	[tilespmem:v56+s22+$0x0] =	vst.idx.msk $0xffff, v57;
	v41 =	vld [tilespmem:s29+$0x150]  }
0x295: {  	[tilespmem:v58+s22+$0x0] =	vst.idx.msk $0xffff, v59;
	v52 =	vor.u32 v26, v33;
	v42 =	vld [tilespmem:s29+$0x90]  }
0x296: {  	[tilespmem:v60+s22+$0x0] =	vst.idx.msk $0xffff, v61;
	v53 =	vor.u32 v22, v33;
	v37 =	vld [tilespmem:s29+$0x110]  }
0x297: {  	v55 =	vor.u32 v10, v33;
	[tilespmem:v62+s22+$0x0] =	vst.idx.msk $0xffff, v35;
	v54 =	vld [tilespmem:s29+$0x50]  }
0x298: {  	[tilespmem:v63+s22+$0x0] =	vst.idx.msk $0xffff, v34;
	v57 =	vor.u32 v30, v33;
	v56 =	vld [tilespmem:s29+$0x1D0]  }
0x299: {  	v58 =	vor.u32 v6, v33;
	v59 =	vld [tilespmem:s29+$0xD0];
	[tilespmem:v51+s22+$0x0] =	vst.idx.msk $0xffff, v48  }
0x29a: {  	v62 =	vor.u32 v14, v33;
	[tilespmem:v52+s22+$0x0] =	vst.idx.msk $0xffff, v36;
	v60 =	vld [tilespmem:s29+$0x20]  }
0x29b: {  	v61 =	vor.u32 v3, v33;
	[tilespmem:v53+s22+$0x0] =	vst.idx.msk $0xffff, v41;
	v49 =	vld [tilespmem:s29+$0x1A0]  }
0x29c: {  	v63 =	vor.u32 v23, v33;
	[tilespmem:v55+s22+$0x0] =	vst.idx.msk $0xffff, v42;
	v41 =	vld [tilespmem:s29+$0x160]  }
0x29d: {  	v51 =	vor.u32 v27, v33;
	[tilespmem:v57+s22+$0x0] =	vst.idx.msk $0xffff, v56;
	v50 =	vld [tilespmem:s29+$0xA0]  }
0x29e: {  	[tilespmem:v58+s22+$0x0] =	vst.idx.msk $0xffff, v54;
	v52 =	vor.u32 v11, v33;
	v39 =	vld [tilespmem:s29+$0x1E0]  }
0x29f: {  	v44 =	vor.u32 v18, v33;
	[tilespmem:v62+s22+$0x0] =	vst.idx.msk $0xffff, v59;
	v38 =	vld [tilespmem:s29+$0x60]  }
0x2a0: {  	v46 =	vor.u32 v31, v33;
	v45 =	vld [tilespmem:s29+$0xE0];
	[tilespmem:v61+s22+$0x0] =	vst.idx.msk $0xffff, v60  }
0x2a1: {  	v47 =	vor.u32 v15, v33;
	[tilespmem:v63+s22+$0x0] =	vst.idx.msk $0xffff, v41;
	v36 =	vld [tilespmem:s29+$0x30]  }
0x2a2: {  	v43 =	vor.u32 v7, v33;
	v42 =	vor.u32 v24, v33;
	[tilespmem:v51+s22+$0x0] =	vst.idx.msk $0xffff, v49;
	v41 =	vld [tilespmem:s29+$0x170]  }
0x2a3: {  	s31 =	simm.s32 $0x14600;
	v34 =	vor.u32 v19, v33;
	v35 =	vor.u32 v28, v33;
	[tilespmem:v52+s22+$0x0] =	vst.idx.msk $0xffff, v50;
	v40 =	vld [tilespmem:s29+$0x1B0]  }
.LBB2_17:
0x2a4: {  	s30 =	sadd.s32 $0x8, s30;
	v48 =	vld [tilespmem:s31+$0xC0];
	[tilespmem:v44+s22+$0x0] =	vst.idx.msk $0xffff, v37  }
0x2a5: {  	v37 =	vmov s30;
	p1 =	slt.u32 s30, $0x78;
	v44 =	vld [tilespmem:s29+$0x120];
	[tilespmem:v46+s22+$0x0] =	vst.idx.msk $0xffff, v39  }
0x2a6: {  	v37 =	vshrl.u32 v37, $0x3;
	[tilespmem:v47+s22+$0x0] =	vst.idx.msk $0xffff, v45;
	v39 =	vld [tilespmem:s29+$0x1F0];
	v45 =	vor.u32 v32, v33  }
0x2a7: {  	v47 =	vor.u32 v16, v33;
	v37 =	vshll.u32 v37, $0x3;
	v46 =	vld [tilespmem:s29+$0xF0];
	[tilespmem:v42+s22+$0x0] =	vst.idx.msk $0xffff, v41  }
0x2a8: {  	v41 =	vor.u32 v12, v33;
	v42 =	vor.u32 v20, v33;
	v37 =	vbroadcast v37, $0x0;
	[tilespmem:v43+s22+$0x0] =	vst.idx.msk $0xffff, v38;
	v38 =	vld [tilespmem:s29+$0xB0]  }
0x2a9: {  	v50 =	vor.u32 v8, v33;
	v43 =	vor.u32 v4, v33;
	v49 =	vld [tilespmem:s29+$0x70];
	[tilespmem:v35+s22+$0x0] =	vst.idx.msk $0xffff, v40  }
0x2aa: {  	v40 =	vor.u32 v0, v37;
	v51 =	vor.u32 v17, v37;
	v52 =	vld [tilespmem:s31+$0x1C0];
	[tilespmem:v34+s22+$0x0] =	vst.idx.msk $0xffff, v44;
	v33 =	vmov v37  }
0x2ab: {  	v37 =	vor.u32 v5, v33;
	v44 =	vor.u32 v9, v33;
	v53 =	vld [tilespmem:s29+$0x130];
	[tilespmem:v45+s22+$0x0] =	vst.idx.msk $0xffff, v39;
	s29 =	smov.u32 s31  }
0x2ac: {  	v39 =	vor.u32 v21, v33;
	v54 =	vor.u32 v25, v33;
	v45 =	vld [tilespmem:s31+$0x180];
	[tilespmem:v47+s22+$0x0] =	vst.idx.msk $0xffff, v46  }
0x2ad: {  	v34 =	vor.u32 v19, v33;
	v47 =	vor.u32 v13, v33;
	v46 =	vld [tilespmem:s31+$0x0];
	[tilespmem:v41+s22+$0x0] =	vst.idx.msk $0xffff, v38  }
0x2ae: {  	v35 =	vor.u32 v28, v33;
	v38 =	vld [tilespmem:s31+$0x140];
	[tilespmem:v50+s22+$0x0] =	vst.idx.msk $0xffff, v49  }
0x2af: {  	v41 =	vld [tilespmem:s31+$0x80];
	[tilespmem:v43+s22+$0x0] =	vst.idx.msk $0xffff, v36  }
0x2b0: {  	v36 =	vld [tilespmem:s31+$0x100];
	[tilespmem:v42+s22+$0x0] =	vst.idx.msk $0xffff, v53  }
0x2b1: {  	v42 =	vld [tilespmem:s31+$0x40];
	[tilespmem:v54+s22+$0x0] =	vst.idx.msk $0xffff, v45  }
0x2b2: {  	v43 =	vor.u32 v29, v33;
	[tilespmem:v40+s22+$0x0] =	vst.idx.msk $0xffff, v46;
	v40 =	vld [tilespmem:s31+$0x190]  }
0x2b3: {  	v45 =	vld [tilespmem:s31+$0x10];
	[tilespmem:v39+s22+$0x0] =	vst.idx.msk $0xffff, v38  }
0x2b4: {  	v38 =	vor.u32 v2, v33;
	[tilespmem:v44+s22+$0x0] =	vst.idx.msk $0xffff, v41;
	v39 =	vld [tilespmem:s31+$0x150]  }
0x2b5: {  	v41 =	vld [tilespmem:s31+$0x90];
	[tilespmem:v51+s22+$0x0] =	vst.idx.msk $0xffff, v36;
	v36 =	vor.u32 v26, v33  }
0x2b6: {  	[tilespmem:v37+s22+$0x0] =	vst.idx.msk $0xffff, v42;
	v37 =	vld [tilespmem:s31+$0x110];
	v42 =	vor.u32 v22, v33  }
0x2b7: {  	v46 =	vor.u32 v10, v33;
	v44 =	vld [tilespmem:s31+$0x50];
	[tilespmem:v43+s22+$0x0] =	vst.idx.msk $0xffff, v52  }
0x2b8: {  	[tilespmem:v47+s22+$0x0] =	vst.idx.msk $0xffff, v48;
	v43 =	vld [tilespmem:s31+$0x1D0];
	v47 =	vor.u32 v30, v33  }
0x2b9: {  	[tilespmem:v38+s22+$0x0] =	vst.idx.msk $0xffff, v45;
	v38 =	vor.u32 v6, v33;
	v45 =	vld [tilespmem:s31+$0xD0]  }
0x2ba: {  	v49 =	vor.u32 v3, v33;
	v48 =	vld [tilespmem:s31+$0x20];
	[tilespmem:v36+s22+$0x0] =	vst.idx.msk $0xffff, v40  }
0x2bb: {  	v40 =	vor.u32 v14, v33;
	[tilespmem:v42+s22+$0x0] =	vst.idx.msk $0xffff, v39;
	v50 =	vld [tilespmem:s31+$0x1A0]  }
0x2bc: {  	v42 =	vor.u32 v23, v33;
	[tilespmem:v46+s22+$0x0] =	vst.idx.msk $0xffff, v41;
	v41 =	vld [tilespmem:s31+$0x160]  }
0x2bd: {  	v52 =	vor.u32 v27, v33;
	v51 =	vld [tilespmem:s31+$0xA0];
	[tilespmem:v47+s22+$0x0] =	vst.idx.msk $0xffff, v43  }
0x2be: {  	v53 =	vor.u32 v11, v33;
	[tilespmem:v38+s22+$0x0] =	vst.idx.msk $0xffff, v44;
	v44 =	vor.u32 v18, v33;
	v39 =	vld [tilespmem:s31+$0x1E0]  }
.Ltmp9:
0x2bf: {  	[tilespmem:v49+s22+$0x0] =	vst.idx.msk $0xffff, v48;
	v38 =	vld [tilespmem:s31+$0x60];
	(pc) =	sbr.rel @p1 .LBB2_17-.Ltmp9, $4  }
0x2c0: {  	v46 =	vor.u32 v31, v33;
	v36 =	vld [tilespmem:s31+$0x30];
	[tilespmem:v40+s22+$0x0] =	vst.idx.msk $0xffff, v45  }
0x2c1: {  	v47 =	vor.u32 v15, v33;
	v45 =	vld [tilespmem:s31+$0xE0];
	[tilespmem:v42+s22+$0x0] =	vst.idx.msk $0xffff, v41  }
0x2c2: {  	v42 =	vor.u32 v24, v33;
	v41 =	vld [tilespmem:s31+$0x170];
	[tilespmem:v52+s22+$0x0] =	vst.idx.msk $0xffff, v50  }
0x2c3: {  	v43 =	vor.u32 v7, v33;
	s31 =	sadd.s32 $0x200, s31;
	[tilespmem:v53+s22+$0x0] =	vst.idx.msk $0xffff, v51;
	v40 =	vld [tilespmem:s29+$0x1B0]  }
0x2c4: {  	_ =	sdelay $0x3  }
0x2c5: {  	[tilespmem:v44+s22+$0x0] =	vst.idx.msk $0xffff, v37  }
0x2c6: {  	[tilespmem:v46+s22+$0x0] =	vst.idx.msk $0xffff, v39;
	v37 =	vld [tilespmem:s29+$0x120]  }
0x2c7: {  	[tilespmem:v43+s22+$0x0] =	vst.idx.msk $0xffff, v38;
	v58 =	vld [tilespmem:s29+$0xB0];
	v59 =	vor.u32 v12, v33  }
0x2c8: {  	v62 =	vor.u32 v4, v33;
	[tilespmem:v47+s22+$0x0] =	vst.idx.msk $0xffff, v45  }
0x2c9: {  	v56 =	vor.u32 v32, v33;
	v39 =	vld [tilespmem:s29+$0x1F0];
	[tilespmem:v42+s22+$0x0] =	vst.idx.msk $0xffff, v41  }
0x2ca: {  	v61 =	vor.u32 v8, v33;
	v60 =	vld [tilespmem:s29+$0x70];
	[tilespmem:v35+s22+$0x0] =	vst.idx.msk $0xffff, v40  }
0x2cb: {  	v57 =	vor.u32 v16, v33;
	v45 =	vld [tilespmem:s29+$0xF0];
	[tilespmem:v34+s22+$0x0] =	vst.idx.msk $0xffff, v37  }
0x2cc: {  	v63 =	vor.u32 v20, v33;
	[tilespmem:v59+s22+$0x0] =	vst.idx.msk $0xffff, v58;
	v34 =	vld [tilespmem:s29+$0x130]  }
0x2cd: {  	[tilespmem:v62+s22+$0x0] =	vst.idx.msk $0xffff, v36  }
.Ltmp10:
0x2ce: {  	[tilespmem:v56+s22+$0x0] =	vst.idx.msk $0xffff, v39;
	(pc) =	sbr.rel @p0 .LBB2_20-.Ltmp10, $4  }
0x2cf: {  	s0 =	sor.u32 s9, s28;
	[tilespmem:v61+s22+$0x0] =	vst.idx.msk $0xffff, v60  }
0x2d0: {  	s0 =	sshrl.u32 s0, $0x3;
	[tilespmem:v57+s22+$0x0] =	vst.idx.msk $0xffff, v45  }
0x2d1: {  	s0 =	sadd.s32 s1, s0;
	[tilespmem:v63+s22+$0x0] =	vst.idx.msk $0xffff, v34  }
0x2d2: {  	[hbm4b:s0+s18] =	stream.strided.scatter [tilespmem:s22], [sflag:$0x3], $0x2000, s19, s18, $0x38;
	[tilespmem:$0x1E400] =	vst v63  }
.Ltmp11:
0x2d3: {  	(pc) =	sbr.rel .LBB2_2-.Ltmp11, $4  }
0x2d4: {  	_ = 	snop  }
0x2d5: {  	s0 =	sshrl.u32 s26, $0x2  }
0x2d6: {  	s25 =	sadd.s32 $0x1, s25;
	s0 =	sadd.s32 $0x600, s0  }
0x2d7: {  	[tilespmem:s15], [sflag:$0x2] =	stream.indirect.gather [hbm4b:s4+s11], $0x40, s0, s11, $0xb8;
	[tilespmem:$0x1E400] =	vst v63  }
.LBB2_21:
0x2d8: {  	_ =	sfence.sel $0x180000  }
0x2d9: {  	[bflag:$0x0] =	sbarrier.arrive $0xFFFF  }
0x2da: {  	_ =	strace $0x9000004A  }
0x2db: {  	[bflag:$0x2] =	sbarrier.arrive $0xFFFF  }
0x2dc: {  	p0 =	sne.s32 s2, $0x0;
	s0 =	rddreg [dreg:$0x2]  }
0x2dd: {  	s0 =	sadd.s32 @!p0 $0x100000, s0  }
0x2de: {  	[sflag:s0] =	ssyncadd.tile.s32 @!p0 $0x1;
	_ =	shalt  }
.Lfunc_end2:
_tile_overlayer_lowered:
.L_overlay_start_2:
0x2df: {  	(tag) =	ssettag $0x2  }
0x2e0: {  	s0 =	rddreg [dreg:$0x0];
	s2 =	stileid.u32  }
0x2e1: {  	s1 =	rddreg [dreg:$0x1];
	p0 =	sne.s32 s2, $0x0  }
0x2e2: {  	s3 =	rddreg [dreg:$0x2];
	[bflag:$0x3] =	sbarrier.arrive $0xFFFF;
	s2 =	simm.s32 @!p0 $0x1C04  }
0x2e3: {  	[timem:s3], [sflag:s2] =	dma.local @!p0 [hbm:s0], s1  }
0x2e4: {  	s0 =	simm.s32 @!p0 $0x4  }
0x2e5: {  	_ =	swait.ge @!p0 [sflag:s0], s1  }
0x2e6: {  	s1 =	ssub.s32 @!p0 $0x0, s1;
	[sflag:s0] =	ssyncset.done @!p0 $0x0  }
0x2e7: {  	[sflag:s0] =	ssyncadd.s32 @!p0 s1  }
0x2e8: {  	[bflag:$0x3] =	sbarrier.arrive $0xFFFF  }
0x2e9: {  	_ =	shalt  }

// kernel: sparse-core-data-format-call.cloned.1.call-start
scs
called_computation_lowered:
.L_overlay_start_0:
0x0: {  	s2 =	sld [smem:$0x3FD9]  }
0x1: {  	s3 =	sld [smem:$0x3FFE];
	_ =	sdelay $0x1  }
0x2: {  	s1 =	srdreg.scid  }
0x3: {  	s0 =	sand.u32 $0x1, s1  }
0x4: {  	s18 =	sshll.u32 s0, $0xA;
	s2 =	sadd.s32 s3, s2  }
0x5: {  	s2 =	sadd.s32 s2, s18  }
0x6: {  	[smem:$0x3FC6] =	sst s2  }
0x7: {  	_ = 	snop  }
0x8: {  	s2 =	sld [smem:$0x3FC8];
	(tm) =	ssettm $0x1  }
0x9: {  	s19 =	sld [smem:$0x3FFB];
	_ =	sdelay $0x3  }
0xa: {  	_ =	strace s19  }
0xb: {  	s3 =	sld [smem:$0x3FFC];
	_ =	sdelay $0x3  }
0xc: {  	_ =	strace s3  }
0xd: {  	s3 =	sld [smem:$0x3FFD];
	_ =	sdelay $0x3  }
0xe: {  	_ =	strace s3  }
0xf: {  	_ =	strace $0x8FFFFFFF  }
0x10: {  	s20 =	sld [smem:$0x3FDB];
	_ =	sdelay $0x1  }
0x11: {  	s4 =	simm.s32 $_scs_section_size  }
0x12: {  	s5 =	simm.s32 $_size__tile_overlayer_lowered;
	s6 =	simm.s32 $_tile_overlayer_lowered  }
0x13: {  	s23 =	simm.s32 $0x1BFF;
	s22 =	sshll.u32 s6, $0x1;
	s3 =	sadd.s32 s4, s20  }
0x14: {  	s7 =	simm.s32 $0x0;
	s21 =	sshll.u32 s5, $0x1;
	s5 =	sadd.s32 s22, s3  }
0x15: {  	[timem:s7], [sflag:s23] =	dma.local [hbm:s5], s21  }
0x16: {  	_ =	swait.ge [sflag:s23], s21  }
0x17: {  	s4 =	ssub.s32 $0x0, s21;
	[sflag:s23] =	ssyncset.done $0x0  }
0x18: {  	[sflag:s23] =	ssyncadd.s32 s4;
	_ =	sdelay $0x1  }
0x19: {  	s24 =	simm.s32 $0x1B8B  }
0x1a: {  	_ =	swait.ge [sflag:s24], $0x1  }
0x1b: {  	[sflag:s24] =	ssyncset.done $0x0  }
0x1c: {  	s26 =	simm.s32 $0x1B8E;
	s25 =	sld [smem:$0x3FFE];
	[sflag:s24] =	ssyncadd.s32 $0xFFFFFFFF  }
0x1d: {  	s27 =	simm.s32 $execute0_lowered;
	[smem:$0x3FD2] =	sst s26  }
0x1e: {  	s5 =	sshll.u32 s27, $0x1;
	_ =	strace $0x80000046;
	[dreg:$0x1] =	wrdreg $0xFFFFFFFF  }
0x1f: {  	s28 =	simm.s32 $_size_execute0_lowered;
	s3 =	sadd.s32 s3, s5;
	[dreg:$0x0] =	wrdreg $0x0  }
0x20: {  	s5 =	sshll.u32 s28, $0x1;
	[dreg:$0x2] =	wrdreg s3  }
0x21: {  	[dreg:$0x3] =	wrdreg s5  }
0x22: {  	[dreg:$0x4] =	wrdreg $0xC0  }
0x23: {  	_ =	task [dreg:s7], $0x5FFFF  }
0x24: {  	[dreg:$0x1] =	wrdreg $0xFFFFFFFF  }
0x25: {  	[dreg:$0x0] =	wrdreg $0x60  }
0x26: {  	[dreg:$0x2] =	wrdreg s2  }
0x27: {  	[dreg:$0x3] =	wrdreg s25  }
0x28: {  	[dreg:$0x4] =	wrdreg $0x9  }
0x29: {  	_ =	task.clear_ibuf [dreg:s7], $0x5FFFF;
	_ =	strace $0x90000046  }
0x2a: {  	s29 =	simm.s32 $0x9;
	_ =	strace $0x80000048  }
0x2b: {  	_ =	swait.ge [sflag:s29], $0x1  }
0x2c: {  	[sflag:s29] =	ssyncadd.s32 $0xFFFFFFFF  }
0x2d: {  	_ =	strace $0x90000048  }
0x2e: {  	_ =	sfence  }
0x2f: {  	s30 =	sld [smem:$0x0];
	_ =	sdelay $0x2  }
0x30: {  	s31 =	sshll.u32 s1, $0xD;
	s1 =	sshrl.u32 s1, $0x2  }
0x31: {  	s3 =	sand.u32 $0x4000, s31;
	s1 =	sadd.s32 s1, s30  }
0x32: {  	s0 =	sor.u32 s3, s0;
	s1 =	sshll.u32 s1, $0x11  }
0x33: {  	s0 =	sor.u32 s1, s0  }
0x34: {  	s0 =	sadd.s32 $0x8F2B, s0  }
0x35: {  	[sflag:s0] =	ssyncadd.remote.s32 $0x1  }
0x36: {  	_ =	sfence.sel $0xFFFF  }
0x37: {  	[dreg:$0x0] =	wrdreg $0xFFFFFFFF;
	(pc) =	sbr.abs _section_cstart, $3  }
0x38: {  	[dreg:$0x1] =	wrdreg $0xFFFFFFFF  }
0x39: {  	_ =	task.clear_ibuf [dreg:s7], $0x2FFFF;
	_ =	strace $0x9FFFFFFF  }
0x3a: {  	(tm) =	ssettm $0x7FFFFFFF  }
0x3b: {  	_ =	shalt  }
tec
execute0_lowered:
.L_overlay_start_1:
0x0: {  	(tag) =	ssettag $0x1  }
0x1: {  	s0 =	srdreg.scid;
	s2 =	rddreg [dreg:$0x0]  }
0x2: {  	s5 =	rddreg [dreg:$0x1];
	s1 =	stileid.u32  }
0x3: {  	s4 =	simm.s32 $0x1;
	s6 =	simm.s32 $0x2;
	s15 =	simm.s32 $0x0  }
0x4: {  	p0 =	por $0x0, $0x0;
	s8 =	simm.s32 $0x80;
	s0 =	sshll.u32 s0, $0x4  }
0x5: {  	s14 =	simm.s32 $0x0;
	s9 =	simm.s32 $0x0;
	s3 =	sand.u32 $0x10, s0  }
.Ltmp0:
0x6: {  	s10 =	simm.s32 $0x0;
	s3 =	sor.u32 s1, s3;
	(pc) =	sbr.rel .LBB1_1-.Ltmp0, $4  }
0x7: {  	s0 =	rddreg [dreg:$0x2];
	_ =	strace $0x80000047;
	s3 =	sshll.u32 s3, $0x7  }
0x8: {  	s12 =	simm.s32 $0x0;
	[sflag:s4] =	ssyncpa.u1 $0x0;
	s7 =	ssub.s32 $0xF4200, s3  }
0x9: {  	s13 =	simm.s32 $0x0;
	[sflag:s6] =	ssyncpa.u1 $0x0;
	s6 =	sshrl.u32 s7, $0xC  }
0xa: {  	s5 =	sadd.s32 $0xA00, s5;
	s11 =	smov.u32 s3;
	s7 =	sadd.s32 $0x2, s6  }
.LBB1_5:
0xb: {  	p1 =	slt.u32 s13, $0x2  }
0xc: {  	s17 =	smov.u32 s15;
	p2 =	sgt.s32 @!p1 s15, $0xF41C0;
	s16 =	sshra.s32 @!p1 s15, $0x1F  }
0xd: {  	p3 =	sgt.s32 @!p1 s14, $0x40;
	s18 =	sshra.s32 @!p1 s14, $0x1F;
	p2 =	por !p2, p1  }
0xe: {  	s15 =	sand.u32 @!p1 s16, s15;
	p3 =	por !p3, p1;
	s16 =	smov.u32 s14  }
0xf: {  	s14 =	sand.u32 @!p1 s18, s14;
	s17 =	simm.s32 @p2 $0xF41C0;
	s16 =	simm.s32 @p3 $0x40  }
0x10: {  	s15 =	ssub.s32 @!p1 s17, s15;
	s14 =	ssub.s32 @!p1 s16, s14  }
0x11: {  	s18 =	smov.u32 s12;
	s16 =	sadd.s32 @!p1 $0xFFF0BE40, s15;
	s17 =	sadd.s32 @!p1 $0xFFFFFFC0, s14  }
0x12: {  	s15 =	ssub.s32 @!p1 $0xF4240, s15;
	p2 =	sgt.s32 @!p1 s16, $0x7F;
	p3 =	sgt.s32 @!p1 s17, $0x3F  }
0x13: {  	s14 =	ssub.s32 @!p1 $0x80, s14;
	p2 =	por !p2, p1;
	p3 =	por !p3, p1  }
0x14: {  	s16 =	sadd.s32 $0x1000, s11;
	s15 =	simm.s32 @!p2 $0x0;
	s14 =	simm.s32 @!p3 $0x0  }
0x15: {  	p2 =	sgt.s32 s16, $0xF423F;
	s14 =	smul.u32 @!p1 s14, s15;
	s15 =	sadd.s32 $0x40, s12  }
0x16: {  	s18 =	smov.u32 @p2 s15  }
0x17: {  	s16 =	smov.u32 @p2 s3;
	p2 =	sgt.s32 s18, $0x3F  }
0x18: {  	s18 =	simm.s32 @p2 $0x0;
	p2 =	sne.s32 s13, s7  }
.Ltmp1:
0x19: {  	p0 =	por !p0, !p0;
	s17 =	simm.s32 @!p1 $0x2;
	(pc) =	sbr.rel @!p2 .LBB1_6-.Ltmp1, $4  }
0x1a: {  	s15 =	smov.u32 s9;
	s9 =	smov.u32 s11;
	s14 =	sand.u32 @!p1 $0x3FFFFFFF, s14  }
0x1b: {  	s11 =	smov.u32 s16;
	_ =	swait.ge @!p1 [sflag:s17], s14;
	s19 =	ssub.s32 @!p1 $0x0, s14  }
0x1c: {  	s14 =	smov.u32 s10;
	s13 =	sadd.s32 $0x1, s13;
	[sflag:s17] =	ssyncset.done @!p1 $0x0  }
0x1d: {  	s10 =	smov.u32 s12;
	s12 =	smov.u32 s18;
	[sflag:s17] =	ssyncadd.s32 @!p1 s19  }
.LBB1_1:
0x1e: {  	p1 =	sgt.u32 s13, s6  }
0x1f: {  	s16 =	sshrl.u32 @!p1 s12, $0x3  }
0x20: {  	s17 =	sshll.u32 @!p1 s11, $0x3;
	s16 =	smul.u32 @!p1 $0x7A1400, s16  }
0x21: {  	s18 =	sshll.u32 @!p1 s12, $0x7;
	s17 =	sand.u32 @!p1 $0xFFFFFC00, s17  }
0x22: {  	s16 =	sadd.s32 @!p1 s16, s17;
	s17 =	sand.u32 @!p1 $0x380, s18  }
0x23: {  	s18 =	sand.u32 @!p1 $0x7F, s11;
	s16 =	sor.u32 @!p1 s17, s16  }
0x24: {  	s17 =	sor.u32 @!p1 s18, s16  }
0x25: {  	s18 =	smulhi.u32 @!p1 $0x218D6287, s17;
	_ =	sdelay $0x1  }
0x26: {  	s16 =	smulhi.u32 @!p1 $0x218D6287, s16;
	s18 =	sshrl.u32 @!p1 s18, $0x11  }
0x27: {  	s18 =	smul.u32 @!p1 $0xF4280, s18  }
0x28: {  	s19 =	sxor.u32 @!p1 $0xFFFFFFFF, s13;
	s16 =	sshrl.u32 @!p1 s16, $0x11  }
0x29: {  	s19 =	sshll.u32 @!p1 s19, $0xD;
	s16 =	sand.u32 @!p1 $0x3F, s16;
	s17 =	ssub.s32 @!p1 s17, s18  }
0x2a: {  	s16 =	smul.u32 @!p1 $0x1E850, s16;
	s18 =	sshrl.u32 @!p1 s17, $0x3;
	s17 =	sand.u32 @!p1 $0x7, s17  }
0x2b: {  	s19 =	sand.u32 @!p1 $0x2000, s19;
	s18 =	sadd.s32 @!p1 s2, s18;
	s17 =	sshll.u32 @!p1 s17, $0x12  }
0x2c: {  	s16 =	sadd.s32 @!p1 s16, s18;
	s17 =	sor.u32 @!p1 $0x400, s17;
	s18 =	simm.s32 @!p1 $0x7A1400  }
0x2d: {  	[tilespmem:s19], [sflag:$0x1] =	stream.strided.gather @!p1 [hbm4b:s16+s17], $0x2000, s18, s17, $0x38;
	[tilespmem:$0x8100] =	vst v63  }
0x2e: {  	p1 =	seq.s32 s13, $0x0  }
0x2f: {  	p2 =	sge.u32 @!p1 s13, s7  }
0x30: {  	p1 =	por p1, p2  }
.Ltmp2:
0x31: {  	_ = 	snop;
	(pc) =	sbr.rel @p1 .LBB1_5-.Ltmp2, $1  }
0x32: {  	_ =	sdelay $0x3  }
0x33: {  	s16 =	simm.s32 $0x1  }
0x34: {  	_ =	swait.ge [sflag:s4], $0x2000;
	s16 =	simm.s32 @!p0 $0x0  }
0x35: {  	[sflag:s4] =	ssyncset.done $0x0;
	s17 =	sshll.u32 s16, $0xD  }
0x36: {  	[sflag:s4] =	ssyncadd.s32 $0xFFFFE000;
	s17 =	sor.u32 $0x40, s17  }
0x37: {  	s16 =	smul.u32 $0x8200, s16;
	v0 =	vld [tilespmem:s17+$0x30]  }
0x38: {  	v1 =	vld [tilespmem:s17+$0xFFFFFFD0]  }
0x39: {  	s16 =	sshrl.u32 s16, $0x2;
	v5 =	vld [tilespmem:s17+$0xFFFFFFE0]  }
0x3a: {  	v6 =	vld [tilespmem:s17+$0xFFFFFFF0];
	s19 =	sor.u32 $0x4000, s16  }
0x3b: {  	s31 =	sand.u32 $0x1, s13;
	v4 =	vld [tilespmem:s17+$0x0];
	s18 =	sadd.s32 $0x0, s19  }
0x3c: {  	v3 =	vld [tilespmem:s17+$0x10];
	s16 =	smul.u32 $0x8200, s31;
	[tilespmem:s18+$0x1C70 ss:$0x41] =	vst.msk $0xffff, v0  }
0x3d: {  	v2 =	vld [tilespmem:s17+$0x20];
	[tilespmem:s18+$0x410 ss:$0x41] =	vst.msk $0xffff, v1  }
0x3e: {  	s16 =	sshrl.u32 s16, $0x2;
	v1 =	vld [tilespmem:s17+$0xFFFFFFC0];
	[tilespmem:s18+$0x820 ss:$0x41] =	vst.msk $0xffff, v5;
	s17 =	sadd.s32 $0x80, s17  }
0x3f: {  	s20 =	simm.s32 $0x4;
	s21 =	simm.s32 $0x8;
	s16 =	sor.u32 $0x4000, s16;
	[tilespmem:s18+$0xC30 ss:$0x41] =	vst.msk $0xffff, v6;
	v0 =	vld [tilespmem:s17+$0x30]  }
.LBB1_3:
0x40: {  	p1 =	sne.s32 s21, $0xFC;
	v5 =	vld [tilespmem:s17+$0xFFFFFFD0];
	[tilespmem:s18+$0x1040 ss:$0x41] =	vst.msk $0xffff, v4  }
0x41: {  	v6 =	vld [tilespmem:s17+$0xFFFFFFE0];
	[tilespmem:s18+$0x1450 ss:$0x41] =	vst.msk $0xffff, v3  }
0x42: {  	s22 =	sshra.s32 s20, $0x2;
	s20 =	smov.u32 s21;
	v7 =	vld [tilespmem:s17+$0xFFFFFFF0];
	[tilespmem:s18+$0x1860 ss:$0x41] =	vst.msk $0xffff, v2  }
.Ltmp3:
0x43: {  	v4 =	vld [tilespmem:s17+$0x0];
	[tilespmem:s18+$0x0 ss:$0x41] =	vst.msk $0xffff, v1;
	s18 =	sadd.s32 s22, s19;
	(pc) =	sbr.rel @p1 .LBB1_3-.Ltmp3, $4  }
0x44: {  	v3 =	vld [tilespmem:s17+$0x10];
	[tilespmem:s18+$0x1C70 ss:$0x41] =	vst.msk $0xffff, v0  }
0x45: {  	[tilespmem:s18+$0x410 ss:$0x41] =	vst.msk $0xffff, v5;
	v2 =	vld [tilespmem:s17+$0x20]  }
0x46: {  	v1 =	vld [tilespmem:s17+$0xFFFFFFC0];
	[tilespmem:s18+$0x820 ss:$0x41] =	vst.msk $0xffff, v6;
	s17 =	sadd.s32 $0x80, s17  }
0x47: {  	s21 =	sadd.s32 $0x4, s21;
	v0 =	vld [tilespmem:s17+$0x30];
	[tilespmem:s18+$0xC30 ss:$0x41] =	vst.msk $0xffff, v7  }
0x48: {  	s21 =	sshll.u32 s9, $0x7;
	s22 =	sshll.u32 s10, $0x3;
	s20 =	sshra.s32 s20, $0x2  }
0x49: {  	p1 =	sgt.s32 s9, $0xF41C0;
	s30 =	sshra.s32 s9, $0x1F;
	s25 =	sshra.s32 s10, $0x1F  }
0x4a: {  	v5 =	vld [tilespmem:s17+$0xFFFFFFD0];
	s28 =	sshrl.u32 s10, $0x3;
	s23 =	sand.u32 $0xFFFFFC00, s21;
	s22 =	sand.u32 $0xFFFFFC00, s22  }
0x4b: {  	[tilespmem:s18+$0x1040 ss:$0x41] =	vst.msk $0xffff, v4;
	v58 =	vld [tilespmem:s17+$0xFFFFFFE0];
	s21 =	sand.u32 $0x380, s21;
	s19 =	sadd.s32 s20, s19;
	s22 =	sadd.s32 s22, s23  }
0x4c: {  	v59 =	vld [tilespmem:s17+$0xFFFFFFF0];
	[tilespmem:s18+$0x1450 ss:$0x41] =	vst.msk $0xffff, v3;
	s29 =	sor.u32 s21, s22;
	s21 =	smov.u32 s9;
	s22 =	sand.u32 s30, s9  }
0x4d: {  	v60 =	vld [tilespmem:s17+$0x0];
	[tilespmem:s18+$0x1860 ss:$0x41] =	vst.msk $0xffff, v2;
	s30 =	sand.u32 $0x7, s10;
	s20 =	sshrl.u32 s29, $0x7;
	s21 =	simm.s32 @!p1 $0xF41C0  }
0x4e: {  	v61 =	vld [tilespmem:s17+$0x10];
	[tilespmem:s18+$0x0 ss:$0x41] =	vst.msk $0xffff, v1;
	p1 =	sgt.s32 s10, $0x40;
	s24 =	ssub.s32 s21, s22;
	s21 =	smov.u32 s10  }
0x4f: {  	v62 =	vld [tilespmem:s17+$0x20];
	[tilespmem:s19+$0x1C70 ss:$0x41] =	vst.msk $0xffff, v0;
	s31 =	smulhi.u32 $0x218DEF5, s20;
	s22 =	sand.u32 s25, s10;
	s21 =	simm.s32 @!p1 $0x40  }
0x50: {  	v63 =	vld [tilespmem:s17+$0xFFFFFFC0];
	[tilespmem:s19+$0x410 ss:$0x41] =	vst.msk $0xffff, v5;
	s26 =	sadd.s32 $0xFFF0BE40, s24;
	s17 =	ssub.s32 $0xF4240, s24;
	s21 =	ssub.s32 s21, s22  }
0x51: {  	[tilespmem:s19+$0x820 ss:$0x41] =	vst.msk $0xffff, v58;
	s23 =	sshrl.u32 s31, $0xD;
	p1 =	sgt.s32 s26, $0x7F;
	s27 =	sadd.s32 $0xFFFFFFC0, s21  }
0x52: {  	[tilespmem:s19+$0xC30 ss:$0x41] =	vst.msk $0xffff, v59;
	s23 =	smul.u32 $0xF4240, s23;
	s18 =	ssub.s32 $0x80, s21;
	p2 =	sgt.s32 s27, $0x3F  }
.Ltmp4:
0x53: {  	[tilespmem:s19+$0x1040 ss:$0x41] =	vst.msk $0xffff, v60;
	s17 =	simm.s32 @p1 $0x0;
	s18 =	simm.s32 @p2 $0x0;
	(pc) =	sbr.rel .LBB1_5-.Ltmp4, $4  }
0x54: {  	s29 =	sand.u32 $0xF, s28;
	[tilespmem:s19+$0x1450 ss:$0x41] =	vst.msk $0xffff, v61;
	s20 =	ssub.s32 s20, s23;
	s17 =	smul.u32 s18, s17  }
0x55: {  	[tilespmem:s19+$0x1860 ss:$0x41] =	vst.msk $0xffff, v62;
	s21 =	sshll.u32 s30, $0x12;
	s20 =	sshll.u32 s20, $0x4;
	s18 =	sadd.s32 s5, s29  }
0x56: {  	[tilespmem:s19+$0x0 ss:$0x41] =	vst.msk $0xffff, v63;
	s31 =	sor.u32 $0x40, s21;
	s18 =	sadd.s32 s20, s18;
	s17 =	sand.u32 $0x3FFFFFFF, s17  }
0x57: {  	[hbm4b:s18+s31] =	stream.strided.scatter [tilespmem:s16], [sflag:$0x2], s17, s8, s31, $0x18;
	[tilespmem:$0x8100] =	vst v63  }
.LBB1_6:
0x58: {  	_ =	sfence.sel $0x180000  }
0x59: {  	s2 =	simm.s32 $0x1;
	[bflag:$0x0] =	sbarrier.arrive $0xFFFF  }
0x5a: {  	s31 =	simm.s32 $0x2;
	[sflag:s2] =	ssyncpa.u1 $0x1  }
0x5b: {  	[sflag:s31] =	ssyncpa.u1 $0x1  }
0x5c: {  	p0 =	sne.s32 s1, $0x0;
	_ =	strace $0x90000047  }
0x5d: {  	s0 =	sadd.s32 @!p0 $0x100000, s0;
	[bflag:$0x2] =	sbarrier.arrive $0xFFFF  }
0x5e: {  	[sflag:s0] =	ssyncadd.tile.s32 @!p0 $0x1;
	_ =	shalt  }
.Lfunc_end1:
_tile_overlayer_lowered:
.L_overlay_start_2:
0x5f: {  	(tag) =	ssettag $0x2  }
0x60: {  	s0 =	rddreg [dreg:$0x0];
	s2 =	stileid.u32  }
0x61: {  	s1 =	rddreg [dreg:$0x1];
	p0 =	sne.s32 s2, $0x0  }
0x62: {  	s3 =	rddreg [dreg:$0x2];
	[bflag:$0x3] =	sbarrier.arrive $0xFFFF;
	s2 =	simm.s32 @!p0 $0x1C01  }
0x63: {  	[timem:s3], [sflag:s2] =	dma.local @!p0 [hbm:s0], s1  }
0x64: {  	s0 =	simm.s32 @!p0 $0x1  }
0x65: {  	_ =	swait.ge @!p0 [sflag:s0], s1  }
0x66: {  	s1 =	ssub.s32 @!p0 $0x0, s1;
	[sflag:s0] =	ssyncset.done @!p0 $0x0  }
0x67: {  	[sflag:s0] =	ssyncadd.s32 @!p0 s1  }
0x68: {  	[bflag:$0x3] =	sbarrier.arrive $0xFFFF  }
0x69: {  	_ =	shalt  }

</sc_bundles>
